<compile_context>
chip_gen: v7x
topology: tpu7x:2x2x1
jax: 0.10.2.dev20260603
libtpu: 0.0.44.dev20260713+nightly
codegen_flags: <defaults>
</compile_context>

<pallas_src>
import functools

import jax
import jax.numpy as jnp
from jax import lax
from jax.experimental import pallas as pl
from jax.experimental.pallas import tpu as pltpu
from jax.experimental.pallas import tpu_sc as plsc

N = 10000
E = 320000
D = 128
BN_EPS = 1e-5

NC = 2
NS = 16
NPH = 2
NR = NPH * NC
CHUNK = 120
CH = 172
EPT = CHUNK * CH
EP = EPT * NS

RSZ = 2800
ACC_R = 2816
RPT = ACC_R // NS
WBR = 16

BLK = 400
GRID = N // BLK
SPLIT = RSZ // BLK


def _mesh():
    return plsc.VectorSubcoreMesh(
        core_axis_name="c", subcore_axis_name="s", num_cores=NC, num_subcores=NS
    )


@functools.partial(
    pl.kernel,
    out_type=jax.ShapeDtypeStruct((NR, ACC_R, D), jnp.float32),
    mesh=_mesh(),
    scratch_types=[
        pltpu.VMEM((CH, CHUNK), jnp.int32),
        pltpu.VMEM((CH, CHUNK), jnp.int32),
        pltpu.VMEM((CHUNK, D), jnp.float32),
        pltpu.VMEM((CHUNK, D), jnp.float32),
        pltpu.VMEM((WBR, D), jnp.float32),
        pltpu.VMEM((WBR, D), jnp.float32),
        pltpu.VMEM_SHARED((ACC_R, D), jnp.float32),
        pltpu.VMEM((16,), jnp.int32),
        pltpu.SemaphoreType.DMA,
        pltpu.SemaphoreType.DMA,
    ],
)
def _sc_agg(g_hbm, src_hbm, dstB_hbm, flag_hbm, out_hbm, sidx, didx, r0, r1,
            zb, wb, acc, flg, gs0, gs1):
    c = lax.axis_index("c")
    s = lax.axis_index("s")
    base = s * RPT

    zv = jnp.zeros((16,), jnp.float32)
    ov = jnp.ones((16,), jnp.float32)

    def fill_z(i, carry):
        for k in range(D // 16):
            zb[i, pl.ds(k * 16, 16)] = zv
        return carry

    lax.fori_loop(0, WBR, fill_z, 0)
    pltpu.sync_copy(src_hbm.at[s], sidx)
    pltpu.sync_copy(flag_hbm, flg)
    isdeg = flg[...][0] == 1

    @pl.when(isdeg)
    def _():
        def fill_o(i, carry):
            for k in range(D // 16):
                r0[i, pl.ds(k * 16, 16)] = ov
            return carry

        lax.fori_loop(0, CHUNK, fill_o, 0)

    @pl.when(jnp.logical_not(isdeg))
    def _():
        pltpu.async_copy(g_hbm.at[sidx.at[0]], r0, gs0)
        pltpu.async_copy(g_hbm.at[sidx.at[1]], r1, gs1)

    def pair(t, carry):
        j0 = t * 2
        j1 = j0 + 1
        jn0 = jnp.where(j0 + 2 < CH, j0 + 2, j0 + 2 - CH)
        jn1 = jnp.where(j1 + 2 < CH, j1 + 2, j1 + 2 - CH)
        pltpu.make_async_copy(g_hbm.at[sidx.at[j0]], r0, gs0).wait()
        pltpu.sync_copy(r0, acc.at[didx.at[j0]], add=True)
        pltpu.async_copy(g_hbm.at[sidx.at[jn0]], r0, gs0)
        pltpu.make_async_copy(g_hbm.at[sidx.at[j1]], r1, gs1).wait()
        pltpu.sync_copy(r1, acc.at[didx.at[j1]], add=True)
        pltpu.async_copy(g_hbm.at[sidx.at[jn1]], r1, gs1)
        return carry

    def pair_deg(t, carry):
        j0 = t * 2
        j1 = j0 + 1
        pltpu.sync_copy(r0, acc.at[didx.at[j0]], add=True)
        pltpu.sync_copy(r0, acc.at[didx.at[j1]], add=True)
        return carry

    for p in range(NPH):
        rng = 2 * p + c
        pltpu.sync_copy(dstB_hbm.at[rng].at[s], didx)
        for w in range(RPT // WBR):
            pltpu.sync_copy(zb, acc.at[pl.ds(base + w * WBR, WBR)])
        plsc.subcore_barrier()

        @pl.when(isdeg)
        def _():
            lax.fori_loop(0, CH // 2, pair_deg, 0)

        @pl.when(jnp.logical_not(isdeg))
        def _():
            lax.fori_loop(0, CH // 2, pair, 0)

        plsc.subcore_barrier()

        for w in range(RPT // WBR):
            pltpu.sync_copy(acc.at[pl.ds(base + w * WBR, WBR)], wb)
            pltpu.sync_copy(wb, out_hbm.at[rng].at[pl.ds(base + w * WBR, WBR)])
        plsc.subcore_barrier()

    @pl.when(jnp.logical_not(isdeg))
    def _():
        pltpu.make_async_copy(g_hbm.at[sidx.at[0]], r0, gs0).wait()
        pltpu.make_async_copy(g_hbm.at[sidx.at[1]], r1, gs1).wait()


def _remap_body(d_ref, *o_refs):
    v = d_ref[...]
    for r, o_ref in enumerate(o_refs):
        lo = r * RSZ
        local = v - lo
        m = (v >= lo) & (v < lo + RSZ)
        o_ref[...] = jnp.where(m, local, RSZ)


def _remap(dstR):
    spec = pl.BlockSpec((1, CH, CHUNK), lambda i: (i, 0, 0))
    out = jax.ShapeDtypeStruct((NS, CH, CHUNK), jnp.int32)
    return pl.pallas_call(
        _remap_body, grid=(NS,), in_specs=[spec],
        out_specs=(spec,) * NR, out_shape=(out,) * NR,
    )(dstR)


def _tc_step_body(p_ref, pd_ref, x_ref, w_ref, a_ref, c_ref, bl_ref, f_ref,
                  u_ref, o_ref):
    u = u_ref[...]
    f = f_ref[...]
    us = u_ref[0:1, 0:1]
    dcol = us * p_ref[0][:, 0:1] + (1.0 - us) * pd_ref[0][:, 0:1]
    dinv = lax.rsqrt(dcol)
    sd = p_ref[0] * dinv
    t = u * x_ref[...] + (1.0 - u) * jnp.maximum(sd * a_ref[...] + c_ref[...], 0.0)
    g = jnp.dot(t, w_ref[...], preferred_element_type=jnp.float32,
                precision=lax.Precision.HIGHEST) * dinv
    o_ref[...] = f * (sd + bl_ref[...]) + (1.0 - f) * g


_ROW = pl.BlockSpec((BLK, D), lambda i: (i, 0))
_PART = pl.BlockSpec((1, BLK, D), lambda i: (i // SPLIT, i - SPLIT * (i // SPLIT), 0))
_PDEG = pl.BlockSpec((1, BLK, 16), lambda i: (i // SPLIT, i - SPLIT * (i // SPLIT), 0))
_WMAT = pl.BlockSpec((D, D), lambda i: (0, 0))
_VEC = pl.BlockSpec((1, D), lambda i: (0, 0))
_OUT = jax.ShapeDtypeStruct((N, D), jnp.float32)


def _tc_step(p, pdeg, x, w, a, c, bl, f, u):
    return pl.pallas_call(
        _tc_step_body, grid=(GRID,),
        in_specs=[_PART, _PDEG, _ROW, _WMAT, _VEC, _VEC, _VEC, _VEC, _VEC],
        out_specs=_ROW, out_shape=_OUT,
    )(p, pdeg, x, w, a, c, bl, f, u)


@jax.jit
def kernel(x, edge_index, W1, b1, g1, be1, W2, b2, g2, be2, W3, b3):
    loops = jnp.arange(N, dtype=jnp.int32)
    pad_src = jnp.zeros((EP - E - N,), jnp.int32)
    pad_dst = jnp.full((EP - E - N,), N, jnp.int32)
    srcR = jnp.concatenate([edge_index[0], loops, pad_src]).reshape(NS, CH, CHUNK)
    dstR = jnp.concatenate([edge_index[1], loops, pad_dst]).reshape(NS, CH, CHUNK)

    dstB = jnp.stack(_remap(dstR))

    sbn = 1.0 / jnp.sqrt(1.0 + BN_EPS)
    a1 = (g1 * sbn).reshape(1, D)
    c1 = (b1 * g1 * sbn + be1).reshape(1, D)
    a2 = (g2 * sbn).reshape(1, D)
    c2 = (b2 * g2 * sbn + be2).reshape(1, D)

    ones = jnp.ones((1, D), jnp.float32)
    zero = jnp.zeros((1, D), jnp.float32)
    eye = jnp.eye(D, dtype=jnp.float32)
    xs = (
        jnp.stack([W1, W2, W3, eye]),
        jnp.stack([ones, a1, a2, ones]),
        jnp.stack([zero, c1, c2, zero]),
        jnp.stack([zero, zero, zero, b3.reshape(1, D)]),
        jnp.stack([zero, zero, zero, ones]),
        jnp.stack([ones, zero, zero, zero]),
    )

    def body(i, carry):
        g, pdeg = carry
        W, a, c, bl, f, u = (lax.dynamic_index_in_dim(z, i, 0, keepdims=False)
                             for z in xs)
        f16 = jnp.broadcast_to((i == 0).astype(jnp.int32), (16,))
        p = _sc_agg(g, srcR, dstB, f16)
        g_next = _tc_step(p, pdeg, x, W, a, c, bl, f, u)
        pdeg_next = jnp.where(i == 0, p[:, :, :16], pdeg)
        return (g_next, pdeg_next)

    g0 = jnp.ones((N, D), jnp.float32)
    pdeg0 = jnp.ones((NR, ACC_R, 16), jnp.float32)
    n_steps = lax.optimization_barrier(jnp.int32(4))
    out, _ = lax.fori_loop(0, n_steps, body, (g0, pdeg0))
    return out

# --- scband reference (transcript-rebuilt; emitter-appended) ---
"""Pipeline reference for scband-gcndepth-80676665688567 (READ-ONLY COPY).

The authoritative reference and input builder live on the scoring server;
editing this copy changes nothing except your own understanding.
"""

import jax, jax.numpy as jnp
import numpy as np

N = 10000
E = 320000
D_IN = 128
D_HID = 128
D_OUT = 128
BN_EPS = 1e-5


def _glorot(key, shape):
    fan_in, fan_out = shape[0], shape[1]
    limit = np.sqrt(6.0 / (fan_in + fan_out))
    return jax.random.uniform(key, shape, dtype=jnp.float32, minval=-limit, maxval=limit)


def setup_inputs(seed: int = 0) -> dict:
    key = jax.random.key(seed)
    ks = jax.random.split(key, 12)
    x = jax.random.normal(ks[0], (N, D_IN), dtype=jnp.float32)
    edge_index = jax.random.randint(ks[1], (2, E), 0, N, dtype=jnp.int32)
    W1 = _glorot(ks[2], (D_IN, D_HID))
    b1 = jnp.zeros((D_HID,), dtype=jnp.float32)
    g1 = jnp.ones((D_HID,), dtype=jnp.float32)
    be1 = jnp.zeros((D_HID,), dtype=jnp.float32)
    W2 = _glorot(ks[3], (D_HID, D_HID))
    b2 = jnp.zeros((D_HID,), dtype=jnp.float32)
    g2 = jnp.ones((D_HID,), dtype=jnp.float32)
    be2 = jnp.zeros((D_HID,), dtype=jnp.float32)
    W3 = _glorot(ks[4], (D_HID, D_OUT))
    b3 = jnp.zeros((D_OUT,), dtype=jnp.float32)
    return {"x": x, "edge_index": edge_index, "W1": W1, "b1": b1, "g1": g1, "be1": be1,
            "W2": W2, "b2": b2, "g2": g2, "be2": be2, "W3": W3, "b3": b3}


def _gcn_conv(x, src, dst, W, b, n_nodes):
    # PyG GCNConv: add self-loops, symmetric normalization, linear, scatter-add aggregate
    h = x @ W
    deg = jax.ops.segment_sum(jnp.ones_like(dst, dtype=h.dtype), dst, num_segments=n_nodes)
    deg_inv_sqrt = jnp.where(deg > 0, deg ** -0.5, 0.0)
    norm = deg_inv_sqrt[src] * deg_inv_sqrt[dst]
    msg = h[src] * norm[:, None]
    out = jax.ops.segment_sum(msg, dst, num_segments=n_nodes)
    return out + b


def _bn_eval(x, gamma, beta):
    # BatchNorm1d in eval mode with default running stats (mean=0, var=1)
    running_mean = jnp.zeros((x.shape[1],), dtype=x.dtype)
    running_var = jnp.ones((x.shape[1],), dtype=x.dtype)
    return (x - running_mean) / jnp.sqrt(running_var + BN_EPS) * gamma + beta


def reference(x, edge_index, W1, b1, g1, be1, W2, b2, g2, be2, W3, b3):
    loops = jnp.arange(N, dtype=edge_index.dtype)
    src = jnp.concatenate([edge_index[0], loops])
    dst = jnp.concatenate([edge_index[1], loops])
    h = _gcn_conv(x, src, dst, W1, b1, N)
    h = _bn_eval(h, g1, be1)
    h = jax.nn.relu(h)
    h = _gcn_conv(h, src, dst, W2, b2, N)
    h = _bn_eval(h, g2, be2)
    h = jax.nn.relu(h)
    out = _gcn_conv(h, src, dst, W3, b3, N)
    return out

if __name__ == "__main__":
    import jax
    _d = setup_inputs()
    print(jax.jit(kernel)(*tuple(_d.values())))

</pallas_src>

<mosaic_0001>
#map = affine_map<(d0, d1) -> (0, 0)>
#map1 = affine_map<(d0, d1) -> (0, 0, 0)>
#map2 = affine_map<(d0, d1) -> (0, 0, 0, 0)>
#map3 = affine_map<(d0, d1) -> (0)>
module attributes {stable_mosaic.version = 14 : i64} {
  func.func @_sc_agg(%arg0: i32, %arg1: i32, %arg2: memref<10000x128xf32, #tpu.memory_space<hbm>>, %arg3: memref<16x172x120xi32, #tpu.memory_space<hbm>>, %arg4: memref<4x16x172x120xi32, #tpu.memory_space<hbm>>, %arg5: memref<16xi32, #tpu.memory_space<hbm>>, %arg6: memref<4x2816x128xf32, #tpu.memory_space<hbm>>, %arg7: memref<172x120xi32, #tpu.memory_space<vmem>>, %arg8: memref<172x120xi32, #tpu.memory_space<vmem>>, %arg9: memref<120x128xf32, #tpu.memory_space<vmem>>, %arg10: memref<120x128xf32, #tpu.memory_space<vmem>>, %arg11: memref<16x128xf32, #tpu.memory_space<vmem>>, %arg12: memref<16x128xf32, #tpu.memory_space<vmem>>, %arg13: memref<2816x128xf32, #tpu.memory_space<vmem_shared>>, %arg14: memref<16xi32, #tpu.memory_space<vmem>>, %arg15: memref<!tpu.dma_semaphore, #tpu.memory_space<semaphore_mem>>, %arg16: memref<!tpu.dma_semaphore, #tpu.memory_space<semaphore_mem>>) attributes {dimension_semantics = [#tpu.dimension_semantics<core_parallel>, #tpu.dimension_semantics<subcore_parallel>], iteration_bounds = array<i64: 2, 16>, scalar_prefetch = 0 : i64, scratch_operands = 10 : i64, tpu.core_type = #tpu.core_type<sc_vector_subcore>, window_params = [{transform_indices = #map}, {transform_indices = #map1}, {transform_indices = #map2}, {transform_indices = #map3}, {transform_indices = #map1}]} {
    %mul3A = arith.constant 176 : i32
    %mul3A_0 = arith.muli %arg1, %mul3A : i32
    %broadcast_in_dim3A = arith.constant 0.000000e+00 : f32
    %broadcast_in_dim3A_1 = vector.broadcast %broadcast_in_dim3A : f32 to vector<16xf32>
    %broadcast_in_dim3A_2 = arith.constant 1.000000e+00 : f32
    %broadcast_in_dim3A_3 = vector.broadcast %broadcast_in_dim3A_2 : f32 to vector<16xf32>
    %scan3A = arith.constant 0 : i32
    %scan3A_4 = arith.constant 0 : i32
    %scan3A_5 = arith.constant 16 : i32
    %scan3A_6 = arith.addi %scan3A_4, %scan3A_5 : i32
    %scan3A_7 = arith.constant 1 : i32
    scf.for %scan3A_178 = %scan3A_4 to %scan3A_6 step %scan3A_7  : i32 {
      %swap3A = arith.index_cast %scan3A_178 : i32 to index
      %swap3A_179 = arith.constant 0 : index
      %swap3A_180 = tpu.vector_load %arg11[%swap3A, %swap3A_179] {strides = array<i32>} : memref<16x128xf32, #tpu.memory_space<vmem>>, vector<1x16xf32>,
      %swap3A_181 = vector.shape_cast %swap3A_180 : vector<1x16xf32> to vector<16xf32>
      %swap3A_182 = vector.shape_cast %broadcast_in_dim3A_1 : vector<16xf32> to vector<1x16xf32>
      tpu.vector_store %arg11[%swap3A, %swap3A_179], %swap3A_182 {strides = array<i32>} : memref<16x128xf32, #tpu.memory_space<vmem>>, vector<1x16xf32>,
      %swap3A_183 = arith.index_cast %scan3A_178 : i32 to index
      %swap3A_184 = arith.constant 16 : index
      %swap3A_185 = tpu.vector_load %arg11[%swap3A_183, %swap3A_184] {strides = array<i32>} : memref<16x128xf32, #tpu.memory_space<vmem>>, vector<1x16xf32>,
      %swap3A_186 = vector.shape_cast %swap3A_185 : vector<1x16xf32> to vector<16xf32>
      %swap3A_187 = vector.shape_cast %broadcast_in_dim3A_1 : vector<16xf32> to vector<1x16xf32>
      tpu.vector_store %arg11[%swap3A_183, %swap3A_184], %swap3A_187 {strides = array<i32>} : memref<16x128xf32, #tpu.memory_space<vmem>>, vector<1x16xf32>,
      %swap3A_188 = arith.index_cast %scan3A_178 : i32 to index
      %swap3A_189 = arith.constant 32 : index
      %swap3A_190 = tpu.vector_load %arg11[%swap3A_188, %swap3A_189] {strides = array<i32>} : memref<16x128xf32, #tpu.memory_space<vmem>>, vector<1x16xf32>,
      %swap3A_191 = vector.shape_cast %swap3A_190 : vector<1x16xf32> to vector<16xf32>
      %swap3A_192 = vector.shape_cast %broadcast_in_dim3A_1 : vector<16xf32> to vector<1x16xf32>
      tpu.vector_store %arg11[%swap3A_188, %swap3A_189], %swap3A_192 {strides = array<i32>} : memref<16x128xf32, #tpu.memory_space<vmem>>, vector<1x16xf32>,
      %swap3A_193 = arith.index_cast %scan3A_178 : i32 to index
      %swap3A_194 = arith.constant 48 : index
      %swap3A_195 = tpu.vector_load %arg11[%swap3A_193, %swap3A_194] {strides = array<i32>} : memref<16x128xf32, #tpu.memory_space<vmem>>, vector<1x16xf32>,
      %swap3A_196 = vector.shape_cast %swap3A_195 : vector<1x16xf32> to vector<16xf32>
      %swap3A_197 = vector.shape_cast %broadcast_in_dim3A_1 : vector<16xf32> to vector<1x16xf32>
      tpu.vector_store %arg11[%swap3A_193, %swap3A_194], %swap3A_197 {strides = array<i32>} : memref<16x128xf32, #tpu.memory_space<vmem>>, vector<1x16xf32>,
      %swap3A_198 = arith.index_cast %scan3A_178 : i32 to index
      %swap3A_199 = arith.constant 64 : index
      %swap3A_200 = tpu.vector_load %arg11[%swap3A_198, %swap3A_199] {strides = array<i32>} : memref<16x128xf32, #tpu.memory_space<vmem>>, vector<1x16xf32>,
      %swap3A_201 = vector.shape_cast %swap3A_200 : vector<1x16xf32> to vector<16xf32>
      %swap3A_202 = vector.shape_cast %broadcast_in_dim3A_1 : vector<16xf32> to vector<1x16xf32>
      tpu.vector_store %arg11[%swap3A_198, %swap3A_199], %swap3A_202 {strides = array<i32>} : memref<16x128xf32, #tpu.memory_space<vmem>>, vector<1x16xf32>,
      %swap3A_203 = arith.index_cast %scan3A_178 : i32 to index
      %swap3A_204 = arith.constant 80 : index
      %swap3A_205 = tpu.vector_load %arg11[%swap3A_203, %swap3A_204] {strides = array<i32>} : memref<16x128xf32, #tpu.memory_space<vmem>>, vector<1x16xf32>,
      %swap3A_206 = vector.shape_cast %swap3A_205 : vector<1x16xf32> to vector<16xf32>
      %swap3A_207 = vector.shape_cast %broadcast_in_dim3A_1 : vector<16xf32> to vector<1x16xf32>
      tpu.vector_store %arg11[%swap3A_203, %swap3A_204], %swap3A_207 {strides = array<i32>} : memref<16x128xf32, #tpu.memory_space<vmem>>, vector<1x16xf32>,
      %swap3A_208 = arith.index_cast %scan3A_178 : i32 to index
      %swap3A_209 = arith.constant 96 : index
      %swap3A_210 = tpu.vector_load %arg11[%swap3A_208, %swap3A_209] {strides = array<i32>} : memref<16x128xf32, #tpu.memory_space<vmem>>, vector<1x16xf32>,
      %swap3A_211 = vector.shape_cast %swap3A_210 : vector<1x16xf32> to vector<16xf32>
      %swap3A_212 = vector.shape_cast %broadcast_in_dim3A_1 : vector<16xf32> to vector<1x16xf32>
      tpu.vector_store %arg11[%swap3A_208, %swap3A_209], %swap3A_212 {strides = array<i32>} : memref<16x128xf32, #tpu.memory_space<vmem>>, vector<1x16xf32>,
      %swap3A_213 = arith.index_cast %scan3A_178 : i32 to index
      %swap3A_214 = arith.constant 112 : index
      %swap3A_215 = tpu.vector_load %arg11[%swap3A_213, %swap3A_214] {strides = array<i32>} : memref<16x128xf32, #tpu.memory_space<vmem>>, vector<1x16xf32>,
      %swap3A_216 = vector.shape_cast %swap3A_215 : vector<1x16xf32> to vector<16xf32>
      %swap3A_217 = vector.shape_cast %broadcast_in_dim3A_1 : vector<16xf32> to vector<1x16xf32>
      tpu.vector_store %arg11[%swap3A_213, %swap3A_214], %swap3A_217 {strides = array<i32>} : memref<16x128xf32, #tpu.memory_space<vmem>>, vector<1x16xf32>,
    }
    %scan3A_8 = arith.constant 16 : i32
    "tpu.region"() ({
      %run_scoped3A = tpu.sem_alloc : memref<!tpu.dma_semaphore, #tpu.memory_space<semaphore_mem>>
      %dma_start3A = arith.constant 0 : i32
      %dma_start3A_178 = arith.constant 0 : i32
      %dma_start3A_179 = tpu.memref_slice %arg3[%arg1, %dma_start3A, %dma_start3A_178] : memref<16x172x120xi32, #tpu.memory_space<hbm>> -> memref<1x172x120xi32, #tpu.memory_space<hbm>>
      %dma_start3A_180 = tpu.memref_squeeze %dma_start3A_179 : memref<1x172x120xi32, #tpu.memory_space<hbm>> -> memref<172x120xi32, #tpu.memory_space<hbm>>
      %dma_start3A_181 = arith.constant 0 : i32
      %dma_start3A_182 = arith.constant 0 : i32
      %dma_start3A_183 = tpu.memref_slice %arg3[%arg1, %dma_start3A_181, %dma_start3A_182] : memref<16x172x120xi32, #tpu.memory_space<hbm>> -> memref<1x172x120xi32, #tpu.memory_space<hbm>>
      %dma_start3A_184 = tpu.memref_squeeze %dma_start3A_183 : memref<1x172x120xi32, #tpu.memory_space<hbm>> -> memref<172x120xi32, #tpu.memory_space<hbm>>
      tpu.enqueue_dma source(%dma_start3A_184 : memref<172x120xi32, #tpu.memory_space<hbm>>) target(%arg7 : memref<172x120xi32, #tpu.memory_space<vmem>>) target_semaphore(%run_scoped3A : memref<!tpu.dma_semaphore, #tpu.memory_space<semaphore_mem>>)
      %dma_wait3A = arith.constant 0 : i32
      %dma_wait3A_185 = arith.constant 0 : i32
      %dma_wait3A_186 = tpu.memref_slice %arg3[%arg1, %dma_wait3A, %dma_wait3A_185] : memref<16x172x120xi32, #tpu.memory_space<hbm>> -> memref<1x172x120xi32, #tpu.memory_space<hbm>>
      %dma_wait3A_187 = tpu.memref_squeeze %dma_wait3A_186 : memref<1x172x120xi32, #tpu.memory_space<hbm>> -> memref<172x120xi32, #tpu.memory_space<hbm>>
      %dma_wait3A_188 = arith.constant 0 : i32
      %dma_wait3A_189 = arith.constant 0 : i32
      %dma_wait3A_190 = tpu.memref_slice %arg3[%arg1, %dma_wait3A_188, %dma_wait3A_189] : memref<16x172x120xi32, #tpu.memory_space<hbm>> -> memref<1x172x120xi32, #tpu.memory_space<hbm>>
      %dma_wait3A_191 = tpu.memref_squeeze %dma_wait3A_190 : memref<1x172x120xi32, #tpu.memory_space<hbm>> -> memref<172x120xi32, #tpu.memory_space<hbm>>
      tpu.wait_dma2 semaphore(%run_scoped3A : memref<!tpu.dma_semaphore, #tpu.memory_space<semaphore_mem>>) src(%dma_wait3A_191 : memref<172x120xi32, #tpu.memory_space<hbm>>) dst(%arg7 : memref<172x120xi32, #tpu.memory_space<vmem>>)
      tpu.yield
    }) : () -> ()
    "tpu.region"() ({
      %run_scoped3A = tpu.sem_alloc : memref<!tpu.dma_semaphore, #tpu.memory_space<semaphore_mem>>
      tpu.enqueue_dma source(%arg5 : memref<16xi32, #tpu.memory_space<hbm>>) target(%arg14 : memref<16xi32, #tpu.memory_space<vmem>>) target_semaphore(%run_scoped3A : memref<!tpu.dma_semaphore, #tpu.memory_space<semaphore_mem>>)
      tpu.wait_dma2 semaphore(%run_scoped3A : memref<!tpu.dma_semaphore, #tpu.memory_space<semaphore_mem>>) src(%arg5 : memref<16xi32, #tpu.memory_space<hbm>>) dst(%arg14 : memref<16xi32, #tpu.memory_space<vmem>>)
      tpu.yield
    }) : () -> ()
    %get3A = arith.constant 0 : index
    %get3A_9 = tpu.vector_load %arg14[%get3A] {strides = array<i32>} : memref<16xi32, #tpu.memory_space<vmem>>, vector<16xi32>,
    %get3A_10 = vector.shape_cast %get3A_9 : vector<16xi32> to vector<16xi32>
    %slice3A = vector.extract_strided_slice %get3A_10 {offsets = [0], sizes = [1], strides = [1]} : vector<16xi32> to vector<1xi32>
    %squeeze3A = vector.extract %slice3A[0] : i32 from vector<1xi32>
    %eq3A = arith.constant 1 : i32
    %eq3A_11 = arith.cmpi eq, %squeeze3A, %eq3A : i32
    %convert_element_type3A = arith.extui %eq3A_11 : i1 to i32
    %cond3A = arith.constant 0 : i32
    %cond3A_12 = arith.cmpi ne, %convert_element_type3A, %cond3A : i32
    scf.if %cond3A_12 {
      %scan3A_178 = arith.constant 0 : i32
      %scan3A_179 = arith.constant 0 : i32
      %scan3A_180 = arith.constant 120 : i32
      %scan3A_181 = arith.addi %scan3A_179, %scan3A_180 : i32
      %scan3A_182 = arith.constant 1 : i32
      scf.for %scan3A_184 = %scan3A_179 to %scan3A_181 step %scan3A_182  : i32 {
        %swap3A = arith.index_cast %scan3A_184 : i32 to index
        %swap3A_185 = arith.constant 0 : index
        %swap3A_186 = tpu.vector_load %arg9[%swap3A, %swap3A_185] {strides = array<i32>} : memref<120x128xf32, #tpu.memory_space<vmem>>, vector<1x16xf32>,
        %swap3A_187 = vector.shape_cast %swap3A_186 : vector<1x16xf32> to vector<16xf32>
        %swap3A_188 = vector.shape_cast %broadcast_in_dim3A_3 : vector<16xf32> to vector<1x16xf32>
        tpu.vector_store %arg9[%swap3A, %swap3A_185], %swap3A_188 {strides = array<i32>} : memref<120x128xf32, #tpu.memory_space<vmem>>, vector<1x16xf32>,
        %swap3A_189 = arith.index_cast %scan3A_184 : i32 to index
        %swap3A_190 = arith.constant 16 : index
        %swap3A_191 = tpu.vector_load %arg9[%swap3A_189, %swap3A_190] {strides = array<i32>} : memref<120x128xf32, #tpu.memory_space<vmem>>, vector<1x16xf32>,
        %swap3A_192 = vector.shape_cast %swap3A_191 : vector<1x16xf32> to vector<16xf32>
        %swap3A_193 = vector.shape_cast %broadcast_in_dim3A_3 : vector<16xf32> to vector<1x16xf32>
        tpu.vector_store %arg9[%swap3A_189, %swap3A_190], %swap3A_193 {strides = array<i32>} : memref<120x128xf32, #tpu.memory_space<vmem>>, vector<1x16xf32>,
        %swap3A_194 = arith.index_cast %scan3A_184 : i32 to index
        %swap3A_195 = arith.constant 32 : index
        %swap3A_196 = tpu.vector_load %arg9[%swap3A_194, %swap3A_195] {strides = array<i32>} : memref<120x128xf32, #tpu.memory_space<vmem>>, vector<1x16xf32>,
        %swap3A_197 = vector.shape_cast %swap3A_196 : vector<1x16xf32> to vector<16xf32>
        %swap3A_198 = vector.shape_cast %broadcast_in_dim3A_3 : vector<16xf32> to vector<1x16xf32>
        tpu.vector_store %arg9[%swap3A_194, %swap3A_195], %swap3A_198 {strides = array<i32>} : memref<120x128xf32, #tpu.memory_space<vmem>>, vector<1x16xf32>,
        %swap3A_199 = arith.index_cast %scan3A_184 : i32 to index
        %swap3A_200 = arith.constant 48 : index
        %swap3A_201 = tpu.vector_load %arg9[%swap3A_199, %swap3A_200] {strides = array<i32>} : memref<120x128xf32, #tpu.memory_space<vmem>>, vector<1x16xf32>,
        %swap3A_202 = vector.shape_cast %swap3A_201 : vector<1x16xf32> to vector<16xf32>
        %swap3A_203 = vector.shape_cast %broadcast_in_dim3A_3 : vector<16xf32> to vector<1x16xf32>
        tpu.vector_store %arg9[%swap3A_199, %swap3A_200], %swap3A_203 {strides = array<i32>} : memref<120x128xf32, #tpu.memory_space<vmem>>, vector<1x16xf32>,
        %swap3A_204 = arith.index_cast %scan3A_184 : i32 to index
        %swap3A_205 = arith.constant 64 : index
        %swap3A_206 = tpu.vector_load %arg9[%swap3A_204, %swap3A_205] {strides = array<i32>} : memref<120x128xf32, #tpu.memory_space<vmem>>, vector<1x16xf32>,
        %swap3A_207 = vector.shape_cast %swap3A_206 : vector<1x16xf32> to vector<16xf32>
        %swap3A_208 = vector.shape_cast %broadcast_in_dim3A_3 : vector<16xf32> to vector<1x16xf32>
        tpu.vector_store %arg9[%swap3A_204, %swap3A_205], %swap3A_208 {strides = array<i32>} : memref<120x128xf32, #tpu.memory_space<vmem>>, vector<1x16xf32>,
        %swap3A_209 = arith.index_cast %scan3A_184 : i32 to index
        %swap3A_210 = arith.constant 80 : index
        %swap3A_211 = tpu.vector_load %arg9[%swap3A_209, %swap3A_210] {strides = array<i32>} : memref<120x128xf32, #tpu.memory_space<vmem>>, vector<1x16xf32>,
        %swap3A_212 = vector.shape_cast %swap3A_211 : vector<1x16xf32> to vector<16xf32>
        %swap3A_213 = vector.shape_cast %broadcast_in_dim3A_3 : vector<16xf32> to vector<1x16xf32>
        tpu.vector_store %arg9[%swap3A_209, %swap3A_210], %swap3A_213 {strides = array<i32>} : memref<120x128xf32, #tpu.memory_space<vmem>>, vector<1x16xf32>,
        %swap3A_214 = arith.index_cast %scan3A_184 : i32 to index
        %swap3A_215 = arith.constant 96 : index
        %swap3A_216 = tpu.vector_load %arg9[%swap3A_214, %swap3A_215] {strides = array<i32>} : memref<120x128xf32, #tpu.memory_space<vmem>>, vector<1x16xf32>,
        %swap3A_217 = vector.shape_cast %swap3A_216 : vector<1x16xf32> to vector<16xf32>
        %swap3A_218 = vector.shape_cast %broadcast_in_dim3A_3 : vector<16xf32> to vector<1x16xf32>
        tpu.vector_store %arg9[%swap3A_214, %swap3A_215], %swap3A_218 {strides = array<i32>} : memref<120x128xf32, #tpu.memory_space<vmem>>, vector<1x16xf32>,
        %swap3A_219 = arith.index_cast %scan3A_184 : i32 to index
        %swap3A_220 = arith.constant 112 : index
        %swap3A_221 = tpu.vector_load %arg9[%swap3A_219, %swap3A_220] {strides = array<i32>} : memref<120x128xf32, #tpu.memory_space<vmem>>, vector<1x16xf32>,
        %swap3A_222 = vector.shape_cast %swap3A_221 : vector<1x16xf32> to vector<16xf32>
        %swap3A_223 = vector.shape_cast %broadcast_in_dim3A_3 : vector<16xf32> to vector<1x16xf32>
        tpu.vector_store %arg9[%swap3A_219, %swap3A_220], %swap3A_223 {strides = array<i32>} : memref<120x128xf32, #tpu.memory_space<vmem>>, vector<1x16xf32>,
      }
      %scan3A_183 = arith.constant 120 : i32
    } else {
    }
    %not3A = arith.constant true
    %not3A_13 = arith.xori %eq3A_11, %not3A : i1
    %convert_element_type3A_14 = arith.extui %not3A_13 : i1 to i32
    %cond3A_15 = arith.constant 0 : i32
    %cond3A_16 = arith.cmpi ne, %convert_element_type3A_14, %cond3A_15 : i32
    scf.if %cond3A_16 {
      %dma_start3A = arith.constant 0 : i32
      %dma_start3A_178 = arith.constant 0 : i32
      %dma_start3A_179 = tpu.memref_slice %arg7[%dma_start3A, %dma_start3A_178] : memref<172x120xi32, #tpu.memory_space<vmem>> -> memref<1x120xi32, #tpu.memory_space<vmem>>
      %dma_start3A_180 = tpu.memref_squeeze %dma_start3A_179 : memref<1x120xi32, #tpu.memory_space<vmem>> -> memref<120xi32, #tpu.memory_space<vmem>>
      %dma_start3A_181 = arith.constant 0 : i32
      %dma_start3A_182 = arith.constant 0 : i32
      %dma_start3A_183 = tpu.memref_slice %arg2[%dma_start3A_181, %dma_start3A_182] : memref<10000x128xf32, #tpu.memory_space<hbm>> -> memref<10000x128xf32, #tpu.memory_space<hbm>>
      tpu.enqueue_indirect_dma source(%dma_start3A_183 : memref<10000x128xf32, #tpu.memory_space<hbm>>) target(%arg9 : memref<120x128xf32, #tpu.memory_space<vmem>>) offsets(%dma_start3A_180 : memref<120xi32, #tpu.memory_space<vmem>>) semaphore(%arg15 : memref<!tpu.dma_semaphore, #tpu.memory_space<semaphore_mem>>)
      %dma_start3A_184 = arith.constant 1 : i32
      %dma_start3A_185 = arith.constant 0 : i32
      %dma_start3A_186 = tpu.memref_slice %arg7[%dma_start3A_184, %dma_start3A_185] : memref<172x120xi32, #tpu.memory_space<vmem>> -> memref<1x120xi32, #tpu.memory_space<vmem>>
      %dma_start3A_187 = tpu.memref_squeeze %dma_start3A_186 : memref<1x120xi32, #tpu.memory_space<vmem>> -> memref<120xi32, #tpu.memory_space<vmem>>
      %dma_start3A_188 = arith.constant 0 : i32
      %dma_start3A_189 = arith.constant 0 : i32
      %dma_start3A_190 = tpu.memref_slice %arg2[%dma_start3A_188, %dma_start3A_189] : memref<10000x128xf32, #tpu.memory_space<hbm>> -> memref<10000x128xf32, #tpu.memory_space<hbm>>
      tpu.enqueue_indirect_dma source(%dma_start3A_190 : memref<10000x128xf32, #tpu.memory_space<hbm>>) target(%arg10 : memref<120x128xf32, #tpu.memory_space<vmem>>) offsets(%dma_start3A_187 : memref<120xi32, #tpu.memory_space<vmem>>) semaphore(%arg16 : memref<!tpu.dma_semaphore, #tpu.memory_space<semaphore_mem>>)
    } else {
    }
    %add3A = arith.constant 0 : i32
    %add3A_17 = arith.addi %add3A, %arg0 : i32
    "tpu.region"() ({
      %run_scoped3A = tpu.sem_alloc : memref<!tpu.dma_semaphore, #tpu.memory_space<semaphore_mem>>
      %dma_start3A = arith.constant 0 : i32
      %dma_start3A_178 = arith.constant 0 : i32
      %dma_start3A_179 = arith.constant 0 : i32
      %dma_start3A_180 = tpu.memref_slice %arg4[%add3A_17, %dma_start3A, %dma_start3A_178, %dma_start3A_179] : memref<4x16x172x120xi32, #tpu.memory_space<hbm>> -> memref<1x16x172x120xi32, #tpu.memory_space<hbm>>
      %dma_start3A_181 = tpu.memref_squeeze %dma_start3A_180 : memref<1x16x172x120xi32, #tpu.memory_space<hbm>> -> memref<16x172x120xi32, #tpu.memory_space<hbm>>
      %dma_start3A_182 = arith.constant 0 : i32
      %dma_start3A_183 = arith.constant 0 : i32
      %dma_start3A_184 = tpu.memref_slice %dma_start3A_181[%arg1, %dma_start3A_182, %dma_start3A_183] : memref<16x172x120xi32, #tpu.memory_space<hbm>> -> memref<1x172x120xi32, #tpu.memory_space<hbm>>
      %dma_start3A_185 = tpu.memref_squeeze %dma_start3A_184 : memref<1x172x120xi32, #tpu.memory_space<hbm>> -> memref<172x120xi32, #tpu.memory_space<hbm>>
      %dma_start3A_186 = arith.constant 0 : i32
      %dma_start3A_187 = arith.constant 0 : i32
      %dma_start3A_188 = arith.constant 0 : i32
      %dma_start3A_189 = tpu.memref_slice %arg4[%add3A_17, %dma_start3A_186, %dma_start3A_187, %dma_start3A_188] : memref<4x16x172x120xi32, #tpu.memory_space<hbm>> -> memref<1x16x172x120xi32, #tpu.memory_space<hbm>>
      %dma_start3A_190 = tpu.memref_squeeze %dma_start3A_189 : memref<1x16x172x120xi32, #tpu.memory_space<hbm>> -> memref<16x172x120xi32, #tpu.memory_space<hbm>>
      %dma_start3A_191 = arith.constant 0 : i32
      %dma_start3A_192 = arith.constant 0 : i32
      %dma_start3A_193 = tpu.memref_slice %dma_start3A_190[%arg1, %dma_start3A_191, %dma_start3A_192] : memref<16x172x120xi32, #tpu.memory_space<hbm>> -> memref<1x172x120xi32, #tpu.memory_space<hbm>>
      %dma_start3A_194 = tpu.memref_squeeze %dma_start3A_193 : memref<1x172x120xi32, #tpu.memory_space<hbm>> -> memref<172x120xi32, #tpu.memory_space<hbm>>
      tpu.enqueue_dma source(%dma_start3A_194 : memref<172x120xi32, #tpu.memory_space<hbm>>) target(%arg8 : memref<172x120xi32, #tpu.memory_space<vmem>>) target_semaphore(%run_scoped3A : memref<!tpu.dma_semaphore, #tpu.memory_space<semaphore_mem>>)
      %dma_wait3A = arith.constant 0 : i32
      %dma_wait3A_195 = arith.constant 0 : i32
      %dma_wait3A_196 = arith.constant 0 : i32
      %dma_wait3A_197 = tpu.memref_slice %arg4[%add3A_17, %dma_wait3A, %dma_wait3A_195, %dma_wait3A_196] : memref<4x16x172x120xi32, #tpu.memory_space<hbm>> -> memref<1x16x172x120xi32, #tpu.memory_space<hbm>>
      %dma_wait3A_198 = tpu.memref_squeeze %dma_wait3A_197 : memref<1x16x172x120xi32, #tpu.memory_space<hbm>> -> memref<16x172x120xi32, #tpu.memory_space<hbm>>
      %dma_wait3A_199 = arith.constant 0 : i32
      %dma_wait3A_200 = arith.constant 0 : i32
      %dma_wait3A_201 = tpu.memref_slice %dma_wait3A_198[%arg1, %dma_wait3A_199, %dma_wait3A_200] : memref<16x172x120xi32, #tpu.memory_space<hbm>> -> memref<1x172x120xi32, #tpu.memory_space<hbm>>
      %dma_wait3A_202 = tpu.memref_squeeze %dma_wait3A_201 : memref<1x172x120xi32, #tpu.memory_space<hbm>> -> memref<172x120xi32, #tpu.memory_space<hbm>>
      %dma_wait3A_203 = arith.constant 0 : i32
      %dma_wait3A_204 = arith.constant 0 : i32
      %dma_wait3A_205 = arith.constant 0 : i32
      %dma_wait3A_206 = tpu.memref_slice %arg4[%add3A_17, %dma_wait3A_203, %dma_wait3A_204, %dma_wait3A_205] : memref<4x16x172x120xi32, #tpu.memory_space<hbm>> -> memref<1x16x172x120xi32, #tpu.memory_space<hbm>>
      %dma_wait3A_207 = tpu.memref_squeeze %dma_wait3A_206 : memref<1x16x172x120xi32, #tpu.memory_space<hbm>> -> memref<16x172x120xi32, #tpu.memory_space<hbm>>
      %dma_wait3A_208 = arith.constant 0 : i32
      %dma_wait3A_209 = arith.constant 0 : i32
      %dma_wait3A_210 = tpu.memref_slice %dma_wait3A_207[%arg1, %dma_wait3A_208, %dma_wait3A_209] : memref<16x172x120xi32, #tpu.memory_space<hbm>> -> memref<1x172x120xi32, #tpu.memory_space<hbm>>
      %dma_wait3A_211 = tpu.memref_squeeze %dma_wait3A_210 : memref<1x172x120xi32, #tpu.memory_space<hbm>> -> memref<172x120xi32, #tpu.memory_space<hbm>>
      tpu.wait_dma2 semaphore(%run_scoped3A : memref<!tpu.dma_semaphore, #tpu.memory_space<semaphore_mem>>) src(%dma_wait3A_211 : memref<172x120xi32, #tpu.memory_space<hbm>>) dst(%arg8 : memref<172x120xi32, #tpu.memory_space<vmem>>)
      tpu.yield
    }) : () -> ()
    %add3A_18 = arith.constant 0 : i32
    %add3A_19 = arith.addi %mul3A_0, %add3A_18 : i32
    "tpu.region"() ({
      %run_scoped3A = tpu.sem_alloc : memref<!tpu.dma_semaphore, #tpu.memory_space<semaphore_mem>>
      %dma_start3A = arith.constant 0 : i32
      %dma_start3A_178 = tpu.memref_slice %arg13[%add3A_19, %dma_start3A] : memref<2816x128xf32, #tpu.memory_space<vmem_shared>> -> memref<16x128xf32, #tpu.memory_space<vmem_shared>>
      %dma_start3A_179 = arith.constant 0 : i32
      %dma_start3A_180 = tpu.memref_slice %arg13[%add3A_19, %dma_start3A_179] : memref<2816x128xf32, #tpu.memory_space<vmem_shared>> -> memref<16x128xf32, #tpu.memory_space<vmem_shared>>
      tpu.enqueue_dma source(%arg11 : memref<16x128xf32, #tpu.memory_space<vmem>>) target(%dma_start3A_180 : memref<16x128xf32, #tpu.memory_space<vmem_shared>>) target_semaphore(%run_scoped3A : memref<!tpu.dma_semaphore, #tpu.memory_space<semaphore_mem>>)
      %dma_wait3A = arith.constant 0 : i32
      %dma_wait3A_181 = tpu.memref_slice %arg13[%add3A_19, %dma_wait3A] : memref<2816x128xf32, #tpu.memory_space<vmem_shared>> -> memref<16x128xf32, #tpu.memory_space<vmem_shared>>
      %dma_wait3A_182 = arith.constant 0 : i32
      %dma_wait3A_183 = tpu.memref_slice %arg13[%add3A_19, %dma_wait3A_182] : memref<2816x128xf32, #tpu.memory_space<vmem_shared>> -> memref<16x128xf32, #tpu.memory_space<vmem_shared>>
      tpu.wait_dma2 semaphore(%run_scoped3A : memref<!tpu.dma_semaphore, #tpu.memory_space<semaphore_mem>>) src(%arg11 : memref<16x128xf32, #tpu.memory_space<vmem>>) dst(%dma_wait3A_183 : memref<16x128xf32, #tpu.memory_space<vmem_shared>>)
      tpu.yield
    }) : () -> ()
    %add3A_20 = arith.constant 16 : i32
    %add3A_21 = arith.addi %mul3A_0, %add3A_20 : i32
    "tpu.region"() ({
      %run_scoped3A = tpu.sem_alloc : memref<!tpu.dma_semaphore, #tpu.memory_space<semaphore_mem>>
      %dma_start3A = arith.constant 0 : i32
      %dma_start3A_178 = tpu.memref_slice %arg13[%add3A_21, %dma_start3A] : memref<2816x128xf32, #tpu.memory_space<vmem_shared>> -> memref<16x128xf32, #tpu.memory_space<vmem_shared>>
      %dma_start3A_179 = arith.constant 0 : i32
      %dma_start3A_180 = tpu.memref_slice %arg13[%add3A_21, %dma_start3A_179] : memref<2816x128xf32, #tpu.memory_space<vmem_shared>> -> memref<16x128xf32, #tpu.memory_space<vmem_shared>>
      tpu.enqueue_dma source(%arg11 : memref<16x128xf32, #tpu.memory_space<vmem>>) target(%dma_start3A_180 : memref<16x128xf32, #tpu.memory_space<vmem_shared>>) target_semaphore(%run_scoped3A : memref<!tpu.dma_semaphore, #tpu.memory_space<semaphore_mem>>)
      %dma_wait3A = arith.constant 0 : i32
      %dma_wait3A_181 = tpu.memref_slice %arg13[%add3A_21, %dma_wait3A] : memref<2816x128xf32, #tpu.memory_space<vmem_shared>> -> memref<16x128xf32, #tpu.memory_space<vmem_shared>>
      %dma_wait3A_182 = arith.constant 0 : i32
      %dma_wait3A_183 = tpu.memref_slice %arg13[%add3A_21, %dma_wait3A_182] : memref<2816x128xf32, #tpu.memory_space<vmem_shared>> -> memref<16x128xf32, #tpu.memory_space<vmem_shared>>
      tpu.wait_dma2 semaphore(%run_scoped3A : memref<!tpu.dma_semaphore, #tpu.memory_space<semaphore_mem>>) src(%arg11 : memref<16x128xf32, #tpu.memory_space<vmem>>) dst(%dma_wait3A_183 : memref<16x128xf32, #tpu.memory_space<vmem_shared>>)
      tpu.yield
    }) : () -> ()
    %add3A_22 = arith.constant 32 : i32
    %add3A_23 = arith.addi %mul3A_0, %add3A_22 : i32
    "tpu.region"() ({
      %run_scoped3A = tpu.sem_alloc : memref<!tpu.dma_semaphore, #tpu.memory_space<semaphore_mem>>
      %dma_start3A = arith.constant 0 : i32
      %dma_start3A_178 = tpu.memref_slice %arg13[%add3A_23, %dma_start3A] : memref<2816x128xf32, #tpu.memory_space<vmem_shared>> -> memref<16x128xf32, #tpu.memory_space<vmem_shared>>
      %dma_start3A_179 = arith.constant 0 : i32
      %dma_start3A_180 = tpu.memref_slice %arg13[%add3A_23, %dma_start3A_179] : memref<2816x128xf32, #tpu.memory_space<vmem_shared>> -> memref<16x128xf32, #tpu.memory_space<vmem_shared>>
      tpu.enqueue_dma source(%arg11 : memref<16x128xf32, #tpu.memory_space<vmem>>) target(%dma_start3A_180 : memref<16x128xf32, #tpu.memory_space<vmem_shared>>) target_semaphore(%run_scoped3A : memref<!tpu.dma_semaphore, #tpu.memory_space<semaphore_mem>>)
      %dma_wait3A = arith.constant 0 : i32
      %dma_wait3A_181 = tpu.memref_slice %arg13[%add3A_23, %dma_wait3A] : memref<2816x128xf32, #tpu.memory_space<vmem_shared>> -> memref<16x128xf32, #tpu.memory_space<vmem_shared>>
      %dma_wait3A_182 = arith.constant 0 : i32
      %dma_wait3A_183 = tpu.memref_slice %arg13[%add3A_23, %dma_wait3A_182] : memref<2816x128xf32, #tpu.memory_space<vmem_shared>> -> memref<16x128xf32, #tpu.memory_space<vmem_shared>>
      tpu.wait_dma2 semaphore(%run_scoped3A : memref<!tpu.dma_semaphore, #tpu.memory_space<semaphore_mem>>) src(%arg11 : memref<16x128xf32, #tpu.memory_space<vmem>>) dst(%dma_wait3A_183 : memref<16x128xf32, #tpu.memory_space<vmem_shared>>)
      tpu.yield
    }) : () -> ()
    %add3A_24 = arith.constant 48 : i32
    %add3A_25 = arith.addi %mul3A_0, %add3A_24 : i32
    "tpu.region"() ({
      %run_scoped3A = tpu.sem_alloc : memref<!tpu.dma_semaphore, #tpu.memory_space<semaphore_mem>>
      %dma_start3A = arith.constant 0 : i32
      %dma_start3A_178 = tpu.memref_slice %arg13[%add3A_25, %dma_start3A] : memref<2816x128xf32, #tpu.memory_space<vmem_shared>> -> memref<16x128xf32, #tpu.memory_space<vmem_shared>>
      %dma_start3A_179 = arith.constant 0 : i32
      %dma_start3A_180 = tpu.memref_slice %arg13[%add3A_25, %dma_start3A_179] : memref<2816x128xf32, #tpu.memory_space<vmem_shared>> -> memref<16x128xf32, #tpu.memory_space<vmem_shared>>
      tpu.enqueue_dma source(%arg11 : memref<16x128xf32, #tpu.memory_space<vmem>>) target(%dma_start3A_180 : memref<16x128xf32, #tpu.memory_space<vmem_shared>>) target_semaphore(%run_scoped3A : memref<!tpu.dma_semaphore, #tpu.memory_space<semaphore_mem>>)
      %dma_wait3A = arith.constant 0 : i32
      %dma_wait3A_181 = tpu.memref_slice %arg13[%add3A_25, %dma_wait3A] : memref<2816x128xf32, #tpu.memory_space<vmem_shared>> -> memref<16x128xf32, #tpu.memory_space<vmem_shared>>
      %dma_wait3A_182 = arith.constant 0 : i32
      %dma_wait3A_183 = tpu.memref_slice %arg13[%add3A_25, %dma_wait3A_182] : memref<2816x128xf32, #tpu.memory_space<vmem_shared>> -> memref<16x128xf32, #tpu.memory_space<vmem_shared>>
      tpu.wait_dma2 semaphore(%run_scoped3A : memref<!tpu.dma_semaphore, #tpu.memory_space<semaphore_mem>>) src(%arg11 : memref<16x128xf32, #tpu.memory_space<vmem>>) dst(%dma_wait3A_183 : memref<16x128xf32, #tpu.memory_space<vmem_shared>>)
      tpu.yield
    }) : () -> ()
    %add3A_26 = arith.constant 64 : i32
    %add3A_27 = arith.addi %mul3A_0, %add3A_26 : i32
    "tpu.region"() ({
      %run_scoped3A = tpu.sem_alloc : memref<!tpu.dma_semaphore, #tpu.memory_space<semaphore_mem>>
      %dma_start3A = arith.constant 0 : i32
      %dma_start3A_178 = tpu.memref_slice %arg13[%add3A_27, %dma_start3A] : memref<2816x128xf32, #tpu.memory_space<vmem_shared>> -> memref<16x128xf32, #tpu.memory_space<vmem_shared>>
      %dma_start3A_179 = arith.constant 0 : i32
      %dma_start3A_180 = tpu.memref_slice %arg13[%add3A_27, %dma_start3A_179] : memref<2816x128xf32, #tpu.memory_space<vmem_shared>> -> memref<16x128xf32, #tpu.memory_space<vmem_shared>>
      tpu.enqueue_dma source(%arg11 : memref<16x128xf32, #tpu.memory_space<vmem>>) target(%dma_start3A_180 : memref<16x128xf32, #tpu.memory_space<vmem_shared>>) target_semaphore(%run_scoped3A : memref<!tpu.dma_semaphore, #tpu.memory_space<semaphore_mem>>)
      %dma_wait3A = arith.constant 0 : i32
      %dma_wait3A_181 = tpu.memref_slice %arg13[%add3A_27, %dma_wait3A] : memref<2816x128xf32, #tpu.memory_space<vmem_shared>> -> memref<16x128xf32, #tpu.memory_space<vmem_shared>>
      %dma_wait3A_182 = arith.constant 0 : i32
      %dma_wait3A_183 = tpu.memref_slice %arg13[%add3A_27, %dma_wait3A_182] : memref<2816x128xf32, #tpu.memory_space<vmem_shared>> -> memref<16x128xf32, #tpu.memory_space<vmem_shared>>
      tpu.wait_dma2 semaphore(%run_scoped3A : memref<!tpu.dma_semaphore, #tpu.memory_space<semaphore_mem>>) src(%arg11 : memref<16x128xf32, #tpu.memory_space<vmem>>) dst(%dma_wait3A_183 : memref<16x128xf32, #tpu.memory_space<vmem_shared>>)
      tpu.yield
    }) : () -> ()
    %add3A_28 = arith.constant 80 : i32
    %add3A_29 = arith.addi %mul3A_0, %add3A_28 : i32
    "tpu.region"() ({
      %run_scoped3A = tpu.sem_alloc : memref<!tpu.dma_semaphore, #tpu.memory_space<semaphore_mem>>
      %dma_start3A = arith.constant 0 : i32
      %dma_start3A_178 = tpu.memref_slice %arg13[%add3A_29, %dma_start3A] : memref<2816x128xf32, #tpu.memory_space<vmem_shared>> -> memref<16x128xf32, #tpu.memory_space<vmem_shared>>
      %dma_start3A_179 = arith.constant 0 : i32
      %dma_start3A_180 = tpu.memref_slice %arg13[%add3A_29, %dma_start3A_179] : memref<2816x128xf32, #tpu.memory_space<vmem_shared>> -> memref<16x128xf32, #tpu.memory_space<vmem_shared>>
      tpu.enqueue_dma source(%arg11 : memref<16x128xf32, #tpu.memory_space<vmem>>) target(%dma_start3A_180 : memref<16x128xf32, #tpu.memory_space<vmem_shared>>) target_semaphore(%run_scoped3A : memref<!tpu.dma_semaphore, #tpu.memory_space<semaphore_mem>>)
      %dma_wait3A = arith.constant 0 : i32
      %dma_wait3A_181 = tpu.memref_slice %arg13[%add3A_29, %dma_wait3A] : memref<2816x128xf32, #tpu.memory_space<vmem_shared>> -> memref<16x128xf32, #tpu.memory_space<vmem_shared>>
      %dma_wait3A_182 = arith.constant 0 : i32
      %dma_wait3A_183 = tpu.memref_slice %arg13[%add3A_29, %dma_wait3A_182] : memref<2816x128xf32, #tpu.memory_space<vmem_shared>> -> memref<16x128xf32, #tpu.memory_space<vmem_shared>>
      tpu.wait_dma2 semaphore(%run_scoped3A : memref<!tpu.dma_semaphore, #tpu.memory_space<semaphore_mem>>) src(%arg11 : memref<16x128xf32, #tpu.memory_space<vmem>>) dst(%dma_wait3A_183 : memref<16x128xf32, #tpu.memory_space<vmem_shared>>)
      tpu.yield
    }) : () -> ()
    %add3A_30 = arith.constant 96 : i32
    %add3A_31 = arith.addi %mul3A_0, %add3A_30 : i32
    "tpu.region"() ({
      %run_scoped3A = tpu.sem_alloc : memref<!tpu.dma_semaphore, #tpu.memory_space<semaphore_mem>>
      %dma_start3A = arith.constant 0 : i32
      %dma_start3A_178 = tpu.memref_slice %arg13[%add3A_31, %dma_start3A] : memref<2816x128xf32, #tpu.memory_space<vmem_shared>> -> memref<16x128xf32, #tpu.memory_space<vmem_shared>>
      %dma_start3A_179 = arith.constant 0 : i32
      %dma_start3A_180 = tpu.memref_slice %arg13[%add3A_31, %dma_start3A_179] : memref<2816x128xf32, #tpu.memory_space<vmem_shared>> -> memref<16x128xf32, #tpu.memory_space<vmem_shared>>
      tpu.enqueue_dma source(%arg11 : memref<16x128xf32, #tpu.memory_space<vmem>>) target(%dma_start3A_180 : memref<16x128xf32, #tpu.memory_space<vmem_shared>>) target_semaphore(%run_scoped3A : memref<!tpu.dma_semaphore, #tpu.memory_space<semaphore_mem>>)
      %dma_wait3A = arith.constant 0 : i32
      %dma_wait3A_181 = tpu.memref_slice %arg13[%add3A_31, %dma_wait3A] : memref<2816x128xf32, #tpu.memory_space<vmem_shared>> -> memref<16x128xf32, #tpu.memory_space<vmem_shared>>
      %dma_wait3A_182 = arith.constant 0 : i32
      %dma_wait3A_183 = tpu.memref_slice %arg13[%add3A_31, %dma_wait3A_182] : memref<2816x128xf32, #tpu.memory_space<vmem_shared>> -> memref<16x128xf32, #tpu.memory_space<vmem_shared>>
      tpu.wait_dma2 semaphore(%run_scoped3A : memref<!tpu.dma_semaphore, #tpu.memory_space<semaphore_mem>>) src(%arg11 : memref<16x128xf32, #tpu.memory_space<vmem>>) dst(%dma_wait3A_183 : memref<16x128xf32, #tpu.memory_space<vmem_shared>>)
      tpu.yield
    }) : () -> ()
    %add3A_32 = arith.constant 112 : i32
    %add3A_33 = arith.addi %mul3A_0, %add3A_32 : i32
    "tpu.region"() ({
      %run_scoped3A = tpu.sem_alloc : memref<!tpu.dma_semaphore, #tpu.memory_space<semaphore_mem>>
      %dma_start3A = arith.constant 0 : i32
      %dma_start3A_178 = tpu.memref_slice %arg13[%add3A_33, %dma_start3A] : memref<2816x128xf32, #tpu.memory_space<vmem_shared>> -> memref<16x128xf32, #tpu.memory_space<vmem_shared>>
      %dma_start3A_179 = arith.constant 0 : i32
      %dma_start3A_180 = tpu.memref_slice %arg13[%add3A_33, %dma_start3A_179] : memref<2816x128xf32, #tpu.memory_space<vmem_shared>> -> memref<16x128xf32, #tpu.memory_space<vmem_shared>>
      tpu.enqueue_dma source(%arg11 : memref<16x128xf32, #tpu.memory_space<vmem>>) target(%dma_start3A_180 : memref<16x128xf32, #tpu.memory_space<vmem_shared>>) target_semaphore(%run_scoped3A : memref<!tpu.dma_semaphore, #tpu.memory_space<semaphore_mem>>)
      %dma_wait3A = arith.constant 0 : i32
      %dma_wait3A_181 = tpu.memref_slice %arg13[%add3A_33, %dma_wait3A] : memref<2816x128xf32, #tpu.memory_space<vmem_shared>> -> memref<16x128xf32, #tpu.memory_space<vmem_shared>>
      %dma_wait3A_182 = arith.constant 0 : i32
      %dma_wait3A_183 = tpu.memref_slice %arg13[%add3A_33, %dma_wait3A_182] : memref<2816x128xf32, #tpu.memory_space<vmem_shared>> -> memref<16x128xf32, #tpu.memory_space<vmem_shared>>
      tpu.wait_dma2 semaphore(%run_scoped3A : memref<!tpu.dma_semaphore, #tpu.memory_space<semaphore_mem>>) src(%arg11 : memref<16x128xf32, #tpu.memory_space<vmem>>) dst(%dma_wait3A_183 : memref<16x128xf32, #tpu.memory_space<vmem_shared>>)
      tpu.yield
    }) : () -> ()
    %add3A_34 = arith.constant 128 : i32
    %add3A_35 = arith.addi %mul3A_0, %add3A_34 : i32
    "tpu.region"() ({
      %run_scoped3A = tpu.sem_alloc : memref<!tpu.dma_semaphore, #tpu.memory_space<semaphore_mem>>
      %dma_start3A = arith.constant 0 : i32
      %dma_start3A_178 = tpu.memref_slice %arg13[%add3A_35, %dma_start3A] : memref<2816x128xf32, #tpu.memory_space<vmem_shared>> -> memref<16x128xf32, #tpu.memory_space<vmem_shared>>
      %dma_start3A_179 = arith.constant 0 : i32
      %dma_start3A_180 = tpu.memref_slice %arg13[%add3A_35, %dma_start3A_179] : memref<2816x128xf32, #tpu.memory_space<vmem_shared>> -> memref<16x128xf32, #tpu.memory_space<vmem_shared>>
      tpu.enqueue_dma source(%arg11 : memref<16x128xf32, #tpu.memory_space<vmem>>) target(%dma_start3A_180 : memref<16x128xf32, #tpu.memory_space<vmem_shared>>) target_semaphore(%run_scoped3A : memref<!tpu.dma_semaphore, #tpu.memory_space<semaphore_mem>>)
      %dma_wait3A = arith.constant 0 : i32
      %dma_wait3A_181 = tpu.memref_slice %arg13[%add3A_35, %dma_wait3A] : memref<2816x128xf32, #tpu.memory_space<vmem_shared>> -> memref<16x128xf32, #tpu.memory_space<vmem_shared>>
      %dma_wait3A_182 = arith.constant 0 : i32
      %dma_wait3A_183 = tpu.memref_slice %arg13[%add3A_35, %dma_wait3A_182] : memref<2816x128xf32, #tpu.memory_space<vmem_shared>> -> memref<16x128xf32, #tpu.memory_space<vmem_shared>>
      tpu.wait_dma2 semaphore(%run_scoped3A : memref<!tpu.dma_semaphore, #tpu.memory_space<semaphore_mem>>) src(%arg11 : memref<16x128xf32, #tpu.memory_space<vmem>>) dst(%dma_wait3A_183 : memref<16x128xf32, #tpu.memory_space<vmem_shared>>)
      tpu.yield
    }) : () -> ()
    %add3A_36 = arith.constant 144 : i32
    %add3A_37 = arith.addi %mul3A_0, %add3A_36 : i32
    "tpu.region"() ({
      %run_scoped3A = tpu.sem_alloc : memref<!tpu.dma_semaphore, #tpu.memory_space<semaphore_mem>>
      %dma_start3A = arith.constant 0 : i32
      %dma_start3A_178 = tpu.memref_slice %arg13[%add3A_37, %dma_start3A] : memref<2816x128xf32, #tpu.memory_space<vmem_shared>> -> memref<16x128xf32, #tpu.memory_space<vmem_shared>>
      %dma_start3A_179 = arith.constant 0 : i32
      %dma_start3A_180 = tpu.memref_slice %arg13[%add3A_37, %dma_start3A_179] : memref<2816x128xf32, #tpu.memory_space<vmem_shared>> -> memref<16x128xf32, #tpu.memory_space<vmem_shared>>
      tpu.enqueue_dma source(%arg11 : memref<16x128xf32, #tpu.memory_space<vmem>>) target(%dma_start3A_180 : memref<16x128xf32, #tpu.memory_space<vmem_shared>>) target_semaphore(%run_scoped3A : memref<!tpu.dma_semaphore, #tpu.memory_space<semaphore_mem>>)
      %dma_wait3A = arith.constant 0 : i32
      %dma_wait3A_181 = tpu.memref_slice %arg13[%add3A_37, %dma_wait3A] : memref<2816x128xf32, #tpu.memory_space<vmem_shared>> -> memref<16x128xf32, #tpu.memory_space<vmem_shared>>
      %dma_wait3A_182 = arith.constant 0 : i32
      %dma_wait3A_183 = tpu.memref_slice %arg13[%add3A_37, %dma_wait3A_182] : memref<2816x128xf32, #tpu.memory_space<vmem_shared>> -> memref<16x128xf32, #tpu.memory_space<vmem_shared>>
      tpu.wait_dma2 semaphore(%run_scoped3A : memref<!tpu.dma_semaphore, #tpu.memory_space<semaphore_mem>>) src(%arg11 : memref<16x128xf32, #tpu.memory_space<vmem>>) dst(%dma_wait3A_183 : memref<16x128xf32, #tpu.memory_space<vmem_shared>>)
      tpu.yield
    }) : () -> ()
    %add3A_38 = arith.constant 160 : i32
    %add3A_39 = arith.addi %mul3A_0, %add3A_38 : i32
    "tpu.region"() ({
      %run_scoped3A = tpu.sem_alloc : memref<!tpu.dma_semaphore, #tpu.memory_space<semaphore_mem>>
      %dma_start3A = arith.constant 0 : i32
      %dma_start3A_178 = tpu.memref_slice %arg13[%add3A_39, %dma_start3A] : memref<2816x128xf32, #tpu.memory_space<vmem_shared>> -> memref<16x128xf32, #tpu.memory_space<vmem_shared>>
      %dma_start3A_179 = arith.constant 0 : i32
      %dma_start3A_180 = tpu.memref_slice %arg13[%add3A_39, %dma_start3A_179] : memref<2816x128xf32, #tpu.memory_space<vmem_shared>> -> memref<16x128xf32, #tpu.memory_space<vmem_shared>>
      tpu.enqueue_dma source(%arg11 : memref<16x128xf32, #tpu.memory_space<vmem>>) target(%dma_start3A_180 : memref<16x128xf32, #tpu.memory_space<vmem_shared>>) target_semaphore(%run_scoped3A : memref<!tpu.dma_semaphore, #tpu.memory_space<semaphore_mem>>)
      %dma_wait3A = arith.constant 0 : i32
      %dma_wait3A_181 = tpu.memref_slice %arg13[%add3A_39, %dma_wait3A] : memref<2816x128xf32, #tpu.memory_space<vmem_shared>> -> memref<16x128xf32, #tpu.memory_space<vmem_shared>>
      %dma_wait3A_182 = arith.constant 0 : i32
      %dma_wait3A_183 = tpu.memref_slice %arg13[%add3A_39, %dma_wait3A_182] : memref<2816x128xf32, #tpu.memory_space<vmem_shared>> -> memref<16x128xf32, #tpu.memory_space<vmem_shared>>
      tpu.wait_dma2 semaphore(%run_scoped3A : memref<!tpu.dma_semaphore, #tpu.memory_space<semaphore_mem>>) src(%arg11 : memref<16x128xf32, #tpu.memory_space<vmem>>) dst(%dma_wait3A_183 : memref<16x128xf32, #tpu.memory_space<vmem_shared>>)
      tpu.yield
    }) : () -> ()
    %barrier3A = arith.constant 0 : index
    tpu.barrier barrier_id(%barrier3A)
    %convert_element_type3A_40 = arith.extui %eq3A_11 : i1 to i32
    %cond3A_41 = arith.constant 0 : i32
    %cond3A_42 = arith.cmpi ne, %convert_element_type3A_40, %cond3A_41 : i32
    scf.if %cond3A_42 {
      %scan3A_178 = arith.constant 0 : i32
      %scan3A_179 = arith.constant 0 : i32
      %scan3A_180 = arith.constant 86 : i32
      %scan3A_181 = arith.addi %scan3A_179, %scan3A_180 : i32
      %scan3A_182 = arith.constant 1 : i32
      scf.for %scan3A_184 = %scan3A_179 to %scan3A_181 step %scan3A_182  : i32 {
        %mul3A_185 = arith.constant 2 : i32
        %mul3A_186 = arith.muli %scan3A_184, %mul3A_185 : i32
        %add3A_187 = arith.constant 1 : i32
        %add3A_188 = arith.addi %mul3A_186, %add3A_187 : i32
        "tpu.region"() ({
          %run_scoped3A = tpu.sem_alloc : memref<!tpu.dma_semaphore, #tpu.memory_space<semaphore_mem>>
          %dma_start3A = arith.constant 0 : i32
          %dma_start3A_189 = tpu.memref_slice %arg8[%mul3A_186, %dma_start3A] : memref<172x120xi32, #tpu.memory_space<vmem>> -> memref<1x120xi32, #tpu.memory_space<vmem>>
          %dma_start3A_190 = tpu.memref_squeeze %dma_start3A_189 : memref<1x120xi32, #tpu.memory_space<vmem>> -> memref<120xi32, #tpu.memory_space<vmem>>
          %dma_start3A_191 = arith.constant 0 : i32
          %dma_start3A_192 = arith.constant 0 : i32
          %dma_start3A_193 = tpu.memref_slice %arg13[%dma_start3A_191, %dma_start3A_192] : memref<2816x128xf32, #tpu.memory_space<vmem_shared>> -> memref<2816x128xf32, #tpu.memory_space<vmem_shared>>
          tpu.enqueue_indirect_dma source(%arg9 : memref<120x128xf32, #tpu.memory_space<vmem>>) target(%dma_start3A_193 : memref<2816x128xf32, #tpu.memory_space<vmem_shared>>) offsets(%dma_start3A_190 : memref<120xi32, #tpu.memory_space<vmem>>) semaphore(%run_scoped3A : memref<!tpu.dma_semaphore, #tpu.memory_space<semaphore_mem>>) {add = true}
          %dma_wait3A = arith.constant 0 : i32
          %dma_wait3A_194 = tpu.memref_slice %arg8[%mul3A_186, %dma_wait3A] : memref<172x120xi32, #tpu.memory_space<vmem>> -> memref<1x120xi32, #tpu.memory_space<vmem>>
          %dma_wait3A_195 = tpu.memref_squeeze %dma_wait3A_194 : memref<1x120xi32, #tpu.memory_space<vmem>> -> memref<120xi32, #tpu.memory_space<vmem>>
          %dma_wait3A_196 = arith.constant 0 : i32
          %dma_wait3A_197 = arith.constant 0 : i32
          %dma_wait3A_198 = tpu.memref_slice %arg13[%dma_wait3A_196, %dma_wait3A_197] : memref<2816x128xf32, #tpu.memory_space<vmem_shared>> -> memref<2816x128xf32, #tpu.memory_space<vmem_shared>>
          tpu.wait_indirect_dma semaphore(%run_scoped3A : memref<!tpu.dma_semaphore, #tpu.memory_space<semaphore_mem>>) src(%arg9 : memref<120x128xf32, #tpu.memory_space<vmem>>) dst(%dma_wait3A_198 : memref<2816x128xf32, #tpu.memory_space<vmem_shared>>)
          tpu.yield
        }) : () -> ()
        "tpu.region"() ({
          %run_scoped3A = tpu.sem_alloc : memref<!tpu.dma_semaphore, #tpu.memory_space<semaphore_mem>>
          %dma_start3A = arith.constant 0 : i32
          %dma_start3A_189 = tpu.memref_slice %arg8[%add3A_188, %dma_start3A] : memref<172x120xi32, #tpu.memory_space<vmem>> -> memref<1x120xi32, #tpu.memory_space<vmem>>
          %dma_start3A_190 = tpu.memref_squeeze %dma_start3A_189 : memref<1x120xi32, #tpu.memory_space<vmem>> -> memref<120xi32, #tpu.memory_space<vmem>>
          %dma_start3A_191 = arith.constant 0 : i32
          %dma_start3A_192 = arith.constant 0 : i32
          %dma_start3A_193 = tpu.memref_slice %arg13[%dma_start3A_191, %dma_start3A_192] : memref<2816x128xf32, #tpu.memory_space<vmem_shared>> -> memref<2816x128xf32, #tpu.memory_space<vmem_shared>>
          tpu.enqueue_indirect_dma source(%arg9 : memref<120x128xf32, #tpu.memory_space<vmem>>) target(%dma_start3A_193 : memref<2816x128xf32, #tpu.memory_space<vmem_shared>>) offsets(%dma_start3A_190 : memref<120xi32, #tpu.memory_space<vmem>>) semaphore(%run_scoped3A : memref<!tpu.dma_semaphore, #tpu.memory_space<semaphore_mem>>) {add = true}
          %dma_wait3A = arith.constant 0 : i32
          %dma_wait3A_194 = tpu.memref_slice %arg8[%add3A_188, %dma_wait3A] : memref<172x120xi32, #tpu.memory_space<vmem>> -> memref<1x120xi32, #tpu.memory_space<vmem>>
          %dma_wait3A_195 = tpu.memref_squeeze %dma_wait3A_194 : memref<1x120xi32, #tpu.memory_space<vmem>> -> memref<120xi32, #tpu.memory_space<vmem>>
          %dma_wait3A_196 = arith.constant 0 : i32
          %dma_wait3A_197 = arith.constant 0 : i32
          %dma_wait3A_198 = tpu.memref_slice %arg13[%dma_wait3A_196, %dma_wait3A_197] : memref<2816x128xf32, #tpu.memory_space<vmem_shared>> -> memref<2816x128xf32, #tpu.memory_space<vmem_shared>>
          tpu.wait_indirect_dma semaphore(%run_scoped3A : memref<!tpu.dma_semaphore, #tpu.memory_space<semaphore_mem>>) src(%arg9 : memref<120x128xf32, #tpu.memory_space<vmem>>) dst(%dma_wait3A_198 : memref<2816x128xf32, #tpu.memory_space<vmem_shared>>)
          tpu.yield
        }) : () -> ()
      }
      %scan3A_183 = arith.constant 86 : i32
    } else {
    }
    %not3A_43 = arith.constant true
    %not3A_44 = arith.xori %eq3A_11, %not3A_43 : i1
    %convert_element_type3A_45 = arith.extui %not3A_44 : i1 to i32
    %cond3A_46 = arith.constant 0 : i32
    %cond3A_47 = arith.cmpi ne, %convert_element_type3A_45, %cond3A_46 : i32
    scf.if %cond3A_47 {
      %scan3A_178 = arith.constant 0 : i32
      %scan3A_179 = arith.constant 0 : i32
      %scan3A_180 = arith.constant 86 : i32
      %scan3A_181 = arith.addi %scan3A_179, %scan3A_180 : i32
      %scan3A_182 = arith.constant 1 : i32
      scf.for %scan3A_184 = %scan3A_179 to %scan3A_181 step %scan3A_182  : i32 {
        %mul3A_185 = arith.constant 2 : i32
        %mul3A_186 = arith.muli %scan3A_184, %mul3A_185 : i32
        %add3A_187 = arith.constant 1 : i32
        %add3A_188 = arith.addi %mul3A_186, %add3A_187 : i32
        %add3A_189 = arith.constant 2 : i32
        %add3A_190 = arith.addi %mul3A_186, %add3A_189 : i32
        %lt3A = arith.constant 172 : i32
        %lt3A_191 = arith.cmpi slt, %add3A_190, %lt3A : i32
        %add3A_192 = arith.constant 2 : i32
        %add3A_193 = arith.addi %mul3A_186, %add3A_192 : i32
        %add3A_194 = arith.constant 2 : i32
        %add3A_195 = arith.addi %mul3A_186, %add3A_194 : i32
        %sub3A = arith.constant 172 : i32
        %sub3A_196 = arith.subi %add3A_195, %sub3A : i32
        %select_n3A = arith.select %lt3A_191, %add3A_193, %sub3A_196 : i32
        %add3A_197 = arith.constant 2 : i32
        %add3A_198 = arith.addi %add3A_188, %add3A_197 : i32
        %lt3A_199 = arith.constant 172 : i32
        %lt3A_200 = arith.cmpi slt, %add3A_198, %lt3A_199 : i32
        %add3A_201 = arith.constant 2 : i32
        %add3A_202 = arith.addi %add3A_188, %add3A_201 : i32
        %add3A_203 = arith.constant 2 : i32
        %add3A_204 = arith.addi %add3A_188, %add3A_203 : i32
        %sub3A_205 = arith.constant 172 : i32
        %sub3A_206 = arith.subi %add3A_204, %sub3A_205 : i32
        %select_n3A_207 = arith.select %lt3A_200, %add3A_202, %sub3A_206 : i32
        %dma_wait3A = arith.constant 0 : i32
        %dma_wait3A_208 = tpu.memref_slice %arg7[%mul3A_186, %dma_wait3A] : memref<172x120xi32, #tpu.memory_space<vmem>> -> memref<1x120xi32, #tpu.memory_space<vmem>>
        %dma_wait3A_209 = tpu.memref_squeeze %dma_wait3A_208 : memref<1x120xi32, #tpu.memory_space<vmem>> -> memref<120xi32, #tpu.memory_space<vmem>>
        %dma_wait3A_210 = arith.constant 0 : i32
        %dma_wait3A_211 = arith.constant 0 : i32
        %dma_wait3A_212 = tpu.memref_slice %arg2[%dma_wait3A_210, %dma_wait3A_211] : memref<10000x128xf32, #tpu.memory_space<hbm>> -> memref<10000x128xf32, #tpu.memory_space<hbm>>
        tpu.wait_indirect_dma semaphore(%arg15 : memref<!tpu.dma_semaphore, #tpu.memory_space<semaphore_mem>>) src(%dma_wait3A_212 : memref<10000x128xf32, #tpu.memory_space<hbm>>) dst(%arg9 : memref<120x128xf32, #tpu.memory_space<vmem>>)
        "tpu.region"() ({
          %run_scoped3A = tpu.sem_alloc : memref<!tpu.dma_semaphore, #tpu.memory_space<semaphore_mem>>
          %dma_start3A_230 = arith.constant 0 : i32
          %dma_start3A_231 = tpu.memref_slice %arg8[%mul3A_186, %dma_start3A_230] : memref<172x120xi32, #tpu.memory_space<vmem>> -> memref<1x120xi32, #tpu.memory_space<vmem>>
          %dma_start3A_232 = tpu.memref_squeeze %dma_start3A_231 : memref<1x120xi32, #tpu.memory_space<vmem>> -> memref<120xi32, #tpu.memory_space<vmem>>
          %dma_start3A_233 = arith.constant 0 : i32
          %dma_start3A_234 = arith.constant 0 : i32
          %dma_start3A_235 = tpu.memref_slice %arg13[%dma_start3A_233, %dma_start3A_234] : memref<2816x128xf32, #tpu.memory_space<vmem_shared>> -> memref<2816x128xf32, #tpu.memory_space<vmem_shared>>
          tpu.enqueue_indirect_dma source(%arg9 : memref<120x128xf32, #tpu.memory_space<vmem>>) target(%dma_start3A_235 : memref<2816x128xf32, #tpu.memory_space<vmem_shared>>) offsets(%dma_start3A_232 : memref<120xi32, #tpu.memory_space<vmem>>) semaphore(%run_scoped3A : memref<!tpu.dma_semaphore, #tpu.memory_space<semaphore_mem>>) {add = true}
          %dma_wait3A_236 = arith.constant 0 : i32
          %dma_wait3A_237 = tpu.memref_slice %arg8[%mul3A_186, %dma_wait3A_236] : memref<172x120xi32, #tpu.memory_space<vmem>> -> memref<1x120xi32, #tpu.memory_space<vmem>>
          %dma_wait3A_238 = tpu.memref_squeeze %dma_wait3A_237 : memref<1x120xi32, #tpu.memory_space<vmem>> -> memref<120xi32, #tpu.memory_space<vmem>>
          %dma_wait3A_239 = arith.constant 0 : i32
          %dma_wait3A_240 = arith.constant 0 : i32
          %dma_wait3A_241 = tpu.memref_slice %arg13[%dma_wait3A_239, %dma_wait3A_240] : memref<2816x128xf32, #tpu.memory_space<vmem_shared>> -> memref<2816x128xf32, #tpu.memory_space<vmem_shared>>
          tpu.wait_indirect_dma semaphore(%run_scoped3A : memref<!tpu.dma_semaphore, #tpu.memory_space<semaphore_mem>>) src(%arg9 : memref<120x128xf32, #tpu.memory_space<vmem>>) dst(%dma_wait3A_241 : memref<2816x128xf32, #tpu.memory_space<vmem_shared>>)
          tpu.yield
        }) : () -> ()
        %dma_start3A = arith.constant 0 : i32
        %dma_start3A_213 = tpu.memref_slice %arg7[%select_n3A, %dma_start3A] : memref<172x120xi32, #tpu.memory_space<vmem>> -> memref<1x120xi32, #tpu.memory_space<vmem>>
        %dma_start3A_214 = tpu.memref_squeeze %dma_start3A_213 : memref<1x120xi32, #tpu.memory_space<vmem>> -> memref<120xi32, #tpu.memory_space<vmem>>
        %dma_start3A_215 = arith.constant 0 : i32
        %dma_start3A_216 = arith.constant 0 : i32
        %dma_start3A_217 = tpu.memref_slice %arg2[%dma_start3A_215, %dma_start3A_216] : memref<10000x128xf32, #tpu.memory_space<hbm>> -> memref<10000x128xf32, #tpu.memory_space<hbm>>
        tpu.enqueue_indirect_dma source(%dma_start3A_217 : memref<10000x128xf32, #tpu.memory_space<hbm>>) target(%arg9 : memref<120x128xf32, #tpu.memory_space<vmem>>) offsets(%dma_start3A_214 : memref<120xi32, #tpu.memory_space<vmem>>) semaphore(%arg15 : memref<!tpu.dma_semaphore, #tpu.memory_space<semaphore_mem>>)
        %dma_wait3A_218 = arith.constant 0 : i32
        %dma_wait3A_219 = tpu.memref_slice %arg7[%add3A_188, %dma_wait3A_218] : memref<172x120xi32, #tpu.memory_space<vmem>> -> memref<1x120xi32, #tpu.memory_space<vmem>>
        %dma_wait3A_220 = tpu.memref_squeeze %dma_wait3A_219 : memref<1x120xi32, #tpu.memory_space<vmem>> -> memref<120xi32, #tpu.memory_space<vmem>>
        %dma_wait3A_221 = arith.constant 0 : i32
        %dma_wait3A_222 = arith.constant 0 : i32
        %dma_wait3A_223 = tpu.memref_slice %arg2[%dma_wait3A_221, %dma_wait3A_222] : memref<10000x128xf32, #tpu.memory_space<hbm>> -> memref<10000x128xf32, #tpu.memory_space<hbm>>
        tpu.wait_indirect_dma semaphore(%arg16 : memref<!tpu.dma_semaphore, #tpu.memory_space<semaphore_mem>>) src(%dma_wait3A_223 : memref<10000x128xf32, #tpu.memory_space<hbm>>) dst(%arg10 : memref<120x128xf32, #tpu.memory_space<vmem>>)
        "tpu.region"() ({
          %run_scoped3A = tpu.sem_alloc : memref<!tpu.dma_semaphore, #tpu.memory_space<semaphore_mem>>
          %dma_start3A_230 = arith.constant 0 : i32
          %dma_start3A_231 = tpu.memref_slice %arg8[%add3A_188, %dma_start3A_230] : memref<172x120xi32, #tpu.memory_space<vmem>> -> memref<1x120xi32, #tpu.memory_space<vmem>>
          %dma_start3A_232 = tpu.memref_squeeze %dma_start3A_231 : memref<1x120xi32, #tpu.memory_space<vmem>> -> memref<120xi32, #tpu.memory_space<vmem>>
          %dma_start3A_233 = arith.constant 0 : i32
          %dma_start3A_234 = arith.constant 0 : i32
          %dma_start3A_235 = tpu.memref_slice %arg13[%dma_start3A_233, %dma_start3A_234] : memref<2816x128xf32, #tpu.memory_space<vmem_shared>> -> memref<2816x128xf32, #tpu.memory_space<vmem_shared>>
          tpu.enqueue_indirect_dma source(%arg10 : memref<120x128xf32, #tpu.memory_space<vmem>>) target(%dma_start3A_235 : memref<2816x128xf32, #tpu.memory_space<vmem_shared>>) offsets(%dma_start3A_232 : memref<120xi32, #tpu.memory_space<vmem>>) semaphore(%run_scoped3A : memref<!tpu.dma_semaphore, #tpu.memory_space<semaphore_mem>>) {add = true}
          %dma_wait3A_236 = arith.constant 0 : i32
          %dma_wait3A_237 = tpu.memref_slice %arg8[%add3A_188, %dma_wait3A_236] : memref<172x120xi32, #tpu.memory_space<vmem>> -> memref<1x120xi32, #tpu.memory_space<vmem>>
          %dma_wait3A_238 = tpu.memref_squeeze %dma_wait3A_237 : memref<1x120xi32, #tpu.memory_space<vmem>> -> memref<120xi32, #tpu.memory_space<vmem>>
          %dma_wait3A_239 = arith.constant 0 : i32
          %dma_wait3A_240 = arith.constant 0 : i32
          %dma_wait3A_241 = tpu.memref_slice %arg13[%dma_wait3A_239, %dma_wait3A_240] : memref<2816x128xf32, #tpu.memory_space<vmem_shared>> -> memref<2816x128xf32, #tpu.memory_space<vmem_shared>>
          tpu.wait_indirect_dma semaphore(%run_scoped3A : memref<!tpu.dma_semaphore, #tpu.memory_space<semaphore_mem>>) src(%arg10 : memref<120x128xf32, #tpu.memory_space<vmem>>) dst(%dma_wait3A_241 : memref<2816x128xf32, #tpu.memory_space<vmem_shared>>)
          tpu.yield
        }) : () -> ()
        %dma_start3A_224 = arith.constant 0 : i32
        %dma_start3A_225 = tpu.memref_slice %arg7[%select_n3A_207, %dma_start3A_224] : memref<172x120xi32, #tpu.memory_space<vmem>> -> memref<1x120xi32, #tpu.memory_space<vmem>>
        %dma_start3A_226 = tpu.memref_squeeze %dma_start3A_225 : memref<1x120xi32, #tpu.memory_space<vmem>> -> memref<120xi32, #tpu.memory_space<vmem>>
        %dma_start3A_227 = arith.constant 0 : i32
        %dma_start3A_228 = arith.constant 0 : i32
        %dma_start3A_229 = tpu.memref_slice %arg2[%dma_start3A_227, %dma_start3A_228] : memref<10000x128xf32, #tpu.memory_space<hbm>> -> memref<10000x128xf32, #tpu.memory_space<hbm>>
        tpu.enqueue_indirect_dma source(%dma_start3A_229 : memref<10000x128xf32, #tpu.memory_space<hbm>>) target(%arg10 : memref<120x128xf32, #tpu.memory_space<vmem>>) offsets(%dma_start3A_226 : memref<120xi32, #tpu.memory_space<vmem>>) semaphore(%arg16 : memref<!tpu.dma_semaphore, #tpu.memory_space<semaphore_mem>>)
      }
      %scan3A_183 = arith.constant 86 : i32
    } else {
    }
    %barrier3A_48 = arith.constant 0 : index
    tpu.barrier barrier_id(%barrier3A_48)
    %add3A_49 = arith.constant 0 : i32
    %add3A_50 = arith.addi %mul3A_0, %add3A_49 : i32
    "tpu.region"() ({
      %run_scoped3A = tpu.sem_alloc : memref<!tpu.dma_semaphore, #tpu.memory_space<semaphore_mem>>
      %dma_start3A = arith.constant 0 : i32
      %dma_start3A_178 = tpu.memref_slice %arg13[%add3A_50, %dma_start3A] : memref<2816x128xf32, #tpu.memory_space<vmem_shared>> -> memref<16x128xf32, #tpu.memory_space<vmem_shared>>
      %dma_start3A_179 = arith.constant 0 : i32
      %dma_start3A_180 = tpu.memref_slice %arg13[%add3A_50, %dma_start3A_179] : memref<2816x128xf32, #tpu.memory_space<vmem_shared>> -> memref<16x128xf32, #tpu.memory_space<vmem_shared>>
      tpu.enqueue_dma source(%dma_start3A_180 : memref<16x128xf32, #tpu.memory_space<vmem_shared>>) target(%arg12 : memref<16x128xf32, #tpu.memory_space<vmem>>) target_semaphore(%run_scoped3A : memref<!tpu.dma_semaphore, #tpu.memory_space<semaphore_mem>>)
      %dma_wait3A = arith.constant 0 : i32
      %dma_wait3A_181 = tpu.memref_slice %arg13[%add3A_50, %dma_wait3A] : memref<2816x128xf32, #tpu.memory_space<vmem_shared>> -> memref<16x128xf32, #tpu.memory_space<vmem_shared>>
      %dma_wait3A_182 = arith.constant 0 : i32
      %dma_wait3A_183 = tpu.memref_slice %arg13[%add3A_50, %dma_wait3A_182] : memref<2816x128xf32, #tpu.memory_space<vmem_shared>> -> memref<16x128xf32, #tpu.memory_space<vmem_shared>>
      tpu.wait_dma2 semaphore(%run_scoped3A : memref<!tpu.dma_semaphore, #tpu.memory_space<semaphore_mem>>) src(%dma_wait3A_183 : memref<16x128xf32, #tpu.memory_space<vmem_shared>>) dst(%arg12 : memref<16x128xf32, #tpu.memory_space<vmem>>)
      tpu.yield
    }) : () -> ()
    %add3A_51 = arith.constant 0 : i32
    %add3A_52 = arith.addi %mul3A_0, %add3A_51 : i32
    "tpu.region"() ({
      %run_scoped3A = tpu.sem_alloc : memref<!tpu.dma_semaphore, #tpu.memory_space<semaphore_mem>>
      %dma_start3A = arith.constant 0 : i32
      %dma_start3A_178 = arith.constant 0 : i32
      %dma_start3A_179 = tpu.memref_slice %arg6[%add3A_17, %dma_start3A, %dma_start3A_178] : memref<4x2816x128xf32, #tpu.memory_space<hbm>> -> memref<1x2816x128xf32, #tpu.memory_space<hbm>>
      %dma_start3A_180 = tpu.memref_squeeze %dma_start3A_179 : memref<1x2816x128xf32, #tpu.memory_space<hbm>> -> memref<2816x128xf32, #tpu.memory_space<hbm>>
      %dma_start3A_181 = arith.constant 0 : i32
      %dma_start3A_182 = tpu.memref_slice %dma_start3A_180[%add3A_52, %dma_start3A_181] : memref<2816x128xf32, #tpu.memory_space<hbm>> -> memref<16x128xf32, #tpu.memory_space<hbm>>
      %dma_start3A_183 = arith.constant 0 : i32
      %dma_start3A_184 = arith.constant 0 : i32
      %dma_start3A_185 = tpu.memref_slice %arg6[%add3A_17, %dma_start3A_183, %dma_start3A_184] : memref<4x2816x128xf32, #tpu.memory_space<hbm>> -> memref<1x2816x128xf32, #tpu.memory_space<hbm>>
      %dma_start3A_186 = tpu.memref_squeeze %dma_start3A_185 : memref<1x2816x128xf32, #tpu.memory_space<hbm>> -> memref<2816x128xf32, #tpu.memory_space<hbm>>
      %dma_start3A_187 = arith.constant 0 : i32
      %dma_start3A_188 = tpu.memref_slice %dma_start3A_186[%add3A_52, %dma_start3A_187] : memref<2816x128xf32, #tpu.memory_space<hbm>> -> memref<16x128xf32, #tpu.memory_space<hbm>>
      tpu.enqueue_dma source(%arg12 : memref<16x128xf32, #tpu.memory_space<vmem>>) target(%dma_start3A_188 : memref<16x128xf32, #tpu.memory_space<hbm>>) target_semaphore(%run_scoped3A : memref<!tpu.dma_semaphore, #tpu.memory_space<semaphore_mem>>)
      %dma_wait3A = arith.constant 0 : i32
      %dma_wait3A_189 = arith.constant 0 : i32
      %dma_wait3A_190 = tpu.memref_slice %arg6[%add3A_17, %dma_wait3A, %dma_wait3A_189] : memref<4x2816x128xf32, #tpu.memory_space<hbm>> -> memref<1x2816x128xf32, #tpu.memory_space<hbm>>
      %dma_wait3A_191 = tpu.memref_squeeze %dma_wait3A_190 : memref<1x2816x128xf32, #tpu.memory_space<hbm>> -> memref<2816x128xf32, #tpu.memory_space<hbm>>
      %dma_wait3A_192 = arith.constant 0 : i32
      %dma_wait3A_193 = tpu.memref_slice %dma_wait3A_191[%add3A_52, %dma_wait3A_192] : memref<2816x128xf32, #tpu.memory_space<hbm>> -> memref<16x128xf32, #tpu.memory_space<hbm>>
      %dma_wait3A_194 = arith.constant 0 : i32
      %dma_wait3A_195 = arith.constant 0 : i32
      %dma_wait3A_196 = tpu.memref_slice %arg6[%add3A_17, %dma_wait3A_194, %dma_wait3A_195] : memref<4x2816x128xf32, #tpu.memory_space<hbm>> -> memref<1x2816x128xf32, #tpu.memory_space<hbm>>
      %dma_wait3A_197 = tpu.memref_squeeze %dma_wait3A_196 : memref<1x2816x128xf32, #tpu.memory_space<hbm>> -> memref<2816x128xf32, #tpu.memory_space<hbm>>
      %dma_wait3A_198 = arith.constant 0 : i32
      %dma_wait3A_199 = tpu.memref_slice %dma_wait3A_197[%add3A_52, %dma_wait3A_198] : memref<2816x128xf32, #tpu.memory_space<hbm>> -> memref<16x128xf32, #tpu.memory_space<hbm>>
      tpu.wait_dma2 semaphore(%run_scoped3A : memref<!tpu.dma_semaphore, #tpu.memory_space<semaphore_mem>>) src(%arg12 : memref<16x128xf32, #tpu.memory_space<vmem>>) dst(%dma_wait3A_199 : memref<16x128xf32, #tpu.memory_space<hbm>>)
      tpu.yield
    }) : () -> ()
    %add3A_53 = arith.constant 16 : i32
    %add3A_54 = arith.addi %mul3A_0, %add3A_53 : i32
    "tpu.region"() ({
      %run_scoped3A = tpu.sem_alloc : memref<!tpu.dma_semaphore, #tpu.memory_space<semaphore_mem>>
      %dma_start3A = arith.constant 0 : i32
      %dma_start3A_178 = tpu.memref_slice %arg13[%add3A_54, %dma_start3A] : memref<2816x128xf32, #tpu.memory_space<vmem_shared>> -> memref<16x128xf32, #tpu.memory_space<vmem_shared>>
      %dma_start3A_179 = arith.constant 0 : i32
      %dma_start3A_180 = tpu.memref_slice %arg13[%add3A_54, %dma_start3A_179] : memref<2816x128xf32, #tpu.memory_space<vmem_shared>> -> memref<16x128xf32, #tpu.memory_space<vmem_shared>>
      tpu.enqueue_dma source(%dma_start3A_180 : memref<16x128xf32, #tpu.memory_space<vmem_shared>>) target(%arg12 : memref<16x128xf32, #tpu.memory_space<vmem>>) target_semaphore(%run_scoped3A : memref<!tpu.dma_semaphore, #tpu.memory_space<semaphore_mem>>)
      %dma_wait3A = arith.constant 0 : i32
      %dma_wait3A_181 = tpu.memref_slice %arg13[%add3A_54, %dma_wait3A] : memref<2816x128xf32, #tpu.memory_space<vmem_shared>> -> memref<16x128xf32, #tpu.memory_space<vmem_shared>>
      %dma_wait3A_182 = arith.constant 0 : i32
      %dma_wait3A_183 = tpu.memref_slice %arg13[%add3A_54, %dma_wait3A_182] : memref<2816x128xf32, #tpu.memory_space<vmem_shared>> -> memref<16x128xf32, #tpu.memory_space<vmem_shared>>
      tpu.wait_dma2 semaphore(%run_scoped3A : memref<!tpu.dma_semaphore, #tpu.memory_space<semaphore_mem>>) src(%dma_wait3A_183 : memref<16x128xf32, #tpu.memory_space<vmem_shared>>) dst(%arg12 : memref<16x128xf32, #tpu.memory_space<vmem>>)
      tpu.yield
    }) : () -> ()
    %add3A_55 = arith.constant 16 : i32
    %add3A_56 = arith.addi %mul3A_0, %add3A_55 : i32
    "tpu.region"() ({
      %run_scoped3A = tpu.sem_alloc : memref<!tpu.dma_semaphore, #tpu.memory_space<semaphore_mem>>
      %dma_start3A = arith.constant 0 : i32
      %dma_start3A_178 = arith.constant 0 : i32
      %dma_start3A_179 = tpu.memref_slice %arg6[%add3A_17, %dma_start3A, %dma_start3A_178] : memref<4x2816x128xf32, #tpu.memory_space<hbm>> -> memref<1x2816x128xf32, #tpu.memory_space<hbm>>
      %dma_start3A_180 = tpu.memref_squeeze %dma_start3A_179 : memref<1x2816x128xf32, #tpu.memory_space<hbm>> -> memref<2816x128xf32, #tpu.memory_space<hbm>>
      %dma_start3A_181 = arith.constant 0 : i32
      %dma_start3A_182 = tpu.memref_slice %dma_start3A_180[%add3A_56, %dma_start3A_181] : memref<2816x128xf32, #tpu.memory_space<hbm>> -> memref<16x128xf32, #tpu.memory_space<hbm>>
      %dma_start3A_183 = arith.constant 0 : i32
      %dma_start3A_184 = arith.constant 0 : i32
      %dma_start3A_185 = tpu.memref_slice %arg6[%add3A_17, %dma_start3A_183, %dma_start3A_184] : memref<4x2816x128xf32, #tpu.memory_space<hbm>> -> memref<1x2816x128xf32, #tpu.memory_space<hbm>>
      %dma_start3A_186 = tpu.memref_squeeze %dma_start3A_185 : memref<1x2816x128xf32, #tpu.memory_space<hbm>> -> memref<2816x128xf32, #tpu.memory_space<hbm>>
      %dma_start3A_187 = arith.constant 0 : i32
      %dma_start3A_188 = tpu.memref_slice %dma_start3A_186[%add3A_56, %dma_start3A_187] : memref<2816x128xf32, #tpu.memory_space<hbm>> -> memref<16x128xf32, #tpu.memory_space<hbm>>
      tpu.enqueue_dma source(%arg12 : memref<16x128xf32, #tpu.memory_space<vmem>>) target(%dma_start3A_188 : memref<16x128xf32, #tpu.memory_space<hbm>>) target_semaphore(%run_scoped3A : memref<!tpu.dma_semaphore, #tpu.memory_space<semaphore_mem>>)
      %dma_wait3A = arith.constant 0 : i32
      %dma_wait3A_189 = arith.constant 0 : i32
      %dma_wait3A_190 = tpu.memref_slice %arg6[%add3A_17, %dma_wait3A, %dma_wait3A_189] : memref<4x2816x128xf32, #tpu.memory_space<hbm>> -> memref<1x2816x128xf32, #tpu.memory_space<hbm>>
      %dma_wait3A_191 = tpu.memref_squeeze %dma_wait3A_190 : memref<1x2816x128xf32, #tpu.memory_space<hbm>> -> memref<2816x128xf32, #tpu.memory_space<hbm>>
      %dma_wait3A_192 = arith.constant 0 : i32
      %dma_wait3A_193 = tpu.memref_slice %dma_wait3A_191[%add3A_56, %dma_wait3A_192] : memref<2816x128xf32, #tpu.memory_space<hbm>> -> memref<16x128xf32, #tpu.memory_space<hbm>>
      %dma_wait3A_194 = arith.constant 0 : i32
      %dma_wait3A_195 = arith.constant 0 : i32
      %dma_wait3A_196 = tpu.memref_slice %arg6[%add3A_17, %dma_wait3A_194, %dma_wait3A_195] : memref<4x2816x128xf32, #tpu.memory_space<hbm>> -> memref<1x2816x128xf32, #tpu.memory_space<hbm>>
      %dma_wait3A_197 = tpu.memref_squeeze %dma_wait3A_196 : memref<1x2816x128xf32, #tpu.memory_space<hbm>> -> memref<2816x128xf32, #tpu.memory_space<hbm>>
      %dma_wait3A_198 = arith.constant 0 : i32
      %dma_wait3A_199 = tpu.memref_slice %dma_wait3A_197[%add3A_56, %dma_wait3A_198] : memref<2816x128xf32, #tpu.memory_space<hbm>> -> memref<16x128xf32, #tpu.memory_space<hbm>>
      tpu.wait_dma2 semaphore(%run_scoped3A : memref<!tpu.dma_semaphore, #tpu.memory_space<semaphore_mem>>) src(%arg12 : memref<16x128xf32, #tpu.memory_space<vmem>>) dst(%dma_wait3A_199 : memref<16x128xf32, #tpu.memory_space<hbm>>)
      tpu.yield
    }) : () -> ()
    %add3A_57 = arith.constant 32 : i32
    %add3A_58 = arith.addi %mul3A_0, %add3A_57 : i32
    "tpu.region"() ({
      %run_scoped3A = tpu.sem_alloc : memref<!tpu.dma_semaphore, #tpu.memory_space<semaphore_mem>>
      %dma_start3A = arith.constant 0 : i32
      %dma_start3A_178 = tpu.memref_slice %arg13[%add3A_58, %dma_start3A] : memref<2816x128xf32, #tpu.memory_space<vmem_shared>> -> memref<16x128xf32, #tpu.memory_space<vmem_shared>>
      %dma_start3A_179 = arith.constant 0 : i32
      %dma_start3A_180 = tpu.memref_slice %arg13[%add3A_58, %dma_start3A_179] : memref<2816x128xf32, #tpu.memory_space<vmem_shared>> -> memref<16x128xf32, #tpu.memory_space<vmem_shared>>
      tpu.enqueue_dma source(%dma_start3A_180 : memref<16x128xf32, #tpu.memory_space<vmem_shared>>) target(%arg12 : memref<16x128xf32, #tpu.memory_space<vmem>>) target_semaphore(%run_scoped3A : memref<!tpu.dma_semaphore, #tpu.memory_space<semaphore_mem>>)
      %dma_wait3A = arith.constant 0 : i32
      %dma_wait3A_181 = tpu.memref_slice %arg13[%add3A_58, %dma_wait3A] : memref<2816x128xf32, #tpu.memory_space<vmem_shared>> -> memref<16x128xf32, #tpu.memory_space<vmem_shared>>
      %dma_wait3A_182 = arith.constant 0 : i32
      %dma_wait3A_183 = tpu.memref_slice %arg13[%add3A_58, %dma_wait3A_182] : memref<2816x128xf32, #tpu.memory_space<vmem_shared>> -> memref<16x128xf32, #tpu.memory_space<vmem_shared>>
      tpu.wait_dma2 semaphore(%run_scoped3A : memref<!tpu.dma_semaphore, #tpu.memory_space<semaphore_mem>>) src(%dma_wait3A_183 : memref<16x128xf32, #tpu.memory_space<vmem_shared>>) dst(%arg12 : memref<16x128xf32, #tpu.memory_space<vmem>>)
      tpu.yield
    }) : () -> ()
    %add3A_59 = arith.constant 32 : i32
    %add3A_60 = arith.addi %mul3A_0, %add3A_59 : i32
    "tpu.region"() ({
      %run_scoped3A = tpu.sem_alloc : memref<!tpu.dma_semaphore, #tpu.memory_space<semaphore_mem>>
      %dma_start3A = arith.constant 0 : i32
      %dma_start3A_178 = arith.constant 0 : i32
      %dma_start3A_179 = tpu.memref_slice %arg6[%add3A_17, %dma_start3A, %dma_start3A_178] : memref<4x2816x128xf32, #tpu.memory_space<hbm>> -> memref<1x2816x128xf32, #tpu.memory_space<hbm>>
      %dma_start3A_180 = tpu.memref_squeeze %dma_start3A_179 : memref<1x2816x128xf32, #tpu.memory_space<hbm>> -> memref<2816x128xf32, #tpu.memory_space<hbm>>
      %dma_start3A_181 = arith.constant 0 : i32
      %dma_start3A_182 = tpu.memref_slice %dma_start3A_180[%add3A_60, %dma_start3A_181] : memref<2816x128xf32, #tpu.memory_space<hbm>> -> memref<16x128xf32, #tpu.memory_space<hbm>>
      %dma_start3A_183 = arith.constant 0 : i32
      %dma_start3A_184 = arith.constant 0 : i32
      %dma_start3A_185 = tpu.memref_slice %arg6[%add3A_17, %dma_start3A_183, %dma_start3A_184] : memref<4x2816x128xf32, #tpu.memory_space<hbm>> -> memref<1x2816x128xf32, #tpu.memory_space<hbm>>
      %dma_start3A_186 = tpu.memref_squeeze %dma_start3A_185 : memref<1x2816x128xf32, #tpu.memory_space<hbm>> -> memref<2816x128xf32, #tpu.memory_space<hbm>>
      %dma_start3A_187 = arith.constant 0 : i32
      %dma_start3A_188 = tpu.memref_slice %dma_start3A_186[%add3A_60, %dma_start3A_187] : memref<2816x128xf32, #tpu.memory_space<hbm>> -> memref<16x128xf32, #tpu.memory_space<hbm>>
      tpu.enqueue_dma source(%arg12 : memref<16x128xf32, #tpu.memory_space<vmem>>) target(%dma_start3A_188 : memref<16x128xf32, #tpu.memory_space<hbm>>) target_semaphore(%run_scoped3A : memref<!tpu.dma_semaphore, #tpu.memory_space<semaphore_mem>>)
      %dma_wait3A = arith.constant 0 : i32
      %dma_wait3A_189 = arith.constant 0 : i32
      %dma_wait3A_190 = tpu.memref_slice %arg6[%add3A_17, %dma_wait3A, %dma_wait3A_189] : memref<4x2816x128xf32, #tpu.memory_space<hbm>> -> memref<1x2816x128xf32, #tpu.memory_space<hbm>>
      %dma_wait3A_191 = tpu.memref_squeeze %dma_wait3A_190 : memref<1x2816x128xf32, #tpu.memory_space<hbm>> -> memref<2816x128xf32, #tpu.memory_space<hbm>>
      %dma_wait3A_192 = arith.constant 0 : i32
      %dma_wait3A_193 = tpu.memref_slice %dma_wait3A_191[%add3A_60, %dma_wait3A_192] : memref<2816x128xf32, #tpu.memory_space<hbm>> -> memref<16x128xf32, #tpu.memory_space<hbm>>
      %dma_wait3A_194 = arith.constant 0 : i32
      %dma_wait3A_195 = arith.constant 0 : i32
      %dma_wait3A_196 = tpu.memref_slice %arg6[%add3A_17, %dma_wait3A_194, %dma_wait3A_195] : memref<4x2816x128xf32, #tpu.memory_space<hbm>> -> memref<1x2816x128xf32, #tpu.memory_space<hbm>>
      %dma_wait3A_197 = tpu.memref_squeeze %dma_wait3A_196 : memref<1x2816x128xf32, #tpu.memory_space<hbm>> -> memref<2816x128xf32, #tpu.memory_space<hbm>>
      %dma_wait3A_198 = arith.constant 0 : i32
      %dma_wait3A_199 = tpu.memref_slice %dma_wait3A_197[%add3A_60, %dma_wait3A_198] : memref<2816x128xf32, #tpu.memory_space<hbm>> -> memref<16x128xf32, #tpu.memory_space<hbm>>
      tpu.wait_dma2 semaphore(%run_scoped3A : memref<!tpu.dma_semaphore, #tpu.memory_space<semaphore_mem>>) src(%arg12 : memref<16x128xf32, #tpu.memory_space<vmem>>) dst(%dma_wait3A_199 : memref<16x128xf32, #tpu.memory_space<hbm>>)
      tpu.yield
    }) : () -> ()
    %add3A_61 = arith.constant 48 : i32
    %add3A_62 = arith.addi %mul3A_0, %add3A_61 : i32
    "tpu.region"() ({
      %run_scoped3A = tpu.sem_alloc : memref<!tpu.dma_semaphore, #tpu.memory_space<semaphore_mem>>
      %dma_start3A = arith.constant 0 : i32
      %dma_start3A_178 = tpu.memref_slice %arg13[%add3A_62, %dma_start3A] : memref<2816x128xf32, #tpu.memory_space<vmem_shared>> -> memref<16x128xf32, #tpu.memory_space<vmem_shared>>
      %dma_start3A_179 = arith.constant 0 : i32
      %dma_start3A_180 = tpu.memref_slice %arg13[%add3A_62, %dma_start3A_179] : memref<2816x128xf32, #tpu.memory_space<vmem_shared>> -> memref<16x128xf32, #tpu.memory_space<vmem_shared>>
      tpu.enqueue_dma source(%dma_start3A_180 : memref<16x128xf32, #tpu.memory_space<vmem_shared>>) target(%arg12 : memref<16x128xf32, #tpu.memory_space<vmem>>) target_semaphore(%run_scoped3A : memref<!tpu.dma_semaphore, #tpu.memory_space<semaphore_mem>>)
      %dma_wait3A = arith.constant 0 : i32
      %dma_wait3A_181 = tpu.memref_slice %arg13[%add3A_62, %dma_wait3A] : memref<2816x128xf32, #tpu.memory_space<vmem_shared>> -> memref<16x128xf32, #tpu.memory_space<vmem_shared>>
      %dma_wait3A_182 = arith.constant 0 : i32
      %dma_wait3A_183 = tpu.memref_slice %arg13[%add3A_62, %dma_wait3A_182] : memref<2816x128xf32, #tpu.memory_space<vmem_shared>> -> memref<16x128xf32, #tpu.memory_space<vmem_shared>>
      tpu.wait_dma2 semaphore(%run_scoped3A : memref<!tpu.dma_semaphore, #tpu.memory_space<semaphore_mem>>) src(%dma_wait3A_183 : memref<16x128xf32, #tpu.memory_space<vmem_shared>>) dst(%arg12 : memref<16x128xf32, #tpu.memory_space<vmem>>)
      tpu.yield
    }) : () -> ()
    %add3A_63 = arith.constant 48 : i32
    %add3A_64 = arith.addi %mul3A_0, %add3A_63 : i32
    "tpu.region"() ({
      %run_scoped3A = tpu.sem_alloc : memref<!tpu.dma_semaphore, #tpu.memory_space<semaphore_mem>>
      %dma_start3A = arith.constant 0 : i32
      %dma_start3A_178 = arith.constant 0 : i32
      %dma_start3A_179 = tpu.memref_slice %arg6[%add3A_17, %dma_start3A, %dma_start3A_178] : memref<4x2816x128xf32, #tpu.memory_space<hbm>> -> memref<1x2816x128xf32, #tpu.memory_space<hbm>>
      %dma_start3A_180 = tpu.memref_squeeze %dma_start3A_179 : memref<1x2816x128xf32, #tpu.memory_space<hbm>> -> memref<2816x128xf32, #tpu.memory_space<hbm>>
      %dma_start3A_181 = arith.constant 0 : i32
      %dma_start3A_182 = tpu.memref_slice %dma_start3A_180[%add3A_64, %dma_start3A_181] : memref<2816x128xf32, #tpu.memory_space<hbm>> -> memref<16x128xf32, #tpu.memory_space<hbm>>
      %dma_start3A_183 = arith.constant 0 : i32
      %dma_start3A_184 = arith.constant 0 : i32
      %dma_start3A_185 = tpu.memref_slice %arg6[%add3A_17, %dma_start3A_183, %dma_start3A_184] : memref<4x2816x128xf32, #tpu.memory_space<hbm>> -> memref<1x2816x128xf32, #tpu.memory_space<hbm>>
      %dma_start3A_186 = tpu.memref_squeeze %dma_start3A_185 : memref<1x2816x128xf32, #tpu.memory_space<hbm>> -> memref<2816x128xf32, #tpu.memory_space<hbm>>
      %dma_start3A_187 = arith.constant 0 : i32
      %dma_start3A_188 = tpu.memref_slice %dma_start3A_186[%add3A_64, %dma_start3A_187] : memref<2816x128xf32, #tpu.memory_space<hbm>> -> memref<16x128xf32, #tpu.memory_space<hbm>>
      tpu.enqueue_dma source(%arg12 : memref<16x128xf32, #tpu.memory_space<vmem>>) target(%dma_start3A_188 : memref<16x128xf32, #tpu.memory_space<hbm>>) target_semaphore(%run_scoped3A : memref<!tpu.dma_semaphore, #tpu.memory_space<semaphore_mem>>)
      %dma_wait3A = arith.constant 0 : i32
      %dma_wait3A_189 = arith.constant 0 : i32
      %dma_wait3A_190 = tpu.memref_slice %arg6[%add3A_17, %dma_wait3A, %dma_wait3A_189] : memref<4x2816x128xf32, #tpu.memory_space<hbm>> -> memref<1x2816x128xf32, #tpu.memory_space<hbm>>
      %dma_wait3A_191 = tpu.memref_squeeze %dma_wait3A_190 : memref<1x2816x128xf32, #tpu.memory_space<hbm>> -> memref<2816x128xf32, #tpu.memory_space<hbm>>
      %dma_wait3A_192 = arith.constant 0 : i32
      %dma_wait3A_193 = tpu.memref_slice %dma_wait3A_191[%add3A_64, %dma_wait3A_192] : memref<2816x128xf32, #tpu.memory_space<hbm>> -> memref<16x128xf32, #tpu.memory_space<hbm>>
      %dma_wait3A_194 = arith.constant 0 : i32
      %dma_wait3A_195 = arith.constant 0 : i32
      %dma_wait3A_196 = tpu.memref_slice %arg6[%add3A_17, %dma_wait3A_194, %dma_wait3A_195] : memref<4x2816x128xf32, #tpu.memory_space<hbm>> -> memref<1x2816x128xf32, #tpu.memory_space<hbm>>
      %dma_wait3A_197 = tpu.memref_squeeze %dma_wait3A_196 : memref<1x2816x128xf32, #tpu.memory_space<hbm>> -> memref<2816x128xf32, #tpu.memory_space<hbm>>
      %dma_wait3A_198 = arith.constant 0 : i32
      %dma_wait3A_199 = tpu.memref_slice %dma_wait3A_197[%add3A_64, %dma_wait3A_198] : memref<2816x128xf32, #tpu.memory_space<hbm>> -> memref<16x128xf32, #tpu.memory_space<hbm>>
      tpu.wait_dma2 semaphore(%run_scoped3A : memref<!tpu.dma_semaphore, #tpu.memory_space<semaphore_mem>>) src(%arg12 : memref<16x128xf32, #tpu.memory_space<vmem>>) dst(%dma_wait3A_199 : memref<16x128xf32, #tpu.memory_space<hbm>>)
      tpu.yield
    }) : () -> ()
    %add3A_65 = arith.constant 64 : i32
    %add3A_66 = arith.addi %mul3A_0, %add3A_65 : i32
    "tpu.region"() ({
      %run_scoped3A = tpu.sem_alloc : memref<!tpu.dma_semaphore, #tpu.memory_space<semaphore_mem>>
      %dma_start3A = arith.constant 0 : i32
      %dma_start3A_178 = tpu.memref_slice %arg13[%add3A_66, %dma_start3A] : memref<2816x128xf32, #tpu.memory_space<vmem_shared>> -> memref<16x128xf32, #tpu.memory_space<vmem_shared>>
      %dma_start3A_179 = arith.constant 0 : i32
      %dma_start3A_180 = tpu.memref_slice %arg13[%add3A_66, %dma_start3A_179] : memref<2816x128xf32, #tpu.memory_space<vmem_shared>> -> memref<16x128xf32, #tpu.memory_space<vmem_shared>>
      tpu.enqueue_dma source(%dma_start3A_180 : memref<16x128xf32, #tpu.memory_space<vmem_shared>>) target(%arg12 : memref<16x128xf32, #tpu.memory_space<vmem>>) target_semaphore(%run_scoped3A : memref<!tpu.dma_semaphore, #tpu.memory_space<semaphore_mem>>)
      %dma_wait3A = arith.constant 0 : i32
      %dma_wait3A_181 = tpu.memref_slice %arg13[%add3A_66, %dma_wait3A] : memref<2816x128xf32, #tpu.memory_space<vmem_shared>> -> memref<16x128xf32, #tpu.memory_space<vmem_shared>>
      %dma_wait3A_182 = arith.constant 0 : i32
      %dma_wait3A_183 = tpu.memref_slice %arg13[%add3A_66, %dma_wait3A_182] : memref<2816x128xf32, #tpu.memory_space<vmem_shared>> -> memref<16x128xf32, #tpu.memory_space<vmem_shared>>
      tpu.wait_dma2 semaphore(%run_scoped3A : memref<!tpu.dma_semaphore, #tpu.memory_space<semaphore_mem>>) src(%dma_wait3A_183 : memref<16x128xf32, #tpu.memory_space<vmem_shared>>) dst(%arg12 : memref<16x128xf32, #tpu.memory_space<vmem>>)
      tpu.yield
    }) : () -> ()
    %add3A_67 = arith.constant 64 : i32
    %add3A_68 = arith.addi %mul3A_0, %add3A_67 : i32
    "tpu.region"() ({
      %run_scoped3A = tpu.sem_alloc : memref<!tpu.dma_semaphore, #tpu.memory_space<semaphore_mem>>
      %dma_start3A = arith.constant 0 : i32
      %dma_start3A_178 = arith.constant 0 : i32
      %dma_start3A_179 = tpu.memref_slice %arg6[%add3A_17, %dma_start3A, %dma_start3A_178] : memref<4x2816x128xf32, #tpu.memory_space<hbm>> -> memref<1x2816x128xf32, #tpu.memory_space<hbm>>
      %dma_start3A_180 = tpu.memref_squeeze %dma_start3A_179 : memref<1x2816x128xf32, #tpu.memory_space<hbm>> -> memref<2816x128xf32, #tpu.memory_space<hbm>>
      %dma_start3A_181 = arith.constant 0 : i32
      %dma_start3A_182 = tpu.memref_slice %dma_start3A_180[%add3A_68, %dma_start3A_181] : memref<2816x128xf32, #tpu.memory_space<hbm>> -> memref<16x128xf32, #tpu.memory_space<hbm>>
      %dma_start3A_183 = arith.constant 0 : i32
      %dma_start3A_184 = arith.constant 0 : i32
      %dma_start3A_185 = tpu.memref_slice %arg6[%add3A_17, %dma_start3A_183, %dma_start3A_184] : memref<4x2816x128xf32, #tpu.memory_space<hbm>> -> memref<1x2816x128xf32, #tpu.memory_space<hbm>>
      %dma_start3A_186 = tpu.memref_squeeze %dma_start3A_185 : memref<1x2816x128xf32, #tpu.memory_space<hbm>> -> memref<2816x128xf32, #tpu.memory_space<hbm>>
      %dma_start3A_187 = arith.constant 0 : i32
      %dma_start3A_188 = tpu.memref_slice %dma_start3A_186[%add3A_68, %dma_start3A_187] : memref<2816x128xf32, #tpu.memory_space<hbm>> -> memref<16x128xf32, #tpu.memory_space<hbm>>
      tpu.enqueue_dma source(%arg12 : memref<16x128xf32, #tpu.memory_space<vmem>>) target(%dma_start3A_188 : memref<16x128xf32, #tpu.memory_space<hbm>>) target_semaphore(%run_scoped3A : memref<!tpu.dma_semaphore, #tpu.memory_space<semaphore_mem>>)
      %dma_wait3A = arith.constant 0 : i32
      %dma_wait3A_189 = arith.constant 0 : i32
      %dma_wait3A_190 = tpu.memref_slice %arg6[%add3A_17, %dma_wait3A, %dma_wait3A_189] : memref<4x2816x128xf32, #tpu.memory_space<hbm>> -> memref<1x2816x128xf32, #tpu.memory_space<hbm>>
      %dma_wait3A_191 = tpu.memref_squeeze %dma_wait3A_190 : memref<1x2816x128xf32, #tpu.memory_space<hbm>> -> memref<2816x128xf32, #tpu.memory_space<hbm>>
      %dma_wait3A_192 = arith.constant 0 : i32
      %dma_wait3A_193 = tpu.memref_slice %dma_wait3A_191[%add3A_68, %dma_wait3A_192] : memref<2816x128xf32, #tpu.memory_space<hbm>> -> memref<16x128xf32, #tpu.memory_space<hbm>>
      %dma_wait3A_194 = arith.constant 0 : i32
      %dma_wait3A_195 = arith.constant 0 : i32
      %dma_wait3A_196 = tpu.memref_slice %arg6[%add3A_17, %dma_wait3A_194, %dma_wait3A_195] : memref<4x2816x128xf32, #tpu.memory_space<hbm>> -> memref<1x2816x128xf32, #tpu.memory_space<hbm>>
      %dma_wait3A_197 = tpu.memref_squeeze %dma_wait3A_196 : memref<1x2816x128xf32, #tpu.memory_space<hbm>> -> memref<2816x128xf32, #tpu.memory_space<hbm>>
      %dma_wait3A_198 = arith.constant 0 : i32
      %dma_wait3A_199 = tpu.memref_slice %dma_wait3A_197[%add3A_68, %dma_wait3A_198] : memref<2816x128xf32, #tpu.memory_space<hbm>> -> memref<16x128xf32, #tpu.memory_space<hbm>>
      tpu.wait_dma2 semaphore(%run_scoped3A : memref<!tpu.dma_semaphore, #tpu.memory_space<semaphore_mem>>) src(%arg12 : memref<16x128xf32, #tpu.memory_space<vmem>>) dst(%dma_wait3A_199 : memref<16x128xf32, #tpu.memory_space<hbm>>)
      tpu.yield
    }) : () -> ()
    %add3A_69 = arith.constant 80 : i32
    %add3A_70 = arith.addi %mul3A_0, %add3A_69 : i32
    "tpu.region"() ({
      %run_scoped3A = tpu.sem_alloc : memref<!tpu.dma_semaphore, #tpu.memory_space<semaphore_mem>>
      %dma_start3A = arith.constant 0 : i32
      %dma_start3A_178 = tpu.memref_slice %arg13[%add3A_70, %dma_start3A] : memref<2816x128xf32, #tpu.memory_space<vmem_shared>> -> memref<16x128xf32, #tpu.memory_space<vmem_shared>>
      %dma_start3A_179 = arith.constant 0 : i32
      %dma_start3A_180 = tpu.memref_slice %arg13[%add3A_70, %dma_start3A_179] : memref<2816x128xf32, #tpu.memory_space<vmem_shared>> -> memref<16x128xf32, #tpu.memory_space<vmem_shared>>
      tpu.enqueue_dma source(%dma_start3A_180 : memref<16x128xf32, #tpu.memory_space<vmem_shared>>) target(%arg12 : memref<16x128xf32, #tpu.memory_space<vmem>>) target_semaphore(%run_scoped3A : memref<!tpu.dma_semaphore, #tpu.memory_space<semaphore_mem>>)
      %dma_wait3A = arith.constant 0 : i32
      %dma_wait3A_181 = tpu.memref_slice %arg13[%add3A_70, %dma_wait3A] : memref<2816x128xf32, #tpu.memory_space<vmem_shared>> -> memref<16x128xf32, #tpu.memory_space<vmem_shared>>
      %dma_wait3A_182 = arith.constant 0 : i32
      %dma_wait3A_183 = tpu.memref_slice %arg13[%add3A_70, %dma_wait3A_182] : memref<2816x128xf32, #tpu.memory_space<vmem_shared>> -> memref<16x128xf32, #tpu.memory_space<vmem_shared>>
      tpu.wait_dma2 semaphore(%run_scoped3A : memref<!tpu.dma_semaphore, #tpu.memory_space<semaphore_mem>>) src(%dma_wait3A_183 : memref<16x128xf32, #tpu.memory_space<vmem_shared>>) dst(%arg12 : memref<16x128xf32, #tpu.memory_space<vmem>>)
      tpu.yield
    }) : () -> ()
    %add3A_71 = arith.constant 80 : i32
    %add3A_72 = arith.addi %mul3A_0, %add3A_71 : i32
    "tpu.region"() ({
      %run_scoped3A = tpu.sem_alloc : memref<!tpu.dma_semaphore, #tpu.memory_space<semaphore_mem>>
      %dma_start3A = arith.constant 0 : i32
      %dma_start3A_178 = arith.constant 0 : i32
      %dma_start3A_179 = tpu.memref_slice %arg6[%add3A_17, %dma_start3A, %dma_start3A_178] : memref<4x2816x128xf32, #tpu.memory_space<hbm>> -> memref<1x2816x128xf32, #tpu.memory_space<hbm>>
      %dma_start3A_180 = tpu.memref_squeeze %dma_start3A_179 : memref<1x2816x128xf32, #tpu.memory_space<hbm>> -> memref<2816x128xf32, #tpu.memory_space<hbm>>
      %dma_start3A_181 = arith.constant 0 : i32
      %dma_start3A_182 = tpu.memref_slice %dma_start3A_180[%add3A_72, %dma_start3A_181] : memref<2816x128xf32, #tpu.memory_space<hbm>> -> memref<16x128xf32, #tpu.memory_space<hbm>>
      %dma_start3A_183 = arith.constant 0 : i32
      %dma_start3A_184 = arith.constant 0 : i32
      %dma_start3A_185 = tpu.memref_slice %arg6[%add3A_17, %dma_start3A_183, %dma_start3A_184] : memref<4x2816x128xf32, #tpu.memory_space<hbm>> -> memref<1x2816x128xf32, #tpu.memory_space<hbm>>
      %dma_start3A_186 = tpu.memref_squeeze %dma_start3A_185 : memref<1x2816x128xf32, #tpu.memory_space<hbm>> -> memref<2816x128xf32, #tpu.memory_space<hbm>>
      %dma_start3A_187 = arith.constant 0 : i32
      %dma_start3A_188 = tpu.memref_slice %dma_start3A_186[%add3A_72, %dma_start3A_187] : memref<2816x128xf32, #tpu.memory_space<hbm>> -> memref<16x128xf32, #tpu.memory_space<hbm>>
      tpu.enqueue_dma source(%arg12 : memref<16x128xf32, #tpu.memory_space<vmem>>) target(%dma_start3A_188 : memref<16x128xf32, #tpu.memory_space<hbm>>) target_semaphore(%run_scoped3A : memref<!tpu.dma_semaphore, #tpu.memory_space<semaphore_mem>>)
      %dma_wait3A = arith.constant 0 : i32
      %dma_wait3A_189 = arith.constant 0 : i32
      %dma_wait3A_190 = tpu.memref_slice %arg6[%add3A_17, %dma_wait3A, %dma_wait3A_189] : memref<4x2816x128xf32, #tpu.memory_space<hbm>> -> memref<1x2816x128xf32, #tpu.memory_space<hbm>>
      %dma_wait3A_191 = tpu.memref_squeeze %dma_wait3A_190 : memref<1x2816x128xf32, #tpu.memory_space<hbm>> -> memref<2816x128xf32, #tpu.memory_space<hbm>>
      %dma_wait3A_192 = arith.constant 0 : i32
      %dma_wait3A_193 = tpu.memref_slice %dma_wait3A_191[%add3A_72, %dma_wait3A_192] : memref<2816x128xf32, #tpu.memory_space<hbm>> -> memref<16x128xf32, #tpu.memory_space<hbm>>
      %dma_wait3A_194 = arith.constant 0 : i32
      %dma_wait3A_195 = arith.constant 0 : i32
      %dma_wait3A_196 = tpu.memref_slice %arg6[%add3A_17, %dma_wait3A_194, %dma_wait3A_195] : memref<4x2816x128xf32, #tpu.memory_space<hbm>> -> memref<1x2816x128xf32, #tpu.memory_space<hbm>>
      %dma_wait3A_197 = tpu.memref_squeeze %dma_wait3A_196 : memref<1x2816x128xf32, #tpu.memory_space<hbm>> -> memref<2816x128xf32, #tpu.memory_space<hbm>>
      %dma_wait3A_198 = arith.constant 0 : i32
      %dma_wait3A_199 = tpu.memref_slice %dma_wait3A_197[%add3A_72, %dma_wait3A_198] : memref<2816x128xf32, #tpu.memory_space<hbm>> -> memref<16x128xf32, #tpu.memory_space<hbm>>
      tpu.wait_dma2 semaphore(%run_scoped3A : memref<!tpu.dma_semaphore, #tpu.memory_space<semaphore_mem>>) src(%arg12 : memref<16x128xf32, #tpu.memory_space<vmem>>) dst(%dma_wait3A_199 : memref<16x128xf32, #tpu.memory_space<hbm>>)
      tpu.yield
    }) : () -> ()
    %add3A_73 = arith.constant 96 : i32
    %add3A_74 = arith.addi %mul3A_0, %add3A_73 : i32
    "tpu.region"() ({
      %run_scoped3A = tpu.sem_alloc : memref<!tpu.dma_semaphore, #tpu.memory_space<semaphore_mem>>
      %dma_start3A = arith.constant 0 : i32
      %dma_start3A_178 = tpu.memref_slice %arg13[%add3A_74, %dma_start3A] : memref<2816x128xf32, #tpu.memory_space<vmem_shared>> -> memref<16x128xf32, #tpu.memory_space<vmem_shared>>
      %dma_start3A_179 = arith.constant 0 : i32
      %dma_start3A_180 = tpu.memref_slice %arg13[%add3A_74, %dma_start3A_179] : memref<2816x128xf32, #tpu.memory_space<vmem_shared>> -> memref<16x128xf32, #tpu.memory_space<vmem_shared>>
      tpu.enqueue_dma source(%dma_start3A_180 : memref<16x128xf32, #tpu.memory_space<vmem_shared>>) target(%arg12 : memref<16x128xf32, #tpu.memory_space<vmem>>) target_semaphore(%run_scoped3A : memref<!tpu.dma_semaphore, #tpu.memory_space<semaphore_mem>>)
      %dma_wait3A = arith.constant 0 : i32
      %dma_wait3A_181 = tpu.memref_slice %arg13[%add3A_74, %dma_wait3A] : memref<2816x128xf32, #tpu.memory_space<vmem_shared>> -> memref<16x128xf32, #tpu.memory_space<vmem_shared>>
      %dma_wait3A_182 = arith.constant 0 : i32
      %dma_wait3A_183 = tpu.memref_slice %arg13[%add3A_74, %dma_wait3A_182] : memref<2816x128xf32, #tpu.memory_space<vmem_shared>> -> memref<16x128xf32, #tpu.memory_space<vmem_shared>>
      tpu.wait_dma2 semaphore(%run_scoped3A : memref<!tpu.dma_semaphore, #tpu.memory_space<semaphore_mem>>) src(%dma_wait3A_183 : memref<16x128xf32, #tpu.memory_space<vmem_shared>>) dst(%arg12 : memref<16x128xf32, #tpu.memory_space<vmem>>)
      tpu.yield
    }) : () -> ()
    %add3A_75 = arith.constant 96 : i32
    %add3A_76 = arith.addi %mul3A_0, %add3A_75 : i32
    "tpu.region"() ({
      %run_scoped3A = tpu.sem_alloc : memref<!tpu.dma_semaphore, #tpu.memory_space<semaphore_mem>>
      %dma_start3A = arith.constant 0 : i32
      %dma_start3A_178 = arith.constant 0 : i32
      %dma_start3A_179 = tpu.memref_slice %arg6[%add3A_17, %dma_start3A, %dma_start3A_178] : memref<4x2816x128xf32, #tpu.memory_space<hbm>> -> memref<1x2816x128xf32, #tpu.memory_space<hbm>>
      %dma_start3A_180 = tpu.memref_squeeze %dma_start3A_179 : memref<1x2816x128xf32, #tpu.memory_space<hbm>> -> memref<2816x128xf32, #tpu.memory_space<hbm>>
      %dma_start3A_181 = arith.constant 0 : i32
      %dma_start3A_182 = tpu.memref_slice %dma_start3A_180[%add3A_76, %dma_start3A_181] : memref<2816x128xf32, #tpu.memory_space<hbm>> -> memref<16x128xf32, #tpu.memory_space<hbm>>
      %dma_start3A_183 = arith.constant 0 : i32
      %dma_start3A_184 = arith.constant 0 : i32
      %dma_start3A_185 = tpu.memref_slice %arg6[%add3A_17, %dma_start3A_183, %dma_start3A_184] : memref<4x2816x128xf32, #tpu.memory_space<hbm>> -> memref<1x2816x128xf32, #tpu.memory_space<hbm>>
      %dma_start3A_186 = tpu.memref_squeeze %dma_start3A_185 : memref<1x2816x128xf32, #tpu.memory_space<hbm>> -> memref<2816x128xf32, #tpu.memory_space<hbm>>
      %dma_start3A_187 = arith.constant 0 : i32
      %dma_start3A_188 = tpu.memref_slice %dma_start3A_186[%add3A_76, %dma_start3A_187] : memref<2816x128xf32, #tpu.memory_space<hbm>> -> memref<16x128xf32, #tpu.memory_space<hbm>>
      tpu.enqueue_dma source(%arg12 : memref<16x128xf32, #tpu.memory_space<vmem>>) target(%dma_start3A_188 : memref<16x128xf32, #tpu.memory_space<hbm>>) target_semaphore(%run_scoped3A : memref<!tpu.dma_semaphore, #tpu.memory_space<semaphore_mem>>)
      %dma_wait3A = arith.constant 0 : i32
      %dma_wait3A_189 = arith.constant 0 : i32
      %dma_wait3A_190 = tpu.memref_slice %arg6[%add3A_17, %dma_wait3A, %dma_wait3A_189] : memref<4x2816x128xf32, #tpu.memory_space<hbm>> -> memref<1x2816x128xf32, #tpu.memory_space<hbm>>
      %dma_wait3A_191 = tpu.memref_squeeze %dma_wait3A_190 : memref<1x2816x128xf32, #tpu.memory_space<hbm>> -> memref<2816x128xf32, #tpu.memory_space<hbm>>
      %dma_wait3A_192 = arith.constant 0 : i32
      %dma_wait3A_193 = tpu.memref_slice %dma_wait3A_191[%add3A_76, %dma_wait3A_192] : memref<2816x128xf32, #tpu.memory_space<hbm>> -> memref<16x128xf32, #tpu.memory_space<hbm>>
      %dma_wait3A_194 = arith.constant 0 : i32
      %dma_wait3A_195 = arith.constant 0 : i32
      %dma_wait3A_196 = tpu.memref_slice %arg6[%add3A_17, %dma_wait3A_194, %dma_wait3A_195] : memref<4x2816x128xf32, #tpu.memory_space<hbm>> -> memref<1x2816x128xf32, #tpu.memory_space<hbm>>
      %dma_wait3A_197 = tpu.memref_squeeze %dma_wait3A_196 : memref<1x2816x128xf32, #tpu.memory_space<hbm>> -> memref<2816x128xf32, #tpu.memory_space<hbm>>
      %dma_wait3A_198 = arith.constant 0 : i32
      %dma_wait3A_199 = tpu.memref_slice %dma_wait3A_197[%add3A_76, %dma_wait3A_198] : memref<2816x128xf32, #tpu.memory_space<hbm>> -> memref<16x128xf32, #tpu.memory_space<hbm>>
      tpu.wait_dma2 semaphore(%run_scoped3A : memref<!tpu.dma_semaphore, #tpu.memory_space<semaphore_mem>>) src(%arg12 : memref<16x128xf32, #tpu.memory_space<vmem>>) dst(%dma_wait3A_199 : memref<16x128xf32, #tpu.memory_space<hbm>>)
      tpu.yield
    }) : () -> ()
    %add3A_77 = arith.constant 112 : i32
    %add3A_78 = arith.addi %mul3A_0, %add3A_77 : i32
    "tpu.region"() ({
      %run_scoped3A = tpu.sem_alloc : memref<!tpu.dma_semaphore, #tpu.memory_space<semaphore_mem>>
      %dma_start3A = arith.constant 0 : i32
      %dma_start3A_178 = tpu.memref_slice %arg13[%add3A_78, %dma_start3A] : memref<2816x128xf32, #tpu.memory_space<vmem_shared>> -> memref<16x128xf32, #tpu.memory_space<vmem_shared>>
      %dma_start3A_179 = arith.constant 0 : i32
      %dma_start3A_180 = tpu.memref_slice %arg13[%add3A_78, %dma_start3A_179] : memref<2816x128xf32, #tpu.memory_space<vmem_shared>> -> memref<16x128xf32, #tpu.memory_space<vmem_shared>>
      tpu.enqueue_dma source(%dma_start3A_180 : memref<16x128xf32, #tpu.memory_space<vmem_shared>>) target(%arg12 : memref<16x128xf32, #tpu.memory_space<vmem>>) target_semaphore(%run_scoped3A : memref<!tpu.dma_semaphore, #tpu.memory_space<semaphore_mem>>)
      %dma_wait3A = arith.constant 0 : i32
      %dma_wait3A_181 = tpu.memref_slice %arg13[%add3A_78, %dma_wait3A] : memref<2816x128xf32, #tpu.memory_space<vmem_shared>> -> memref<16x128xf32, #tpu.memory_space<vmem_shared>>
      %dma_wait3A_182 = arith.constant 0 : i32
      %dma_wait3A_183 = tpu.memref_slice %arg13[%add3A_78, %dma_wait3A_182] : memref<2816x128xf32, #tpu.memory_space<vmem_shared>> -> memref<16x128xf32, #tpu.memory_space<vmem_shared>>
      tpu.wait_dma2 semaphore(%run_scoped3A : memref<!tpu.dma_semaphore, #tpu.memory_space<semaphore_mem>>) src(%dma_wait3A_183 : memref<16x128xf32, #tpu.memory_space<vmem_shared>>) dst(%arg12 : memref<16x128xf32, #tpu.memory_space<vmem>>)
      tpu.yield
    }) : () -> ()
    %add3A_79 = arith.constant 112 : i32
    %add3A_80 = arith.addi %mul3A_0, %add3A_79 : i32
    "tpu.region"() ({
      %run_scoped3A = tpu.sem_alloc : memref<!tpu.dma_semaphore, #tpu.memory_space<semaphore_mem>>
      %dma_start3A = arith.constant 0 : i32
      %dma_start3A_178 = arith.constant 0 : i32
      %dma_start3A_179 = tpu.memref_slice %arg6[%add3A_17, %dma_start3A, %dma_start3A_178] : memref<4x2816x128xf32, #tpu.memory_space<hbm>> -> memref<1x2816x128xf32, #tpu.memory_space<hbm>>
      %dma_start3A_180 = tpu.memref_squeeze %dma_start3A_179 : memref<1x2816x128xf32, #tpu.memory_space<hbm>> -> memref<2816x128xf32, #tpu.memory_space<hbm>>
      %dma_start3A_181 = arith.constant 0 : i32
      %dma_start3A_182 = tpu.memref_slice %dma_start3A_180[%add3A_80, %dma_start3A_181] : memref<2816x128xf32, #tpu.memory_space<hbm>> -> memref<16x128xf32, #tpu.memory_space<hbm>>
      %dma_start3A_183 = arith.constant 0 : i32
      %dma_start3A_184 = arith.constant 0 : i32
      %dma_start3A_185 = tpu.memref_slice %arg6[%add3A_17, %dma_start3A_183, %dma_start3A_184] : memref<4x2816x128xf32, #tpu.memory_space<hbm>> -> memref<1x2816x128xf32, #tpu.memory_space<hbm>>
      %dma_start3A_186 = tpu.memref_squeeze %dma_start3A_185 : memref<1x2816x128xf32, #tpu.memory_space<hbm>> -> memref<2816x128xf32, #tpu.memory_space<hbm>>
      %dma_start3A_187 = arith.constant 0 : i32
      %dma_start3A_188 = tpu.memref_slice %dma_start3A_186[%add3A_80, %dma_start3A_187] : memref<2816x128xf32, #tpu.memory_space<hbm>> -> memref<16x128xf32, #tpu.memory_space<hbm>>
      tpu.enqueue_dma source(%arg12 : memref<16x128xf32, #tpu.memory_space<vmem>>) target(%dma_start3A_188 : memref<16x128xf32, #tpu.memory_space<hbm>>) target_semaphore(%run_scoped3A : memref<!tpu.dma_semaphore, #tpu.memory_space<semaphore_mem>>)
      %dma_wait3A = arith.constant 0 : i32
      %dma_wait3A_189 = arith.constant 0 : i32
      %dma_wait3A_190 = tpu.memref_slice %arg6[%add3A_17, %dma_wait3A, %dma_wait3A_189] : memref<4x2816x128xf32, #tpu.memory_space<hbm>> -> memref<1x2816x128xf32, #tpu.memory_space<hbm>>
      %dma_wait3A_191 = tpu.memref_squeeze %dma_wait3A_190 : memref<1x2816x128xf32, #tpu.memory_space<hbm>> -> memref<2816x128xf32, #tpu.memory_space<hbm>>
      %dma_wait3A_192 = arith.constant 0 : i32
      %dma_wait3A_193 = tpu.memref_slice %dma_wait3A_191[%add3A_80, %dma_wait3A_192] : memref<2816x128xf32, #tpu.memory_space<hbm>> -> memref<16x128xf32, #tpu.memory_space<hbm>>
      %dma_wait3A_194 = arith.constant 0 : i32
      %dma_wait3A_195 = arith.constant 0 : i32
      %dma_wait3A_196 = tpu.memref_slice %arg6[%add3A_17, %dma_wait3A_194, %dma_wait3A_195] : memref<4x2816x128xf32, #tpu.memory_space<hbm>> -> memref<1x2816x128xf32, #tpu.memory_space<hbm>>
      %dma_wait3A_197 = tpu.memref_squeeze %dma_wait3A_196 : memref<1x2816x128xf32, #tpu.memory_space<hbm>> -> memref<2816x128xf32, #tpu.memory_space<hbm>>
      %dma_wait3A_198 = arith.constant 0 : i32
      %dma_wait3A_199 = tpu.memref_slice %dma_wait3A_197[%add3A_80, %dma_wait3A_198] : memref<2816x128xf32, #tpu.memory_space<hbm>> -> memref<16x128xf32, #tpu.memory_space<hbm>>
      tpu.wait_dma2 semaphore(%run_scoped3A : memref<!tpu.dma_semaphore, #tpu.memory_space<semaphore_mem>>) src(%arg12 : memref<16x128xf32, #tpu.memory_space<vmem>>) dst(%dma_wait3A_199 : memref<16x128xf32, #tpu.memory_space<hbm>>)
      tpu.yield
    }) : () -> ()
    %add3A_81 = arith.constant 128 : i32
    %add3A_82 = arith.addi %mul3A_0, %add3A_81 : i32
    "tpu.region"() ({
      %run_scoped3A = tpu.sem_alloc : memref<!tpu.dma_semaphore, #tpu.memory_space<semaphore_mem>>
      %dma_start3A = arith.constant 0 : i32
      %dma_start3A_178 = tpu.memref_slice %arg13[%add3A_82, %dma_start3A] : memref<2816x128xf32, #tpu.memory_space<vmem_shared>> -> memref<16x128xf32, #tpu.memory_space<vmem_shared>>
      %dma_start3A_179 = arith.constant 0 : i32
      %dma_start3A_180 = tpu.memref_slice %arg13[%add3A_82, %dma_start3A_179] : memref<2816x128xf32, #tpu.memory_space<vmem_shared>> -> memref<16x128xf32, #tpu.memory_space<vmem_shared>>
      tpu.enqueue_dma source(%dma_start3A_180 : memref<16x128xf32, #tpu.memory_space<vmem_shared>>) target(%arg12 : memref<16x128xf32, #tpu.memory_space<vmem>>) target_semaphore(%run_scoped3A : memref<!tpu.dma_semaphore, #tpu.memory_space<semaphore_mem>>)
      %dma_wait3A = arith.constant 0 : i32
      %dma_wait3A_181 = tpu.memref_slice %arg13[%add3A_82, %dma_wait3A] : memref<2816x128xf32, #tpu.memory_space<vmem_shared>> -> memref<16x128xf32, #tpu.memory_space<vmem_shared>>
      %dma_wait3A_182 = arith.constant 0 : i32
      %dma_wait3A_183 = tpu.memref_slice %arg13[%add3A_82, %dma_wait3A_182] : memref<2816x128xf32, #tpu.memory_space<vmem_shared>> -> memref<16x128xf32, #tpu.memory_space<vmem_shared>>
      tpu.wait_dma2 semaphore(%run_scoped3A : memref<!tpu.dma_semaphore, #tpu.memory_space<semaphore_mem>>) src(%dma_wait3A_183 : memref<16x128xf32, #tpu.memory_space<vmem_shared>>) dst(%arg12 : memref<16x128xf32, #tpu.memory_space<vmem>>)
      tpu.yield
    }) : () -> ()
    %add3A_83 = arith.constant 128 : i32
    %add3A_84 = arith.addi %mul3A_0, %add3A_83 : i32
    "tpu.region"() ({
      %run_scoped3A = tpu.sem_alloc : memref<!tpu.dma_semaphore, #tpu.memory_space<semaphore_mem>>
      %dma_start3A = arith.constant 0 : i32
      %dma_start3A_178 = arith.constant 0 : i32
      %dma_start3A_179 = tpu.memref_slice %arg6[%add3A_17, %dma_start3A, %dma_start3A_178] : memref<4x2816x128xf32, #tpu.memory_space<hbm>> -> memref<1x2816x128xf32, #tpu.memory_space<hbm>>
      %dma_start3A_180 = tpu.memref_squeeze %dma_start3A_179 : memref<1x2816x128xf32, #tpu.memory_space<hbm>> -> memref<2816x128xf32, #tpu.memory_space<hbm>>
      %dma_start3A_181 = arith.constant 0 : i32
      %dma_start3A_182 = tpu.memref_slice %dma_start3A_180[%add3A_84, %dma_start3A_181] : memref<2816x128xf32, #tpu.memory_space<hbm>> -> memref<16x128xf32, #tpu.memory_space<hbm>>
      %dma_start3A_183 = arith.constant 0 : i32
      %dma_start3A_184 = arith.constant 0 : i32
      %dma_start3A_185 = tpu.memref_slice %arg6[%add3A_17, %dma_start3A_183, %dma_start3A_184] : memref<4x2816x128xf32, #tpu.memory_space<hbm>> -> memref<1x2816x128xf32, #tpu.memory_space<hbm>>
      %dma_start3A_186 = tpu.memref_squeeze %dma_start3A_185 : memref<1x2816x128xf32, #tpu.memory_space<hbm>> -> memref<2816x128xf32, #tpu.memory_space<hbm>>
      %dma_start3A_187 = arith.constant 0 : i32
      %dma_start3A_188 = tpu.memref_slice %dma_start3A_186[%add3A_84, %dma_start3A_187] : memref<2816x128xf32, #tpu.memory_space<hbm>> -> memref<16x128xf32, #tpu.memory_space<hbm>>
      tpu.enqueue_dma source(%arg12 : memref<16x128xf32, #tpu.memory_space<vmem>>) target(%dma_start3A_188 : memref<16x128xf32, #tpu.memory_space<hbm>>) target_semaphore(%run_scoped3A : memref<!tpu.dma_semaphore, #tpu.memory_space<semaphore_mem>>)
      %dma_wait3A = arith.constant 0 : i32
      %dma_wait3A_189 = arith.constant 0 : i32
      %dma_wait3A_190 = tpu.memref_slice %arg6[%add3A_17, %dma_wait3A, %dma_wait3A_189] : memref<4x2816x128xf32, #tpu.memory_space<hbm>> -> memref<1x2816x128xf32, #tpu.memory_space<hbm>>
      %dma_wait3A_191 = tpu.memref_squeeze %dma_wait3A_190 : memref<1x2816x128xf32, #tpu.memory_space<hbm>> -> memref<2816x128xf32, #tpu.memory_space<hbm>>
      %dma_wait3A_192 = arith.constant 0 : i32
      %dma_wait3A_193 = tpu.memref_slice %dma_wait3A_191[%add3A_84, %dma_wait3A_192] : memref<2816x128xf32, #tpu.memory_space<hbm>> -> memref<16x128xf32, #tpu.memory_space<hbm>>
      %dma_wait3A_194 = arith.constant 0 : i32
      %dma_wait3A_195 = arith.constant 0 : i32
      %dma_wait3A_196 = tpu.memref_slice %arg6[%add3A_17, %dma_wait3A_194, %dma_wait3A_195] : memref<4x2816x128xf32, #tpu.memory_space<hbm>> -> memref<1x2816x128xf32, #tpu.memory_space<hbm>>
      %dma_wait3A_197 = tpu.memref_squeeze %dma_wait3A_196 : memref<1x2816x128xf32, #tpu.memory_space<hbm>> -> memref<2816x128xf32, #tpu.memory_space<hbm>>
      %dma_wait3A_198 = arith.constant 0 : i32
      %dma_wait3A_199 = tpu.memref_slice %dma_wait3A_197[%add3A_84, %dma_wait3A_198] : memref<2816x128xf32, #tpu.memory_space<hbm>> -> memref<16x128xf32, #tpu.memory_space<hbm>>
      tpu.wait_dma2 semaphore(%run_scoped3A : memref<!tpu.dma_semaphore, #tpu.memory_space<semaphore_mem>>) src(%arg12 : memref<16x128xf32, #tpu.memory_space<vmem>>) dst(%dma_wait3A_199 : memref<16x128xf32, #tpu.memory_space<hbm>>)
      tpu.yield
    }) : () -> ()
    %add3A_85 = arith.constant 144 : i32
    %add3A_86 = arith.addi %mul3A_0, %add3A_85 : i32
    "tpu.region"() ({
      %run_scoped3A = tpu.sem_alloc : memref<!tpu.dma_semaphore, #tpu.memory_space<semaphore_mem>>
      %dma_start3A = arith.constant 0 : i32
      %dma_start3A_178 = tpu.memref_slice %arg13[%add3A_86, %dma_start3A] : memref<2816x128xf32, #tpu.memory_space<vmem_shared>> -> memref<16x128xf32, #tpu.memory_space<vmem_shared>>
      %dma_start3A_179 = arith.constant 0 : i32
      %dma_start3A_180 = tpu.memref_slice %arg13[%add3A_86, %dma_start3A_179] : memref<2816x128xf32, #tpu.memory_space<vmem_shared>> -> memref<16x128xf32, #tpu.memory_space<vmem_shared>>
      tpu.enqueue_dma source(%dma_start3A_180 : memref<16x128xf32, #tpu.memory_space<vmem_shared>>) target(%arg12 : memref<16x128xf32, #tpu.memory_space<vmem>>) target_semaphore(%run_scoped3A : memref<!tpu.dma_semaphore, #tpu.memory_space<semaphore_mem>>)
      %dma_wait3A = arith.constant 0 : i32
      %dma_wait3A_181 = tpu.memref_slice %arg13[%add3A_86, %dma_wait3A] : memref<2816x128xf32, #tpu.memory_space<vmem_shared>> -> memref<16x128xf32, #tpu.memory_space<vmem_shared>>
      %dma_wait3A_182 = arith.constant 0 : i32
      %dma_wait3A_183 = tpu.memref_slice %arg13[%add3A_86, %dma_wait3A_182] : memref<2816x128xf32, #tpu.memory_space<vmem_shared>> -> memref<16x128xf32, #tpu.memory_space<vmem_shared>>
      tpu.wait_dma2 semaphore(%run_scoped3A : memref<!tpu.dma_semaphore, #tpu.memory_space<semaphore_mem>>) src(%dma_wait3A_183 : memref<16x128xf32, #tpu.memory_space<vmem_shared>>) dst(%arg12 : memref<16x128xf32, #tpu.memory_space<vmem>>)
      tpu.yield
    }) : () -> ()
    %add3A_87 = arith.constant 144 : i32
    %add3A_88 = arith.addi %mul3A_0, %add3A_87 : i32
    "tpu.region"() ({
      %run_scoped3A = tpu.sem_alloc : memref<!tpu.dma_semaphore, #tpu.memory_space<semaphore_mem>>
      %dma_start3A = arith.constant 0 : i32
      %dma_start3A_178 = arith.constant 0 : i32
      %dma_start3A_179 = tpu.memref_slice %arg6[%add3A_17, %dma_start3A, %dma_start3A_178] : memref<4x2816x128xf32, #tpu.memory_space<hbm>> -> memref<1x2816x128xf32, #tpu.memory_space<hbm>>
      %dma_start3A_180 = tpu.memref_squeeze %dma_start3A_179 : memref<1x2816x128xf32, #tpu.memory_space<hbm>> -> memref<2816x128xf32, #tpu.memory_space<hbm>>
      %dma_start3A_181 = arith.constant 0 : i32
      %dma_start3A_182 = tpu.memref_slice %dma_start3A_180[%add3A_88, %dma_start3A_181] : memref<2816x128xf32, #tpu.memory_space<hbm>> -> memref<16x128xf32, #tpu.memory_space<hbm>>
      %dma_start3A_183 = arith.constant 0 : i32
      %dma_start3A_184 = arith.constant 0 : i32
      %dma_start3A_185 = tpu.memref_slice %arg6[%add3A_17, %dma_start3A_183, %dma_start3A_184] : memref<4x2816x128xf32, #tpu.memory_space<hbm>> -> memref<1x2816x128xf32, #tpu.memory_space<hbm>>
      %dma_start3A_186 = tpu.memref_squeeze %dma_start3A_185 : memref<1x2816x128xf32, #tpu.memory_space<hbm>> -> memref<2816x128xf32, #tpu.memory_space<hbm>>
      %dma_start3A_187 = arith.constant 0 : i32
      %dma_start3A_188 = tpu.memref_slice %dma_start3A_186[%add3A_88, %dma_start3A_187] : memref<2816x128xf32, #tpu.memory_space<hbm>> -> memref<16x128xf32, #tpu.memory_space<hbm>>
      tpu.enqueue_dma source(%arg12 : memref<16x128xf32, #tpu.memory_space<vmem>>) target(%dma_start3A_188 : memref<16x128xf32, #tpu.memory_space<hbm>>) target_semaphore(%run_scoped3A : memref<!tpu.dma_semaphore, #tpu.memory_space<semaphore_mem>>)
      %dma_wait3A = arith.constant 0 : i32
      %dma_wait3A_189 = arith.constant 0 : i32
      %dma_wait3A_190 = tpu.memref_slice %arg6[%add3A_17, %dma_wait3A, %dma_wait3A_189] : memref<4x2816x128xf32, #tpu.memory_space<hbm>> -> memref<1x2816x128xf32, #tpu.memory_space<hbm>>
      %dma_wait3A_191 = tpu.memref_squeeze %dma_wait3A_190 : memref<1x2816x128xf32, #tpu.memory_space<hbm>> -> memref<2816x128xf32, #tpu.memory_space<hbm>>
      %dma_wait3A_192 = arith.constant 0 : i32
      %dma_wait3A_193 = tpu.memref_slice %dma_wait3A_191[%add3A_88, %dma_wait3A_192] : memref<2816x128xf32, #tpu.memory_space<hbm>> -> memref<16x128xf32, #tpu.memory_space<hbm>>
      %dma_wait3A_194 = arith.constant 0 : i32
      %dma_wait3A_195 = arith.constant 0 : i32
      %dma_wait3A_196 = tpu.memref_slice %arg6[%add3A_17, %dma_wait3A_194, %dma_wait3A_195] : memref<4x2816x128xf32, #tpu.memory_space<hbm>> -> memref<1x2816x128xf32, #tpu.memory_space<hbm>>
      %dma_wait3A_197 = tpu.memref_squeeze %dma_wait3A_196 : memref<1x2816x128xf32, #tpu.memory_space<hbm>> -> memref<2816x128xf32, #tpu.memory_space<hbm>>
      %dma_wait3A_198 = arith.constant 0 : i32
      %dma_wait3A_199 = tpu.memref_slice %dma_wait3A_197[%add3A_88, %dma_wait3A_198] : memref<2816x128xf32, #tpu.memory_space<hbm>> -> memref<16x128xf32, #tpu.memory_space<hbm>>
      tpu.wait_dma2 semaphore(%run_scoped3A : memref<!tpu.dma_semaphore, #tpu.memory_space<semaphore_mem>>) src(%arg12 : memref<16x128xf32, #tpu.memory_space<vmem>>) dst(%dma_wait3A_199 : memref<16x128xf32, #tpu.memory_space<hbm>>)
      tpu.yield
    }) : () -> ()
    %add3A_89 = arith.constant 160 : i32
    %add3A_90 = arith.addi %mul3A_0, %add3A_89 : i32
    "tpu.region"() ({
      %run_scoped3A = tpu.sem_alloc : memref<!tpu.dma_semaphore, #tpu.memory_space<semaphore_mem>>
      %dma_start3A = arith.constant 0 : i32
      %dma_start3A_178 = tpu.memref_slice %arg13[%add3A_90, %dma_start3A] : memref<2816x128xf32, #tpu.memory_space<vmem_shared>> -> memref<16x128xf32, #tpu.memory_space<vmem_shared>>
      %dma_start3A_179 = arith.constant 0 : i32
      %dma_start3A_180 = tpu.memref_slice %arg13[%add3A_90, %dma_start3A_179] : memref<2816x128xf32, #tpu.memory_space<vmem_shared>> -> memref<16x128xf32, #tpu.memory_space<vmem_shared>>
      tpu.enqueue_dma source(%dma_start3A_180 : memref<16x128xf32, #tpu.memory_space<vmem_shared>>) target(%arg12 : memref<16x128xf32, #tpu.memory_space<vmem>>) target_semaphore(%run_scoped3A : memref<!tpu.dma_semaphore, #tpu.memory_space<semaphore_mem>>)
      %dma_wait3A = arith.constant 0 : i32
      %dma_wait3A_181 = tpu.memref_slice %arg13[%add3A_90, %dma_wait3A] : memref<2816x128xf32, #tpu.memory_space<vmem_shared>> -> memref<16x128xf32, #tpu.memory_space<vmem_shared>>
      %dma_wait3A_182 = arith.constant 0 : i32
      %dma_wait3A_183 = tpu.memref_slice %arg13[%add3A_90, %dma_wait3A_182] : memref<2816x128xf32, #tpu.memory_space<vmem_shared>> -> memref<16x128xf32, #tpu.memory_space<vmem_shared>>
      tpu.wait_dma2 semaphore(%run_scoped3A : memref<!tpu.dma_semaphore, #tpu.memory_space<semaphore_mem>>) src(%dma_wait3A_183 : memref<16x128xf32, #tpu.memory_space<vmem_shared>>) dst(%arg12 : memref<16x128xf32, #tpu.memory_space<vmem>>)
      tpu.yield
    }) : () -> ()
    %add3A_91 = arith.constant 160 : i32
    %add3A_92 = arith.addi %mul3A_0, %add3A_91 : i32
    "tpu.region"() ({
      %run_scoped3A = tpu.sem_alloc : memref<!tpu.dma_semaphore, #tpu.memory_space<semaphore_mem>>
      %dma_start3A = arith.constant 0 : i32
      %dma_start3A_178 = arith.constant 0 : i32
      %dma_start3A_179 = tpu.memref_slice %arg6[%add3A_17, %dma_start3A, %dma_start3A_178] : memref<4x2816x128xf32, #tpu.memory_space<hbm>> -> memref<1x2816x128xf32, #tpu.memory_space<hbm>>
      %dma_start3A_180 = tpu.memref_squeeze %dma_start3A_179 : memref<1x2816x128xf32, #tpu.memory_space<hbm>> -> memref<2816x128xf32, #tpu.memory_space<hbm>>
      %dma_start3A_181 = arith.constant 0 : i32
      %dma_start3A_182 = tpu.memref_slice %dma_start3A_180[%add3A_92, %dma_start3A_181] : memref<2816x128xf32, #tpu.memory_space<hbm>> -> memref<16x128xf32, #tpu.memory_space<hbm>>
      %dma_start3A_183 = arith.constant 0 : i32
      %dma_start3A_184 = arith.constant 0 : i32
      %dma_start3A_185 = tpu.memref_slice %arg6[%add3A_17, %dma_start3A_183, %dma_start3A_184] : memref<4x2816x128xf32, #tpu.memory_space<hbm>> -> memref<1x2816x128xf32, #tpu.memory_space<hbm>>
      %dma_start3A_186 = tpu.memref_squeeze %dma_start3A_185 : memref<1x2816x128xf32, #tpu.memory_space<hbm>> -> memref<2816x128xf32, #tpu.memory_space<hbm>>
      %dma_start3A_187 = arith.constant 0 : i32
      %dma_start3A_188 = tpu.memref_slice %dma_start3A_186[%add3A_92, %dma_start3A_187] : memref<2816x128xf32, #tpu.memory_space<hbm>> -> memref<16x128xf32, #tpu.memory_space<hbm>>
      tpu.enqueue_dma source(%arg12 : memref<16x128xf32, #tpu.memory_space<vmem>>) target(%dma_start3A_188 : memref<16x128xf32, #tpu.memory_space<hbm>>) target_semaphore(%run_scoped3A : memref<!tpu.dma_semaphore, #tpu.memory_space<semaphore_mem>>)
      %dma_wait3A = arith.constant 0 : i32
      %dma_wait3A_189 = arith.constant 0 : i32
      %dma_wait3A_190 = tpu.memref_slice %arg6[%add3A_17, %dma_wait3A, %dma_wait3A_189] : memref<4x2816x128xf32, #tpu.memory_space<hbm>> -> memref<1x2816x128xf32, #tpu.memory_space<hbm>>
      %dma_wait3A_191 = tpu.memref_squeeze %dma_wait3A_190 : memref<1x2816x128xf32, #tpu.memory_space<hbm>> -> memref<2816x128xf32, #tpu.memory_space<hbm>>
      %dma_wait3A_192 = arith.constant 0 : i32
      %dma_wait3A_193 = tpu.memref_slice %dma_wait3A_191[%add3A_92, %dma_wait3A_192] : memref<2816x128xf32, #tpu.memory_space<hbm>> -> memref<16x128xf32, #tpu.memory_space<hbm>>
      %dma_wait3A_194 = arith.constant 0 : i32
      %dma_wait3A_195 = arith.constant 0 : i32
      %dma_wait3A_196 = tpu.memref_slice %arg6[%add3A_17, %dma_wait3A_194, %dma_wait3A_195] : memref<4x2816x128xf32, #tpu.memory_space<hbm>> -> memref<1x2816x128xf32, #tpu.memory_space<hbm>>
      %dma_wait3A_197 = tpu.memref_squeeze %dma_wait3A_196 : memref<1x2816x128xf32, #tpu.memory_space<hbm>> -> memref<2816x128xf32, #tpu.memory_space<hbm>>
      %dma_wait3A_198 = arith.constant 0 : i32
      %dma_wait3A_199 = tpu.memref_slice %dma_wait3A_197[%add3A_92, %dma_wait3A_198] : memref<2816x128xf32, #tpu.memory_space<hbm>> -> memref<16x128xf32, #tpu.memory_space<hbm>>
      tpu.wait_dma2 semaphore(%run_scoped3A : memref<!tpu.dma_semaphore, #tpu.memory_space<semaphore_mem>>) src(%arg12 : memref<16x128xf32, #tpu.memory_space<vmem>>) dst(%dma_wait3A_199 : memref<16x128xf32, #tpu.memory_space<hbm>>)
      tpu.yield
    }) : () -> ()
    %barrier3A_93 = arith.constant 0 : index
    tpu.barrier barrier_id(%barrier3A_93)
    %add3A_94 = arith.constant 2 : i32
    %add3A_95 = arith.addi %add3A_94, %arg0 : i32
    "tpu.region"() ({
      %run_scoped3A = tpu.sem_alloc : memref<!tpu.dma_semaphore, #tpu.memory_space<semaphore_mem>>
      %dma_start3A = arith.constant 0 : i32
      %dma_start3A_178 = arith.constant 0 : i32
      %dma_start3A_179 = arith.constant 0 : i32
      %dma_start3A_180 = tpu.memref_slice %arg4[%add3A_95, %dma_start3A, %dma_start3A_178, %dma_start3A_179] : memref<4x16x172x120xi32, #tpu.memory_space<hbm>> -> memref<1x16x172x120xi32, #tpu.memory_space<hbm>>
      %dma_start3A_181 = tpu.memref_squeeze %dma_start3A_180 : memref<1x16x172x120xi32, #tpu.memory_space<hbm>> -> memref<16x172x120xi32, #tpu.memory_space<hbm>>
      %dma_start3A_182 = arith.constant 0 : i32
      %dma_start3A_183 = arith.constant 0 : i32
      %dma_start3A_184 = tpu.memref_slice %dma_start3A_181[%arg1, %dma_start3A_182, %dma_start3A_183] : memref<16x172x120xi32, #tpu.memory_space<hbm>> -> memref<1x172x120xi32, #tpu.memory_space<hbm>>
      %dma_start3A_185 = tpu.memref_squeeze %dma_start3A_184 : memref<1x172x120xi32, #tpu.memory_space<hbm>> -> memref<172x120xi32, #tpu.memory_space<hbm>>
      %dma_start3A_186 = arith.constant 0 : i32
      %dma_start3A_187 = arith.constant 0 : i32
      %dma_start3A_188 = arith.constant 0 : i32
      %dma_start3A_189 = tpu.memref_slice %arg4[%add3A_95, %dma_start3A_186, %dma_start3A_187, %dma_start3A_188] : memref<4x16x172x120xi32, #tpu.memory_space<hbm>> -> memref<1x16x172x120xi32, #tpu.memory_space<hbm>>
      %dma_start3A_190 = tpu.memref_squeeze %dma_start3A_189 : memref<1x16x172x120xi32, #tpu.memory_space<hbm>> -> memref<16x172x120xi32, #tpu.memory_space<hbm>>
      %dma_start3A_191 = arith.constant 0 : i32
      %dma_start3A_192 = arith.constant 0 : i32
      %dma_start3A_193 = tpu.memref_slice %dma_start3A_190[%arg1, %dma_start3A_191, %dma_start3A_192] : memref<16x172x120xi32, #tpu.memory_space<hbm>> -> memref<1x172x120xi32, #tpu.memory_space<hbm>>
      %dma_start3A_194 = tpu.memref_squeeze %dma_start3A_193 : memref<1x172x120xi32, #tpu.memory_space<hbm>> -> memref<172x120xi32, #tpu.memory_space<hbm>>
      tpu.enqueue_dma source(%dma_start3A_194 : memref<172x120xi32, #tpu.memory_space<hbm>>) target(%arg8 : memref<172x120xi32, #tpu.memory_space<vmem>>) target_semaphore(%run_scoped3A : memref<!tpu.dma_semaphore, #tpu.memory_space<semaphore_mem>>)
      %dma_wait3A = arith.constant 0 : i32
      %dma_wait3A_195 = arith.constant 0 : i32
      %dma_wait3A_196 = arith.constant 0 : i32
      %dma_wait3A_197 = tpu.memref_slice %arg4[%add3A_95, %dma_wait3A, %dma_wait3A_195, %dma_wait3A_196] : memref<4x16x172x120xi32, #tpu.memory_space<hbm>> -> memref<1x16x172x120xi32, #tpu.memory_space<hbm>>
      %dma_wait3A_198 = tpu.memref_squeeze %dma_wait3A_197 : memref<1x16x172x120xi32, #tpu.memory_space<hbm>> -> memref<16x172x120xi32, #tpu.memory_space<hbm>>
      %dma_wait3A_199 = arith.constant 0 : i32
      %dma_wait3A_200 = arith.constant 0 : i32
      %dma_wait3A_201 = tpu.memref_slice %dma_wait3A_198[%arg1, %dma_wait3A_199, %dma_wait3A_200] : memref<16x172x120xi32, #tpu.memory_space<hbm>> -> memref<1x172x120xi32, #tpu.memory_space<hbm>>
      %dma_wait3A_202 = tpu.memref_squeeze %dma_wait3A_201 : memref<1x172x120xi32, #tpu.memory_space<hbm>> -> memref<172x120xi32, #tpu.memory_space<hbm>>
      %dma_wait3A_203 = arith.constant 0 : i32
      %dma_wait3A_204 = arith.constant 0 : i32
      %dma_wait3A_205 = arith.constant 0 : i32
      %dma_wait3A_206 = tpu.memref_slice %arg4[%add3A_95, %dma_wait3A_203, %dma_wait3A_204, %dma_wait3A_205] : memref<4x16x172x120xi32, #tpu.memory_space<hbm>> -> memref<1x16x172x120xi32, #tpu.memory_space<hbm>>
      %dma_wait3A_207 = tpu.memref_squeeze %dma_wait3A_206 : memref<1x16x172x120xi32, #tpu.memory_space<hbm>> -> memref<16x172x120xi32, #tpu.memory_space<hbm>>
      %dma_wait3A_208 = arith.constant 0 : i32
      %dma_wait3A_209 = arith.constant 0 : i32
      %dma_wait3A_210 = tpu.memref_slice %dma_wait3A_207[%arg1, %dma_wait3A_208, %dma_wait3A_209] : memref<16x172x120xi32, #tpu.memory_space<hbm>> -> memref<1x172x120xi32, #tpu.memory_space<hbm>>
      %dma_wait3A_211 = tpu.memref_squeeze %dma_wait3A_210 : memref<1x172x120xi32, #tpu.memory_space<hbm>> -> memref<172x120xi32, #tpu.memory_space<hbm>>
      tpu.wait_dma2 semaphore(%run_scoped3A : memref<!tpu.dma_semaphore, #tpu.memory_space<semaphore_mem>>) src(%dma_wait3A_211 : memref<172x120xi32, #tpu.memory_space<hbm>>) dst(%arg8 : memref<172x120xi32, #tpu.memory_space<vmem>>)
      tpu.yield
    }) : () -> ()
    %add3A_96 = arith.constant 0 : i32
    %add3A_97 = arith.addi %mul3A_0, %add3A_96 : i32
    "tpu.region"() ({
      %run_scoped3A = tpu.sem_alloc : memref<!tpu.dma_semaphore, #tpu.memory_space<semaphore_mem>>
      %dma_start3A = arith.constant 0 : i32
      %dma_start3A_178 = tpu.memref_slice %arg13[%add3A_97, %dma_start3A] : memref<2816x128xf32, #tpu.memory_space<vmem_shared>> -> memref<16x128xf32, #tpu.memory_space<vmem_shared>>
      %dma_start3A_179 = arith.constant 0 : i32
      %dma_start3A_180 = tpu.memref_slice %arg13[%add3A_97, %dma_start3A_179] : memref<2816x128xf32, #tpu.memory_space<vmem_shared>> -> memref<16x128xf32, #tpu.memory_space<vmem_shared>>
      tpu.enqueue_dma source(%arg11 : memref<16x128xf32, #tpu.memory_space<vmem>>) target(%dma_start3A_180 : memref<16x128xf32, #tpu.memory_space<vmem_shared>>) target_semaphore(%run_scoped3A : memref<!tpu.dma_semaphore, #tpu.memory_space<semaphore_mem>>)
      %dma_wait3A = arith.constant 0 : i32
      %dma_wait3A_181 = tpu.memref_slice %arg13[%add3A_97, %dma_wait3A] : memref<2816x128xf32, #tpu.memory_space<vmem_shared>> -> memref<16x128xf32, #tpu.memory_space<vmem_shared>>
      %dma_wait3A_182 = arith.constant 0 : i32
      %dma_wait3A_183 = tpu.memref_slice %arg13[%add3A_97, %dma_wait3A_182] : memref<2816x128xf32, #tpu.memory_space<vmem_shared>> -> memref<16x128xf32, #tpu.memory_space<vmem_shared>>
      tpu.wait_dma2 semaphore(%run_scoped3A : memref<!tpu.dma_semaphore, #tpu.memory_space<semaphore_mem>>) src(%arg11 : memref<16x128xf32, #tpu.memory_space<vmem>>) dst(%dma_wait3A_183 : memref<16x128xf32, #tpu.memory_space<vmem_shared>>)
      tpu.yield
    }) : () -> ()
    %add3A_98 = arith.constant 16 : i32
    %add3A_99 = arith.addi %mul3A_0, %add3A_98 : i32
    "tpu.region"() ({
      %run_scoped3A = tpu.sem_alloc : memref<!tpu.dma_semaphore, #tpu.memory_space<semaphore_mem>>
      %dma_start3A = arith.constant 0 : i32
      %dma_start3A_178 = tpu.memref_slice %arg13[%add3A_99, %dma_start3A] : memref<2816x128xf32, #tpu.memory_space<vmem_shared>> -> memref<16x128xf32, #tpu.memory_space<vmem_shared>>
      %dma_start3A_179 = arith.constant 0 : i32
      %dma_start3A_180 = tpu.memref_slice %arg13[%add3A_99, %dma_start3A_179] : memref<2816x128xf32, #tpu.memory_space<vmem_shared>> -> memref<16x128xf32, #tpu.memory_space<vmem_shared>>
      tpu.enqueue_dma source(%arg11 : memref<16x128xf32, #tpu.memory_space<vmem>>) target(%dma_start3A_180 : memref<16x128xf32, #tpu.memory_space<vmem_shared>>) target_semaphore(%run_scoped3A : memref<!tpu.dma_semaphore, #tpu.memory_space<semaphore_mem>>)
      %dma_wait3A = arith.constant 0 : i32
      %dma_wait3A_181 = tpu.memref_slice %arg13[%add3A_99, %dma_wait3A] : memref<2816x128xf32, #tpu.memory_space<vmem_shared>> -> memref<16x128xf32, #tpu.memory_space<vmem_shared>>
      %dma_wait3A_182 = arith.constant 0 : i32
      %dma_wait3A_183 = tpu.memref_slice %arg13[%add3A_99, %dma_wait3A_182] : memref<2816x128xf32, #tpu.memory_space<vmem_shared>> -> memref<16x128xf32, #tpu.memory_space<vmem_shared>>
      tpu.wait_dma2 semaphore(%run_scoped3A : memref<!tpu.dma_semaphore, #tpu.memory_space<semaphore_mem>>) src(%arg11 : memref<16x128xf32, #tpu.memory_space<vmem>>) dst(%dma_wait3A_183 : memref<16x128xf32, #tpu.memory_space<vmem_shared>>)
      tpu.yield
    }) : () -> ()
    %add3A_100 = arith.constant 32 : i32
    %add3A_101 = arith.addi %mul3A_0, %add3A_100 : i32
    "tpu.region"() ({
      %run_scoped3A = tpu.sem_alloc : memref<!tpu.dma_semaphore, #tpu.memory_space<semaphore_mem>>
      %dma_start3A = arith.constant 0 : i32
      %dma_start3A_178 = tpu.memref_slice %arg13[%add3A_101, %dma_start3A] : memref<2816x128xf32, #tpu.memory_space<vmem_shared>> -> memref<16x128xf32, #tpu.memory_space<vmem_shared>>
      %dma_start3A_179 = arith.constant 0 : i32
      %dma_start3A_180 = tpu.memref_slice %arg13[%add3A_101, %dma_start3A_179] : memref<2816x128xf32, #tpu.memory_space<vmem_shared>> -> memref<16x128xf32, #tpu.memory_space<vmem_shared>>
      tpu.enqueue_dma source(%arg11 : memref<16x128xf32, #tpu.memory_space<vmem>>) target(%dma_start3A_180 : memref<16x128xf32, #tpu.memory_space<vmem_shared>>) target_semaphore(%run_scoped3A : memref<!tpu.dma_semaphore, #tpu.memory_space<semaphore_mem>>)
      %dma_wait3A = arith.constant 0 : i32
      %dma_wait3A_181 = tpu.memref_slice %arg13[%add3A_101, %dma_wait3A] : memref<2816x128xf32, #tpu.memory_space<vmem_shared>> -> memref<16x128xf32, #tpu.memory_space<vmem_shared>>
      %dma_wait3A_182 = arith.constant 0 : i32
      %dma_wait3A_183 = tpu.memref_slice %arg13[%add3A_101, %dma_wait3A_182] : memref<2816x128xf32, #tpu.memory_space<vmem_shared>> -> memref<16x128xf32, #tpu.memory_space<vmem_shared>>
      tpu.wait_dma2 semaphore(%run_scoped3A : memref<!tpu.dma_semaphore, #tpu.memory_space<semaphore_mem>>) src(%arg11 : memref<16x128xf32, #tpu.memory_space<vmem>>) dst(%dma_wait3A_183 : memref<16x128xf32, #tpu.memory_space<vmem_shared>>)
      tpu.yield
    }) : () -> ()
    %add3A_102 = arith.constant 48 : i32
    %add3A_103 = arith.addi %mul3A_0, %add3A_102 : i32
    "tpu.region"() ({
      %run_scoped3A = tpu.sem_alloc : memref<!tpu.dma_semaphore, #tpu.memory_space<semaphore_mem>>
      %dma_start3A = arith.constant 0 : i32
      %dma_start3A_178 = tpu.memref_slice %arg13[%add3A_103, %dma_start3A] : memref<2816x128xf32, #tpu.memory_space<vmem_shared>> -> memref<16x128xf32, #tpu.memory_space<vmem_shared>>
      %dma_start3A_179 = arith.constant 0 : i32
      %dma_start3A_180 = tpu.memref_slice %arg13[%add3A_103, %dma_start3A_179] : memref<2816x128xf32, #tpu.memory_space<vmem_shared>> -> memref<16x128xf32, #tpu.memory_space<vmem_shared>>
      tpu.enqueue_dma source(%arg11 : memref<16x128xf32, #tpu.memory_space<vmem>>) target(%dma_start3A_180 : memref<16x128xf32, #tpu.memory_space<vmem_shared>>) target_semaphore(%run_scoped3A : memref<!tpu.dma_semaphore, #tpu.memory_space<semaphore_mem>>)
      %dma_wait3A = arith.constant 0 : i32
      %dma_wait3A_181 = tpu.memref_slice %arg13[%add3A_103, %dma_wait3A] : memref<2816x128xf32, #tpu.memory_space<vmem_shared>> -> memref<16x128xf32, #tpu.memory_space<vmem_shared>>
      %dma_wait3A_182 = arith.constant 0 : i32
      %dma_wait3A_183 = tpu.memref_slice %arg13[%add3A_103, %dma_wait3A_182] : memref<2816x128xf32, #tpu.memory_space<vmem_shared>> -> memref<16x128xf32, #tpu.memory_space<vmem_shared>>
      tpu.wait_dma2 semaphore(%run_scoped3A : memref<!tpu.dma_semaphore, #tpu.memory_space<semaphore_mem>>) src(%arg11 : memref<16x128xf32, #tpu.memory_space<vmem>>) dst(%dma_wait3A_183 : memref<16x128xf32, #tpu.memory_space<vmem_shared>>)
      tpu.yield
    }) : () -> ()
    %add3A_104 = arith.constant 64 : i32
    %add3A_105 = arith.addi %mul3A_0, %add3A_104 : i32
    "tpu.region"() ({
      %run_scoped3A = tpu.sem_alloc : memref<!tpu.dma_semaphore, #tpu.memory_space<semaphore_mem>>
      %dma_start3A = arith.constant 0 : i32
      %dma_start3A_178 = tpu.memref_slice %arg13[%add3A_105, %dma_start3A] : memref<2816x128xf32, #tpu.memory_space<vmem_shared>> -> memref<16x128xf32, #tpu.memory_space<vmem_shared>>
      %dma_start3A_179 = arith.constant 0 : i32
      %dma_start3A_180 = tpu.memref_slice %arg13[%add3A_105, %dma_start3A_179] : memref<2816x128xf32, #tpu.memory_space<vmem_shared>> -> memref<16x128xf32, #tpu.memory_space<vmem_shared>>
      tpu.enqueue_dma source(%arg11 : memref<16x128xf32, #tpu.memory_space<vmem>>) target(%dma_start3A_180 : memref<16x128xf32, #tpu.memory_space<vmem_shared>>) target_semaphore(%run_scoped3A : memref<!tpu.dma_semaphore, #tpu.memory_space<semaphore_mem>>)
      %dma_wait3A = arith.constant 0 : i32
      %dma_wait3A_181 = tpu.memref_slice %arg13[%add3A_105, %dma_wait3A] : memref<2816x128xf32, #tpu.memory_space<vmem_shared>> -> memref<16x128xf32, #tpu.memory_space<vmem_shared>>
      %dma_wait3A_182 = arith.constant 0 : i32
      %dma_wait3A_183 = tpu.memref_slice %arg13[%add3A_105, %dma_wait3A_182] : memref<2816x128xf32, #tpu.memory_space<vmem_shared>> -> memref<16x128xf32, #tpu.memory_space<vmem_shared>>
      tpu.wait_dma2 semaphore(%run_scoped3A : memref<!tpu.dma_semaphore, #tpu.memory_space<semaphore_mem>>) src(%arg11 : memref<16x128xf32, #tpu.memory_space<vmem>>) dst(%dma_wait3A_183 : memref<16x128xf32, #tpu.memory_space<vmem_shared>>)
      tpu.yield
    }) : () -> ()
    %add3A_106 = arith.constant 80 : i32
    %add3A_107 = arith.addi %mul3A_0, %add3A_106 : i32
    "tpu.region"() ({
      %run_scoped3A = tpu.sem_alloc : memref<!tpu.dma_semaphore, #tpu.memory_space<semaphore_mem>>
      %dma_start3A = arith.constant 0 : i32
      %dma_start3A_178 = tpu.memref_slice %arg13[%add3A_107, %dma_start3A] : memref<2816x128xf32, #tpu.memory_space<vmem_shared>> -> memref<16x128xf32, #tpu.memory_space<vmem_shared>>
      %dma_start3A_179 = arith.constant 0 : i32
      %dma_start3A_180 = tpu.memref_slice %arg13[%add3A_107, %dma_start3A_179] : memref<2816x128xf32, #tpu.memory_space<vmem_shared>> -> memref<16x128xf32, #tpu.memory_space<vmem_shared>>
      tpu.enqueue_dma source(%arg11 : memref<16x128xf32, #tpu.memory_space<vmem>>) target(%dma_start3A_180 : memref<16x128xf32, #tpu.memory_space<vmem_shared>>) target_semaphore(%run_scoped3A : memref<!tpu.dma_semaphore, #tpu.memory_space<semaphore_mem>>)
      %dma_wait3A = arith.constant 0 : i32
      %dma_wait3A_181 = tpu.memref_slice %arg13[%add3A_107, %dma_wait3A] : memref<2816x128xf32, #tpu.memory_space<vmem_shared>> -> memref<16x128xf32, #tpu.memory_space<vmem_shared>>
      %dma_wait3A_182 = arith.constant 0 : i32
      %dma_wait3A_183 = tpu.memref_slice %arg13[%add3A_107, %dma_wait3A_182] : memref<2816x128xf32, #tpu.memory_space<vmem_shared>> -> memref<16x128xf32, #tpu.memory_space<vmem_shared>>
      tpu.wait_dma2 semaphore(%run_scoped3A : memref<!tpu.dma_semaphore, #tpu.memory_space<semaphore_mem>>) src(%arg11 : memref<16x128xf32, #tpu.memory_space<vmem>>) dst(%dma_wait3A_183 : memref<16x128xf32, #tpu.memory_space<vmem_shared>>)
      tpu.yield
    }) : () -> ()
    %add3A_108 = arith.constant 96 : i32
    %add3A_109 = arith.addi %mul3A_0, %add3A_108 : i32
    "tpu.region"() ({
      %run_scoped3A = tpu.sem_alloc : memref<!tpu.dma_semaphore, #tpu.memory_space<semaphore_mem>>
      %dma_start3A = arith.constant 0 : i32
      %dma_start3A_178 = tpu.memref_slice %arg13[%add3A_109, %dma_start3A] : memref<2816x128xf32, #tpu.memory_space<vmem_shared>> -> memref<16x128xf32, #tpu.memory_space<vmem_shared>>
      %dma_start3A_179 = arith.constant 0 : i32
      %dma_start3A_180 = tpu.memref_slice %arg13[%add3A_109, %dma_start3A_179] : memref<2816x128xf32, #tpu.memory_space<vmem_shared>> -> memref<16x128xf32, #tpu.memory_space<vmem_shared>>
      tpu.enqueue_dma source(%arg11 : memref<16x128xf32, #tpu.memory_space<vmem>>) target(%dma_start3A_180 : memref<16x128xf32, #tpu.memory_space<vmem_shared>>) target_semaphore(%run_scoped3A : memref<!tpu.dma_semaphore, #tpu.memory_space<semaphore_mem>>)
      %dma_wait3A = arith.constant 0 : i32
      %dma_wait3A_181 = tpu.memref_slice %arg13[%add3A_109, %dma_wait3A] : memref<2816x128xf32, #tpu.memory_space<vmem_shared>> -> memref<16x128xf32, #tpu.memory_space<vmem_shared>>
      %dma_wait3A_182 = arith.constant 0 : i32
      %dma_wait3A_183 = tpu.memref_slice %arg13[%add3A_109, %dma_wait3A_182] : memref<2816x128xf32, #tpu.memory_space<vmem_shared>> -> memref<16x128xf32, #tpu.memory_space<vmem_shared>>
      tpu.wait_dma2 semaphore(%run_scoped3A : memref<!tpu.dma_semaphore, #tpu.memory_space<semaphore_mem>>) src(%arg11 : memref<16x128xf32, #tpu.memory_space<vmem>>) dst(%dma_wait3A_183 : memref<16x128xf32, #tpu.memory_space<vmem_shared>>)
      tpu.yield
    }) : () -> ()
    %add3A_110 = arith.constant 112 : i32
    %add3A_111 = arith.addi %mul3A_0, %add3A_110 : i32
    "tpu.region"() ({
      %run_scoped3A = tpu.sem_alloc : memref<!tpu.dma_semaphore, #tpu.memory_space<semaphore_mem>>
      %dma_start3A = arith.constant 0 : i32
      %dma_start3A_178 = tpu.memref_slice %arg13[%add3A_111, %dma_start3A] : memref<2816x128xf32, #tpu.memory_space<vmem_shared>> -> memref<16x128xf32, #tpu.memory_space<vmem_shared>>
      %dma_start3A_179 = arith.constant 0 : i32
      %dma_start3A_180 = tpu.memref_slice %arg13[%add3A_111, %dma_start3A_179] : memref<2816x128xf32, #tpu.memory_space<vmem_shared>> -> memref<16x128xf32, #tpu.memory_space<vmem_shared>>
      tpu.enqueue_dma source(%arg11 : memref<16x128xf32, #tpu.memory_space<vmem>>) target(%dma_start3A_180 : memref<16x128xf32, #tpu.memory_space<vmem_shared>>) target_semaphore(%run_scoped3A : memref<!tpu.dma_semaphore, #tpu.memory_space<semaphore_mem>>)
      %dma_wait3A = arith.constant 0 : i32
      %dma_wait3A_181 = tpu.memref_slice %arg13[%add3A_111, %dma_wait3A] : memref<2816x128xf32, #tpu.memory_space<vmem_shared>> -> memref<16x128xf32, #tpu.memory_space<vmem_shared>>
      %dma_wait3A_182 = arith.constant 0 : i32
      %dma_wait3A_183 = tpu.memref_slice %arg13[%add3A_111, %dma_wait3A_182] : memref<2816x128xf32, #tpu.memory_space<vmem_shared>> -> memref<16x128xf32, #tpu.memory_space<vmem_shared>>
      tpu.wait_dma2 semaphore(%run_scoped3A : memref<!tpu.dma_semaphore, #tpu.memory_space<semaphore_mem>>) src(%arg11 : memref<16x128xf32, #tpu.memory_space<vmem>>) dst(%dma_wait3A_183 : memref<16x128xf32, #tpu.memory_space<vmem_shared>>)
      tpu.yield
    }) : () -> ()
    %add3A_112 = arith.constant 128 : i32
    %add3A_113 = arith.addi %mul3A_0, %add3A_112 : i32
    "tpu.region"() ({
      %run_scoped3A = tpu.sem_alloc : memref<!tpu.dma_semaphore, #tpu.memory_space<semaphore_mem>>
      %dma_start3A = arith.constant 0 : i32
      %dma_start3A_178 = tpu.memref_slice %arg13[%add3A_113, %dma_start3A] : memref<2816x128xf32, #tpu.memory_space<vmem_shared>> -> memref<16x128xf32, #tpu.memory_space<vmem_shared>>
      %dma_start3A_179 = arith.constant 0 : i32
      %dma_start3A_180 = tpu.memref_slice %arg13[%add3A_113, %dma_start3A_179] : memref<2816x128xf32, #tpu.memory_space<vmem_shared>> -> memref<16x128xf32, #tpu.memory_space<vmem_shared>>
      tpu.enqueue_dma source(%arg11 : memref<16x128xf32, #tpu.memory_space<vmem>>) target(%dma_start3A_180 : memref<16x128xf32, #tpu.memory_space<vmem_shared>>) target_semaphore(%run_scoped3A : memref<!tpu.dma_semaphore, #tpu.memory_space<semaphore_mem>>)
      %dma_wait3A = arith.constant 0 : i32
      %dma_wait3A_181 = tpu.memref_slice %arg13[%add3A_113, %dma_wait3A] : memref<2816x128xf32, #tpu.memory_space<vmem_shared>> -> memref<16x128xf32, #tpu.memory_space<vmem_shared>>
      %dma_wait3A_182 = arith.constant 0 : i32
      %dma_wait3A_183 = tpu.memref_slice %arg13[%add3A_113, %dma_wait3A_182] : memref<2816x128xf32, #tpu.memory_space<vmem_shared>> -> memref<16x128xf32, #tpu.memory_space<vmem_shared>>
      tpu.wait_dma2 semaphore(%run_scoped3A : memref<!tpu.dma_semaphore, #tpu.memory_space<semaphore_mem>>) src(%arg11 : memref<16x128xf32, #tpu.memory_space<vmem>>) dst(%dma_wait3A_183 : memref<16x128xf32, #tpu.memory_space<vmem_shared>>)
      tpu.yield
    }) : () -> ()
    %add3A_114 = arith.constant 144 : i32
    %add3A_115 = arith.addi %mul3A_0, %add3A_114 : i32
    "tpu.region"() ({
      %run_scoped3A = tpu.sem_alloc : memref<!tpu.dma_semaphore, #tpu.memory_space<semaphore_mem>>
      %dma_start3A = arith.constant 0 : i32
      %dma_start3A_178 = tpu.memref_slice %arg13[%add3A_115, %dma_start3A] : memref<2816x128xf32, #tpu.memory_space<vmem_shared>> -> memref<16x128xf32, #tpu.memory_space<vmem_shared>>
      %dma_start3A_179 = arith.constant 0 : i32
      %dma_start3A_180 = tpu.memref_slice %arg13[%add3A_115, %dma_start3A_179] : memref<2816x128xf32, #tpu.memory_space<vmem_shared>> -> memref<16x128xf32, #tpu.memory_space<vmem_shared>>
      tpu.enqueue_dma source(%arg11 : memref<16x128xf32, #tpu.memory_space<vmem>>) target(%dma_start3A_180 : memref<16x128xf32, #tpu.memory_space<vmem_shared>>) target_semaphore(%run_scoped3A : memref<!tpu.dma_semaphore, #tpu.memory_space<semaphore_mem>>)
      %dma_wait3A = arith.constant 0 : i32
      %dma_wait3A_181 = tpu.memref_slice %arg13[%add3A_115, %dma_wait3A] : memref<2816x128xf32, #tpu.memory_space<vmem_shared>> -> memref<16x128xf32, #tpu.memory_space<vmem_shared>>
      %dma_wait3A_182 = arith.constant 0 : i32
      %dma_wait3A_183 = tpu.memref_slice %arg13[%add3A_115, %dma_wait3A_182] : memref<2816x128xf32, #tpu.memory_space<vmem_shared>> -> memref<16x128xf32, #tpu.memory_space<vmem_shared>>
      tpu.wait_dma2 semaphore(%run_scoped3A : memref<!tpu.dma_semaphore, #tpu.memory_space<semaphore_mem>>) src(%arg11 : memref<16x128xf32, #tpu.memory_space<vmem>>) dst(%dma_wait3A_183 : memref<16x128xf32, #tpu.memory_space<vmem_shared>>)
      tpu.yield
    }) : () -> ()
    %add3A_116 = arith.constant 160 : i32
    %add3A_117 = arith.addi %mul3A_0, %add3A_116 : i32
    "tpu.region"() ({
      %run_scoped3A = tpu.sem_alloc : memref<!tpu.dma_semaphore, #tpu.memory_space<semaphore_mem>>
      %dma_start3A = arith.constant 0 : i32
      %dma_start3A_178 = tpu.memref_slice %arg13[%add3A_117, %dma_start3A] : memref<2816x128xf32, #tpu.memory_space<vmem_shared>> -> memref<16x128xf32, #tpu.memory_space<vmem_shared>>
      %dma_start3A_179 = arith.constant 0 : i32
      %dma_start3A_180 = tpu.memref_slice %arg13[%add3A_117, %dma_start3A_179] : memref<2816x128xf32, #tpu.memory_space<vmem_shared>> -> memref<16x128xf32, #tpu.memory_space<vmem_shared>>
      tpu.enqueue_dma source(%arg11 : memref<16x128xf32, #tpu.memory_space<vmem>>) target(%dma_start3A_180 : memref<16x128xf32, #tpu.memory_space<vmem_shared>>) target_semaphore(%run_scoped3A : memref<!tpu.dma_semaphore, #tpu.memory_space<semaphore_mem>>)
      %dma_wait3A = arith.constant 0 : i32
      %dma_wait3A_181 = tpu.memref_slice %arg13[%add3A_117, %dma_wait3A] : memref<2816x128xf32, #tpu.memory_space<vmem_shared>> -> memref<16x128xf32, #tpu.memory_space<vmem_shared>>
      %dma_wait3A_182 = arith.constant 0 : i32
      %dma_wait3A_183 = tpu.memref_slice %arg13[%add3A_117, %dma_wait3A_182] : memref<2816x128xf32, #tpu.memory_space<vmem_shared>> -> memref<16x128xf32, #tpu.memory_space<vmem_shared>>
      tpu.wait_dma2 semaphore(%run_scoped3A : memref<!tpu.dma_semaphore, #tpu.memory_space<semaphore_mem>>) src(%arg11 : memref<16x128xf32, #tpu.memory_space<vmem>>) dst(%dma_wait3A_183 : memref<16x128xf32, #tpu.memory_space<vmem_shared>>)
      tpu.yield
    }) : () -> ()
    %barrier3A_118 = arith.constant 0 : index
    tpu.barrier barrier_id(%barrier3A_118)
    %convert_element_type3A_119 = arith.extui %eq3A_11 : i1 to i32
    %cond3A_120 = arith.constant 0 : i32
    %cond3A_121 = arith.cmpi ne, %convert_element_type3A_119, %cond3A_120 : i32
    scf.if %cond3A_121 {
      %scan3A_178 = arith.constant 0 : i32
      %scan3A_179 = arith.constant 0 : i32
      %scan3A_180 = arith.constant 86 : i32
      %scan3A_181 = arith.addi %scan3A_179, %scan3A_180 : i32
      %scan3A_182 = arith.constant 1 : i32
      scf.for %scan3A_184 = %scan3A_179 to %scan3A_181 step %scan3A_182  : i32 {
        %mul3A_185 = arith.constant 2 : i32
        %mul3A_186 = arith.muli %scan3A_184, %mul3A_185 : i32
        %add3A_187 = arith.constant 1 : i32
        %add3A_188 = arith.addi %mul3A_186, %add3A_187 : i32
        "tpu.region"() ({
          %run_scoped3A = tpu.sem_alloc : memref<!tpu.dma_semaphore, #tpu.memory_space<semaphore_mem>>
          %dma_start3A = arith.constant 0 : i32
          %dma_start3A_189 = tpu.memref_slice %arg8[%mul3A_186, %dma_start3A] : memref<172x120xi32, #tpu.memory_space<vmem>> -> memref<1x120xi32, #tpu.memory_space<vmem>>
          %dma_start3A_190 = tpu.memref_squeeze %dma_start3A_189 : memref<1x120xi32, #tpu.memory_space<vmem>> -> memref<120xi32, #tpu.memory_space<vmem>>
          %dma_start3A_191 = arith.constant 0 : i32
          %dma_start3A_192 = arith.constant 0 : i32
          %dma_start3A_193 = tpu.memref_slice %arg13[%dma_start3A_191, %dma_start3A_192] : memref<2816x128xf32, #tpu.memory_space<vmem_shared>> -> memref<2816x128xf32, #tpu.memory_space<vmem_shared>>
          tpu.enqueue_indirect_dma source(%arg9 : memref<120x128xf32, #tpu.memory_space<vmem>>) target(%dma_start3A_193 : memref<2816x128xf32, #tpu.memory_space<vmem_shared>>) offsets(%dma_start3A_190 : memref<120xi32, #tpu.memory_space<vmem>>) semaphore(%run_scoped3A : memref<!tpu.dma_semaphore, #tpu.memory_space<semaphore_mem>>) {add = true}
          %dma_wait3A = arith.constant 0 : i32
          %dma_wait3A_194 = tpu.memref_slice %arg8[%mul3A_186, %dma_wait3A] : memref<172x120xi32, #tpu.memory_space<vmem>> -> memref<1x120xi32, #tpu.memory_space<vmem>>
          %dma_wait3A_195 = tpu.memref_squeeze %dma_wait3A_194 : memref<1x120xi32, #tpu.memory_space<vmem>> -> memref<120xi32, #tpu.memory_space<vmem>>
          %dma_wait3A_196 = arith.constant 0 : i32
          %dma_wait3A_197 = arith.constant 0 : i32
          %dma_wait3A_198 = tpu.memref_slice %arg13[%dma_wait3A_196, %dma_wait3A_197] : memref<2816x128xf32, #tpu.memory_space<vmem_shared>> -> memref<2816x128xf32, #tpu.memory_space<vmem_shared>>
          tpu.wait_indirect_dma semaphore(%run_scoped3A : memref<!tpu.dma_semaphore, #tpu.memory_space<semaphore_mem>>) src(%arg9 : memref<120x128xf32, #tpu.memory_space<vmem>>) dst(%dma_wait3A_198 : memref<2816x128xf32, #tpu.memory_space<vmem_shared>>)
          tpu.yield
        }) : () -> ()
        "tpu.region"() ({
          %run_scoped3A = tpu.sem_alloc : memref<!tpu.dma_semaphore, #tpu.memory_space<semaphore_mem>>
          %dma_start3A = arith.constant 0 : i32
          %dma_start3A_189 = tpu.memref_slice %arg8[%add3A_188, %dma_start3A] : memref<172x120xi32, #tpu.memory_space<vmem>> -> memref<1x120xi32, #tpu.memory_space<vmem>>
          %dma_start3A_190 = tpu.memref_squeeze %dma_start3A_189 : memref<1x120xi32, #tpu.memory_space<vmem>> -> memref<120xi32, #tpu.memory_space<vmem>>
          %dma_start3A_191 = arith.constant 0 : i32
          %dma_start3A_192 = arith.constant 0 : i32
          %dma_start3A_193 = tpu.memref_slice %arg13[%dma_start3A_191, %dma_start3A_192] : memref<2816x128xf32, #tpu.memory_space<vmem_shared>> -> memref<2816x128xf32, #tpu.memory_space<vmem_shared>>
          tpu.enqueue_indirect_dma source(%arg9 : memref<120x128xf32, #tpu.memory_space<vmem>>) target(%dma_start3A_193 : memref<2816x128xf32, #tpu.memory_space<vmem_shared>>) offsets(%dma_start3A_190 : memref<120xi32, #tpu.memory_space<vmem>>) semaphore(%run_scoped3A : memref<!tpu.dma_semaphore, #tpu.memory_space<semaphore_mem>>) {add = true}
          %dma_wait3A = arith.constant 0 : i32
          %dma_wait3A_194 = tpu.memref_slice %arg8[%add3A_188, %dma_wait3A] : memref<172x120xi32, #tpu.memory_space<vmem>> -> memref<1x120xi32, #tpu.memory_space<vmem>>
          %dma_wait3A_195 = tpu.memref_squeeze %dma_wait3A_194 : memref<1x120xi32, #tpu.memory_space<vmem>> -> memref<120xi32, #tpu.memory_space<vmem>>
          %dma_wait3A_196 = arith.constant 0 : i32
          %dma_wait3A_197 = arith.constant 0 : i32
          %dma_wait3A_198 = tpu.memref_slice %arg13[%dma_wait3A_196, %dma_wait3A_197] : memref<2816x128xf32, #tpu.memory_space<vmem_shared>> -> memref<2816x128xf32, #tpu.memory_space<vmem_shared>>
          tpu.wait_indirect_dma semaphore(%run_scoped3A : memref<!tpu.dma_semaphore, #tpu.memory_space<semaphore_mem>>) src(%arg9 : memref<120x128xf32, #tpu.memory_space<vmem>>) dst(%dma_wait3A_198 : memref<2816x128xf32, #tpu.memory_space<vmem_shared>>)
          tpu.yield
        }) : () -> ()
      }
      %scan3A_183 = arith.constant 86 : i32
    } else {
    }
    %not3A_122 = arith.constant true
    %not3A_123 = arith.xori %eq3A_11, %not3A_122 : i1
    %convert_element_type3A_124 = arith.extui %not3A_123 : i1 to i32
    %cond3A_125 = arith.constant 0 : i32
    %cond3A_126 = arith.cmpi ne, %convert_element_type3A_124, %cond3A_125 : i32
    scf.if %cond3A_126 {
      %scan3A_178 = arith.constant 0 : i32
      %scan3A_179 = arith.constant 0 : i32
      %scan3A_180 = arith.constant 86 : i32
      %scan3A_181 = arith.addi %scan3A_179, %scan3A_180 : i32
      %scan3A_182 = arith.constant 1 : i32
      scf.for %scan3A_184 = %scan3A_179 to %scan3A_181 step %scan3A_182  : i32 {
        %mul3A_185 = arith.constant 2 : i32
        %mul3A_186 = arith.muli %scan3A_184, %mul3A_185 : i32
        %add3A_187 = arith.constant 1 : i32
        %add3A_188 = arith.addi %mul3A_186, %add3A_187 : i32
        %add3A_189 = arith.constant 2 : i32
        %add3A_190 = arith.addi %mul3A_186, %add3A_189 : i32
        %lt3A = arith.constant 172 : i32
        %lt3A_191 = arith.cmpi slt, %add3A_190, %lt3A : i32
        %add3A_192 = arith.constant 2 : i32
        %add3A_193 = arith.addi %mul3A_186, %add3A_192 : i32
        %add3A_194 = arith.constant 2 : i32
        %add3A_195 = arith.addi %mul3A_186, %add3A_194 : i32
        %sub3A = arith.constant 172 : i32
        %sub3A_196 = arith.subi %add3A_195, %sub3A : i32
        %select_n3A = arith.select %lt3A_191, %add3A_193, %sub3A_196 : i32
        %add3A_197 = arith.constant 2 : i32
        %add3A_198 = arith.addi %add3A_188, %add3A_197 : i32
        %lt3A_199 = arith.constant 172 : i32
        %lt3A_200 = arith.cmpi slt, %add3A_198, %lt3A_199 : i32
        %add3A_201 = arith.constant 2 : i32
        %add3A_202 = arith.addi %add3A_188, %add3A_201 : i32
        %add3A_203 = arith.constant 2 : i32
        %add3A_204 = arith.addi %add3A_188, %add3A_203 : i32
        %sub3A_205 = arith.constant 172 : i32
        %sub3A_206 = arith.subi %add3A_204, %sub3A_205 : i32
        %select_n3A_207 = arith.select %lt3A_200, %add3A_202, %sub3A_206 : i32
        %dma_wait3A = arith.constant 0 : i32
        %dma_wait3A_208 = tpu.memref_slice %arg7[%mul3A_186, %dma_wait3A] : memref<172x120xi32, #tpu.memory_space<vmem>> -> memref<1x120xi32, #tpu.memory_space<vmem>>
        %dma_wait3A_209 = tpu.memref_squeeze %dma_wait3A_208 : memref<1x120xi32, #tpu.memory_space<vmem>> -> memref<120xi32, #tpu.memory_space<vmem>>
        %dma_wait3A_210 = arith.constant 0 : i32
        %dma_wait3A_211 = arith.constant 0 : i32
        %dma_wait3A_212 = tpu.memref_slice %arg2[%dma_wait3A_210, %dma_wait3A_211] : memref<10000x128xf32, #tpu.memory_space<hbm>> -> memref<10000x128xf32, #tpu.memory_space<hbm>>
        tpu.wait_indirect_dma semaphore(%arg15 : memref<!tpu.dma_semaphore, #tpu.memory_space<semaphore_mem>>) src(%dma_wait3A_212 : memref<10000x128xf32, #tpu.memory_space<hbm>>) dst(%arg9 : memref<120x128xf32, #tpu.memory_space<vmem>>)
        "tpu.region"() ({
          %run_scoped3A = tpu.sem_alloc : memref<!tpu.dma_semaphore, #tpu.memory_space<semaphore_mem>>
          %dma_start3A_230 = arith.constant 0 : i32
          %dma_start3A_231 = tpu.memref_slice %arg8[%mul3A_186, %dma_start3A_230] : memref<172x120xi32, #tpu.memory_space<vmem>> -> memref<1x120xi32, #tpu.memory_space<vmem>>
          %dma_start3A_232 = tpu.memref_squeeze %dma_start3A_231 : memref<1x120xi32, #tpu.memory_space<vmem>> -> memref<120xi32, #tpu.memory_space<vmem>>
          %dma_start3A_233 = arith.constant 0 : i32
          %dma_start3A_234 = arith.constant 0 : i32
          %dma_start3A_235 = tpu.memref_slice %arg13[%dma_start3A_233, %dma_start3A_234] : memref<2816x128xf32, #tpu.memory_space<vmem_shared>> -> memref<2816x128xf32, #tpu.memory_space<vmem_shared>>
          tpu.enqueue_indirect_dma source(%arg9 : memref<120x128xf32, #tpu.memory_space<vmem>>) target(%dma_start3A_235 : memref<2816x128xf32, #tpu.memory_space<vmem_shared>>) offsets(%dma_start3A_232 : memref<120xi32, #tpu.memory_space<vmem>>) semaphore(%run_scoped3A : memref<!tpu.dma_semaphore, #tpu.memory_space<semaphore_mem>>) {add = true}
          %dma_wait3A_236 = arith.constant 0 : i32
          %dma_wait3A_237 = tpu.memref_slice %arg8[%mul3A_186, %dma_wait3A_236] : memref<172x120xi32, #tpu.memory_space<vmem>> -> memref<1x120xi32, #tpu.memory_space<vmem>>
          %dma_wait3A_238 = tpu.memref_squeeze %dma_wait3A_237 : memref<1x120xi32, #tpu.memory_space<vmem>> -> memref<120xi32, #tpu.memory_space<vmem>>
          %dma_wait3A_239 = arith.constant 0 : i32
          %dma_wait3A_240 = arith.constant 0 : i32
          %dma_wait3A_241 = tpu.memref_slice %arg13[%dma_wait3A_239, %dma_wait3A_240] : memref<2816x128xf32, #tpu.memory_space<vmem_shared>> -> memref<2816x128xf32, #tpu.memory_space<vmem_shared>>
          tpu.wait_indirect_dma semaphore(%run_scoped3A : memref<!tpu.dma_semaphore, #tpu.memory_space<semaphore_mem>>) src(%arg9 : memref<120x128xf32, #tpu.memory_space<vmem>>) dst(%dma_wait3A_241 : memref<2816x128xf32, #tpu.memory_space<vmem_shared>>)
          tpu.yield
        }) : () -> ()
        %dma_start3A = arith.constant 0 : i32
        %dma_start3A_213 = tpu.memref_slice %arg7[%select_n3A, %dma_start3A] : memref<172x120xi32, #tpu.memory_space<vmem>> -> memref<1x120xi32, #tpu.memory_space<vmem>>
        %dma_start3A_214 = tpu.memref_squeeze %dma_start3A_213 : memref<1x120xi32, #tpu.memory_space<vmem>> -> memref<120xi32, #tpu.memory_space<vmem>>
        %dma_start3A_215 = arith.constant 0 : i32
        %dma_start3A_216 = arith.constant 0 : i32
        %dma_start3A_217 = tpu.memref_slice %arg2[%dma_start3A_215, %dma_start3A_216] : memref<10000x128xf32, #tpu.memory_space<hbm>> -> memref<10000x128xf32, #tpu.memory_space<hbm>>
        tpu.enqueue_indirect_dma source(%dma_start3A_217 : memref<10000x128xf32, #tpu.memory_space<hbm>>) target(%arg9 : memref<120x128xf32, #tpu.memory_space<vmem>>) offsets(%dma_start3A_214 : memref<120xi32, #tpu.memory_space<vmem>>) semaphore(%arg15 : memref<!tpu.dma_semaphore, #tpu.memory_space<semaphore_mem>>)
        %dma_wait3A_218 = arith.constant 0 : i32
        %dma_wait3A_219 = tpu.memref_slice %arg7[%add3A_188, %dma_wait3A_218] : memref<172x120xi32, #tpu.memory_space<vmem>> -> memref<1x120xi32, #tpu.memory_space<vmem>>
        %dma_wait3A_220 = tpu.memref_squeeze %dma_wait3A_219 : memref<1x120xi32, #tpu.memory_space<vmem>> -> memref<120xi32, #tpu.memory_space<vmem>>
        %dma_wait3A_221 = arith.constant 0 : i32
        %dma_wait3A_222 = arith.constant 0 : i32
        %dma_wait3A_223 = tpu.memref_slice %arg2[%dma_wait3A_221, %dma_wait3A_222] : memref<10000x128xf32, #tpu.memory_space<hbm>> -> memref<10000x128xf32, #tpu.memory_space<hbm>>
        tpu.wait_indirect_dma semaphore(%arg16 : memref<!tpu.dma_semaphore, #tpu.memory_space<semaphore_mem>>) src(%dma_wait3A_223 : memref<10000x128xf32, #tpu.memory_space<hbm>>) dst(%arg10 : memref<120x128xf32, #tpu.memory_space<vmem>>)
        "tpu.region"() ({
          %run_scoped3A = tpu.sem_alloc : memref<!tpu.dma_semaphore, #tpu.memory_space<semaphore_mem>>
          %dma_start3A_230 = arith.constant 0 : i32
          %dma_start3A_231 = tpu.memref_slice %arg8[%add3A_188, %dma_start3A_230] : memref<172x120xi32, #tpu.memory_space<vmem>> -> memref<1x120xi32, #tpu.memory_space<vmem>>
          %dma_start3A_232 = tpu.memref_squeeze %dma_start3A_231 : memref<1x120xi32, #tpu.memory_space<vmem>> -> memref<120xi32, #tpu.memory_space<vmem>>
          %dma_start3A_233 = arith.constant 0 : i32
          %dma_start3A_234 = arith.constant 0 : i32
          %dma_start3A_235 = tpu.memref_slice %arg13[%dma_start3A_233, %dma_start3A_234] : memref<2816x128xf32, #tpu.memory_space<vmem_shared>> -> memref<2816x128xf32, #tpu.memory_space<vmem_shared>>
          tpu.enqueue_indirect_dma source(%arg10 : memref<120x128xf32, #tpu.memory_space<vmem>>) target(%dma_start3A_235 : memref<2816x128xf32, #tpu.memory_space<vmem_shared>>) offsets(%dma_start3A_232 : memref<120xi32, #tpu.memory_space<vmem>>) semaphore(%run_scoped3A : memref<!tpu.dma_semaphore, #tpu.memory_space<semaphore_mem>>) {add = true}
          %dma_wait3A_236 = arith.constant 0 : i32
          %dma_wait3A_237 = tpu.memref_slice %arg8[%add3A_188, %dma_wait3A_236] : memref<172x120xi32, #tpu.memory_space<vmem>> -> memref<1x120xi32, #tpu.memory_space<vmem>>
          %dma_wait3A_238 = tpu.memref_squeeze %dma_wait3A_237 : memref<1x120xi32, #tpu.memory_space<vmem>> -> memref<120xi32, #tpu.memory_space<vmem>>
          %dma_wait3A_239 = arith.constant 0 : i32
          %dma_wait3A_240 = arith.constant 0 : i32
          %dma_wait3A_241 = tpu.memref_slice %arg13[%dma_wait3A_239, %dma_wait3A_240] : memref<2816x128xf32, #tpu.memory_space<vmem_shared>> -> memref<2816x128xf32, #tpu.memory_space<vmem_shared>>
          tpu.wait_indirect_dma semaphore(%run_scoped3A : memref<!tpu.dma_semaphore, #tpu.memory_space<semaphore_mem>>) src(%arg10 : memref<120x128xf32, #tpu.memory_space<vmem>>) dst(%dma_wait3A_241 : memref<2816x128xf32, #tpu.memory_space<vmem_shared>>)
          tpu.yield
        }) : () -> ()
        %dma_start3A_224 = arith.constant 0 : i32
        %dma_start3A_225 = tpu.memref_slice %arg7[%select_n3A_207, %dma_start3A_224] : memref<172x120xi32, #tpu.memory_space<vmem>> -> memref<1x120xi32, #tpu.memory_space<vmem>>
        %dma_start3A_226 = tpu.memref_squeeze %dma_start3A_225 : memref<1x120xi32, #tpu.memory_space<vmem>> -> memref<120xi32, #tpu.memory_space<vmem>>
        %dma_start3A_227 = arith.constant 0 : i32
        %dma_start3A_228 = arith.constant 0 : i32
        %dma_start3A_229 = tpu.memref_slice %arg2[%dma_start3A_227, %dma_start3A_228] : memref<10000x128xf32, #tpu.memory_space<hbm>> -> memref<10000x128xf32, #tpu.memory_space<hbm>>
        tpu.enqueue_indirect_dma source(%dma_start3A_229 : memref<10000x128xf32, #tpu.memory_space<hbm>>) target(%arg10 : memref<120x128xf32, #tpu.memory_space<vmem>>) offsets(%dma_start3A_226 : memref<120xi32, #tpu.memory_space<vmem>>) semaphore(%arg16 : memref<!tpu.dma_semaphore, #tpu.memory_space<semaphore_mem>>)
      }
      %scan3A_183 = arith.constant 86 : i32
    } else {
    }
    %barrier3A_127 = arith.constant 0 : index
    tpu.barrier barrier_id(%barrier3A_127)
    %add3A_128 = arith.constant 0 : i32
    %add3A_129 = arith.addi %mul3A_0, %add3A_128 : i32
    "tpu.region"() ({
      %run_scoped3A = tpu.sem_alloc : memref<!tpu.dma_semaphore, #tpu.memory_space<semaphore_mem>>
      %dma_start3A = arith.constant 0 : i32
      %dma_start3A_178 = tpu.memref_slice %arg13[%add3A_129, %dma_start3A] : memref<2816x128xf32, #tpu.memory_space<vmem_shared>> -> memref<16x128xf32, #tpu.memory_space<vmem_shared>>
      %dma_start3A_179 = arith.constant 0 : i32
      %dma_start3A_180 = tpu.memref_slice %arg13[%add3A_129, %dma_start3A_179] : memref<2816x128xf32, #tpu.memory_space<vmem_shared>> -> memref<16x128xf32, #tpu.memory_space<vmem_shared>>
      tpu.enqueue_dma source(%dma_start3A_180 : memref<16x128xf32, #tpu.memory_space<vmem_shared>>) target(%arg12 : memref<16x128xf32, #tpu.memory_space<vmem>>) target_semaphore(%run_scoped3A : memref<!tpu.dma_semaphore, #tpu.memory_space<semaphore_mem>>)
      %dma_wait3A = arith.constant 0 : i32
      %dma_wait3A_181 = tpu.memref_slice %arg13[%add3A_129, %dma_wait3A] : memref<2816x128xf32, #tpu.memory_space<vmem_shared>> -> memref<16x128xf32, #tpu.memory_space<vmem_shared>>
      %dma_wait3A_182 = arith.constant 0 : i32
      %dma_wait3A_183 = tpu.memref_slice %arg13[%add3A_129, %dma_wait3A_182] : memref<2816x128xf32, #tpu.memory_space<vmem_shared>> -> memref<16x128xf32, #tpu.memory_space<vmem_shared>>
      tpu.wait_dma2 semaphore(%run_scoped3A : memref<!tpu.dma_semaphore, #tpu.memory_space<semaphore_mem>>) src(%dma_wait3A_183 : memref<16x128xf32, #tpu.memory_space<vmem_shared>>) dst(%arg12 : memref<16x128xf32, #tpu.memory_space<vmem>>)
      tpu.yield
    }) : () -> ()
    %add3A_130 = arith.constant 0 : i32
    %add3A_131 = arith.addi %mul3A_0, %add3A_130 : i32
    "tpu.region"() ({
      %run_scoped3A = tpu.sem_alloc : memref<!tpu.dma_semaphore, #tpu.memory_space<semaphore_mem>>
      %dma_start3A = arith.constant 0 : i32
      %dma_start3A_178 = arith.constant 0 : i32
      %dma_start3A_179 = tpu.memref_slice %arg6[%add3A_95, %dma_start3A, %dma_start3A_178] : memref<4x2816x128xf32, #tpu.memory_space<hbm>> -> memref<1x2816x128xf32, #tpu.memory_space<hbm>>
      %dma_start3A_180 = tpu.memref_squeeze %dma_start3A_179 : memref<1x2816x128xf32, #tpu.memory_space<hbm>> -> memref<2816x128xf32, #tpu.memory_space<hbm>>
      %dma_start3A_181 = arith.constant 0 : i32
      %dma_start3A_182 = tpu.memref_slice %dma_start3A_180[%add3A_131, %dma_start3A_181] : memref<2816x128xf32, #tpu.memory_space<hbm>> -> memref<16x128xf32, #tpu.memory_space<hbm>>
      %dma_start3A_183 = arith.constant 0 : i32
      %dma_start3A_184 = arith.constant 0 : i32
      %dma_start3A_185 = tpu.memref_slice %arg6[%add3A_95, %dma_start3A_183, %dma_start3A_184] : memref<4x2816x128xf32, #tpu.memory_space<hbm>> -> memref<1x2816x128xf32, #tpu.memory_space<hbm>>
      %dma_start3A_186 = tpu.memref_squeeze %dma_start3A_185 : memref<1x2816x128xf32, #tpu.memory_space<hbm>> -> memref<2816x128xf32, #tpu.memory_space<hbm>>
      %dma_start3A_187 = arith.constant 0 : i32
      %dma_start3A_188 = tpu.memref_slice %dma_start3A_186[%add3A_131, %dma_start3A_187] : memref<2816x128xf32, #tpu.memory_space<hbm>> -> memref<16x128xf32, #tpu.memory_space<hbm>>
      tpu.enqueue_dma source(%arg12 : memref<16x128xf32, #tpu.memory_space<vmem>>) target(%dma_start3A_188 : memref<16x128xf32, #tpu.memory_space<hbm>>) target_semaphore(%run_scoped3A : memref<!tpu.dma_semaphore, #tpu.memory_space<semaphore_mem>>)
      %dma_wait3A = arith.constant 0 : i32
      %dma_wait3A_189 = arith.constant 0 : i32
      %dma_wait3A_190 = tpu.memref_slice %arg6[%add3A_95, %dma_wait3A, %dma_wait3A_189] : memref<4x2816x128xf32, #tpu.memory_space<hbm>> -> memref<1x2816x128xf32, #tpu.memory_space<hbm>>
      %dma_wait3A_191 = tpu.memref_squeeze %dma_wait3A_190 : memref<1x2816x128xf32, #tpu.memory_space<hbm>> -> memref<2816x128xf32, #tpu.memory_space<hbm>>
      %dma_wait3A_192 = arith.constant 0 : i32
      %dma_wait3A_193 = tpu.memref_slice %dma_wait3A_191[%add3A_131, %dma_wait3A_192] : memref<2816x128xf32, #tpu.memory_space<hbm>> -> memref<16x128xf32, #tpu.memory_space<hbm>>
      %dma_wait3A_194 = arith.constant 0 : i32
      %dma_wait3A_195 = arith.constant 0 : i32
      %dma_wait3A_196 = tpu.memref_slice %arg6[%add3A_95, %dma_wait3A_194, %dma_wait3A_195] : memref<4x2816x128xf32, #tpu.memory_space<hbm>> -> memref<1x2816x128xf32, #tpu.memory_space<hbm>>
      %dma_wait3A_197 = tpu.memref_squeeze %dma_wait3A_196 : memref<1x2816x128xf32, #tpu.memory_space<hbm>> -> memref<2816x128xf32, #tpu.memory_space<hbm>>
      %dma_wait3A_198 = arith.constant 0 : i32
      %dma_wait3A_199 = tpu.memref_slice %dma_wait3A_197[%add3A_131, %dma_wait3A_198] : memref<2816x128xf32, #tpu.memory_space<hbm>> -> memref<16x128xf32, #tpu.memory_space<hbm>>
      tpu.wait_dma2 semaphore(%run_scoped3A : memref<!tpu.dma_semaphore, #tpu.memory_space<semaphore_mem>>) src(%arg12 : memref<16x128xf32, #tpu.memory_space<vmem>>) dst(%dma_wait3A_199 : memref<16x128xf32, #tpu.memory_space<hbm>>)
      tpu.yield
    }) : () -> ()
    %add3A_132 = arith.constant 16 : i32
    %add3A_133 = arith.addi %mul3A_0, %add3A_132 : i32
    "tpu.region"() ({
      %run_scoped3A = tpu.sem_alloc : memref<!tpu.dma_semaphore, #tpu.memory_space<semaphore_mem>>
      %dma_start3A = arith.constant 0 : i32
      %dma_start3A_178 = tpu.memref_slice %arg13[%add3A_133, %dma_start3A] : memref<2816x128xf32, #tpu.memory_space<vmem_shared>> -> memref<16x128xf32, #tpu.memory_space<vmem_shared>>
      %dma_start3A_179 = arith.constant 0 : i32
      %dma_start3A_180 = tpu.memref_slice %arg13[%add3A_133, %dma_start3A_179] : memref<2816x128xf32, #tpu.memory_space<vmem_shared>> -> memref<16x128xf32, #tpu.memory_space<vmem_shared>>
      tpu.enqueue_dma source(%dma_start3A_180 : memref<16x128xf32, #tpu.memory_space<vmem_shared>>) target(%arg12 : memref<16x128xf32, #tpu.memory_space<vmem>>) target_semaphore(%run_scoped3A : memref<!tpu.dma_semaphore, #tpu.memory_space<semaphore_mem>>)
      %dma_wait3A = arith.constant 0 : i32
      %dma_wait3A_181 = tpu.memref_slice %arg13[%add3A_133, %dma_wait3A] : memref<2816x128xf32, #tpu.memory_space<vmem_shared>> -> memref<16x128xf32, #tpu.memory_space<vmem_shared>>
      %dma_wait3A_182 = arith.constant 0 : i32
      %dma_wait3A_183 = tpu.memref_slice %arg13[%add3A_133, %dma_wait3A_182] : memref<2816x128xf32, #tpu.memory_space<vmem_shared>> -> memref<16x128xf32, #tpu.memory_space<vmem_shared>>
      tpu.wait_dma2 semaphore(%run_scoped3A : memref<!tpu.dma_semaphore, #tpu.memory_space<semaphore_mem>>) src(%dma_wait3A_183 : memref<16x128xf32, #tpu.memory_space<vmem_shared>>) dst(%arg12 : memref<16x128xf32, #tpu.memory_space<vmem>>)
      tpu.yield
    }) : () -> ()
    %add3A_134 = arith.constant 16 : i32
    %add3A_135 = arith.addi %mul3A_0, %add3A_134 : i32
    "tpu.region"() ({
      %run_scoped3A = tpu.sem_alloc : memref<!tpu.dma_semaphore, #tpu.memory_space<semaphore_mem>>
      %dma_start3A = arith.constant 0 : i32
      %dma_start3A_178 = arith.constant 0 : i32
      %dma_start3A_179 = tpu.memref_slice %arg6[%add3A_95, %dma_start3A, %dma_start3A_178] : memref<4x2816x128xf32, #tpu.memory_space<hbm>> -> memref<1x2816x128xf32, #tpu.memory_space<hbm>>
      %dma_start3A_180 = tpu.memref_squeeze %dma_start3A_179 : memref<1x2816x128xf32, #tpu.memory_space<hbm>> -> memref<2816x128xf32, #tpu.memory_space<hbm>>
      %dma_start3A_181 = arith.constant 0 : i32
      %dma_start3A_182 = tpu.memref_slice %dma_start3A_180[%add3A_135, %dma_start3A_181] : memref<2816x128xf32, #tpu.memory_space<hbm>> -> memref<16x128xf32, #tpu.memory_space<hbm>>
      %dma_start3A_183 = arith.constant 0 : i32
      %dma_start3A_184 = arith.constant 0 : i32
      %dma_start3A_185 = tpu.memref_slice %arg6[%add3A_95, %dma_start3A_183, %dma_start3A_184] : memref<4x2816x128xf32, #tpu.memory_space<hbm>> -> memref<1x2816x128xf32, #tpu.memory_space<hbm>>
      %dma_start3A_186 = tpu.memref_squeeze %dma_start3A_185 : memref<1x2816x128xf32, #tpu.memory_space<hbm>> -> memref<2816x128xf32, #tpu.memory_space<hbm>>
      %dma_start3A_187 = arith.constant 0 : i32
      %dma_start3A_188 = tpu.memref_slice %dma_start3A_186[%add3A_135, %dma_start3A_187] : memref<2816x128xf32, #tpu.memory_space<hbm>> -> memref<16x128xf32, #tpu.memory_space<hbm>>
      tpu.enqueue_dma source(%arg12 : memref<16x128xf32, #tpu.memory_space<vmem>>) target(%dma_start3A_188 : memref<16x128xf32, #tpu.memory_space<hbm>>) target_semaphore(%run_scoped3A : memref<!tpu.dma_semaphore, #tpu.memory_space<semaphore_mem>>)
      %dma_wait3A = arith.constant 0 : i32
      %dma_wait3A_189 = arith.constant 0 : i32
      %dma_wait3A_190 = tpu.memref_slice %arg6[%add3A_95, %dma_wait3A, %dma_wait3A_189] : memref<4x2816x128xf32, #tpu.memory_space<hbm>> -> memref<1x2816x128xf32, #tpu.memory_space<hbm>>
      %dma_wait3A_191 = tpu.memref_squeeze %dma_wait3A_190 : memref<1x2816x128xf32, #tpu.memory_space<hbm>> -> memref<2816x128xf32, #tpu.memory_space<hbm>>
      %dma_wait3A_192 = arith.constant 0 : i32
      %dma_wait3A_193 = tpu.memref_slice %dma_wait3A_191[%add3A_135, %dma_wait3A_192] : memref<2816x128xf32, #tpu.memory_space<hbm>> -> memref<16x128xf32, #tpu.memory_space<hbm>>
      %dma_wait3A_194 = arith.constant 0 : i32
      %dma_wait3A_195 = arith.constant 0 : i32
      %dma_wait3A_196 = tpu.memref_slice %arg6[%add3A_95, %dma_wait3A_194, %dma_wait3A_195] : memref<4x2816x128xf32, #tpu.memory_space<hbm>> -> memref<1x2816x128xf32, #tpu.memory_space<hbm>>
      %dma_wait3A_197 = tpu.memref_squeeze %dma_wait3A_196 : memref<1x2816x128xf32, #tpu.memory_space<hbm>> -> memref<2816x128xf32, #tpu.memory_space<hbm>>
      %dma_wait3A_198 = arith.constant 0 : i32
      %dma_wait3A_199 = tpu.memref_slice %dma_wait3A_197[%add3A_135, %dma_wait3A_198] : memref<2816x128xf32, #tpu.memory_space<hbm>> -> memref<16x128xf32, #tpu.memory_space<hbm>>
      tpu.wait_dma2 semaphore(%run_scoped3A : memref<!tpu.dma_semaphore, #tpu.memory_space<semaphore_mem>>) src(%arg12 : memref<16x128xf32, #tpu.memory_space<vmem>>) dst(%dma_wait3A_199 : memref<16x128xf32, #tpu.memory_space<hbm>>)
      tpu.yield
    }) : () -> ()
    %add3A_136 = arith.constant 32 : i32
    %add3A_137 = arith.addi %mul3A_0, %add3A_136 : i32
    "tpu.region"() ({
      %run_scoped3A = tpu.sem_alloc : memref<!tpu.dma_semaphore, #tpu.memory_space<semaphore_mem>>
      %dma_start3A = arith.constant 0 : i32
      %dma_start3A_178 = tpu.memref_slice %arg13[%add3A_137, %dma_start3A] : memref<2816x128xf32, #tpu.memory_space<vmem_shared>> -> memref<16x128xf32, #tpu.memory_space<vmem_shared>>
      %dma_start3A_179 = arith.constant 0 : i32
      %dma_start3A_180 = tpu.memref_slice %arg13[%add3A_137, %dma_start3A_179] : memref<2816x128xf32, #tpu.memory_space<vmem_shared>> -> memref<16x128xf32, #tpu.memory_space<vmem_shared>>
      tpu.enqueue_dma source(%dma_start3A_180 : memref<16x128xf32, #tpu.memory_space<vmem_shared>>) target(%arg12 : memref<16x128xf32, #tpu.memory_space<vmem>>) target_semaphore(%run_scoped3A : memref<!tpu.dma_semaphore, #tpu.memory_space<semaphore_mem>>)
      %dma_wait3A = arith.constant 0 : i32
      %dma_wait3A_181 = tpu.memref_slice %arg13[%add3A_137, %dma_wait3A] : memref<2816x128xf32, #tpu.memory_space<vmem_shared>> -> memref<16x128xf32, #tpu.memory_space<vmem_shared>>
      %dma_wait3A_182 = arith.constant 0 : i32
      %dma_wait3A_183 = tpu.memref_slice %arg13[%add3A_137, %dma_wait3A_182] : memref<2816x128xf32, #tpu.memory_space<vmem_shared>> -> memref<16x128xf32, #tpu.memory_space<vmem_shared>>
      tpu.wait_dma2 semaphore(%run_scoped3A : memref<!tpu.dma_semaphore, #tpu.memory_space<semaphore_mem>>) src(%dma_wait3A_183 : memref<16x128xf32, #tpu.memory_space<vmem_shared>>) dst(%arg12 : memref<16x128xf32, #tpu.memory_space<vmem>>)
      tpu.yield
    }) : () -> ()
    %add3A_138 = arith.constant 32 : i32
    %add3A_139 = arith.addi %mul3A_0, %add3A_138 : i32
    "tpu.region"() ({
      %run_scoped3A = tpu.sem_alloc : memref<!tpu.dma_semaphore, #tpu.memory_space<semaphore_mem>>
      %dma_start3A = arith.constant 0 : i32
      %dma_start3A_178 = arith.constant 0 : i32
      %dma_start3A_179 = tpu.memref_slice %arg6[%add3A_95, %dma_start3A, %dma_start3A_178] : memref<4x2816x128xf32, #tpu.memory_space<hbm>> -> memref<1x2816x128xf32, #tpu.memory_space<hbm>>
      %dma_start3A_180 = tpu.memref_squeeze %dma_start3A_179 : memref<1x2816x128xf32, #tpu.memory_space<hbm>> -> memref<2816x128xf32, #tpu.memory_space<hbm>>
      %dma_start3A_181 = arith.constant 0 : i32
      %dma_start3A_182 = tpu.memref_slice %dma_start3A_180[%add3A_139, %dma_start3A_181] : memref<2816x128xf32, #tpu.memory_space<hbm>> -> memref<16x128xf32, #tpu.memory_space<hbm>>
      %dma_start3A_183 = arith.constant 0 : i32
      %dma_start3A_184 = arith.constant 0 : i32
      %dma_start3A_185 = tpu.memref_slice %arg6[%add3A_95, %dma_start3A_183, %dma_start3A_184] : memref<4x2816x128xf32, #tpu.memory_space<hbm>> -> memref<1x2816x128xf32, #tpu.memory_space<hbm>>
      %dma_start3A_186 = tpu.memref_squeeze %dma_start3A_185 : memref<1x2816x128xf32, #tpu.memory_space<hbm>> -> memref<2816x128xf32, #tpu.memory_space<hbm>>
      %dma_start3A_187 = arith.constant 0 : i32
      %dma_start3A_188 = tpu.memref_slice %dma_start3A_186[%add3A_139, %dma_start3A_187] : memref<2816x128xf32, #tpu.memory_space<hbm>> -> memref<16x128xf32, #tpu.memory_space<hbm>>
      tpu.enqueue_dma source(%arg12 : memref<16x128xf32, #tpu.memory_space<vmem>>) target(%dma_start3A_188 : memref<16x128xf32, #tpu.memory_space<hbm>>) target_semaphore(%run_scoped3A : memref<!tpu.dma_semaphore, #tpu.memory_space<semaphore_mem>>)
      %dma_wait3A = arith.constant 0 : i32
      %dma_wait3A_189 = arith.constant 0 : i32
      %dma_wait3A_190 = tpu.memref_slice %arg6[%add3A_95, %dma_wait3A, %dma_wait3A_189] : memref<4x2816x128xf32, #tpu.memory_space<hbm>> -> memref<1x2816x128xf32, #tpu.memory_space<hbm>>
      %dma_wait3A_191 = tpu.memref_squeeze %dma_wait3A_190 : memref<1x2816x128xf32, #tpu.memory_space<hbm>> -> memref<2816x128xf32, #tpu.memory_space<hbm>>
      %dma_wait3A_192 = arith.constant 0 : i32
      %dma_wait3A_193 = tpu.memref_slice %dma_wait3A_191[%add3A_139, %dma_wait3A_192] : memref<2816x128xf32, #tpu.memory_space<hbm>> -> memref<16x128xf32, #tpu.memory_space<hbm>>
      %dma_wait3A_194 = arith.constant 0 : i32
      %dma_wait3A_195 = arith.constant 0 : i32
      %dma_wait3A_196 = tpu.memref_slice %arg6[%add3A_95, %dma_wait3A_194, %dma_wait3A_195] : memref<4x2816x128xf32, #tpu.memory_space<hbm>> -> memref<1x2816x128xf32, #tpu.memory_space<hbm>>
      %dma_wait3A_197 = tpu.memref_squeeze %dma_wait3A_196 : memref<1x2816x128xf32, #tpu.memory_space<hbm>> -> memref<2816x128xf32, #tpu.memory_space<hbm>>
      %dma_wait3A_198 = arith.constant 0 : i32
      %dma_wait3A_199 = tpu.memref_slice %dma_wait3A_197[%add3A_139, %dma_wait3A_198] : memref<2816x128xf32, #tpu.memory_space<hbm>> -> memref<16x128xf32, #tpu.memory_space<hbm>>
      tpu.wait_dma2 semaphore(%run_scoped3A : memref<!tpu.dma_semaphore, #tpu.memory_space<semaphore_mem>>) src(%arg12 : memref<16x128xf32, #tpu.memory_space<vmem>>) dst(%dma_wait3A_199 : memref<16x128xf32, #tpu.memory_space<hbm>>)
      tpu.yield
    }) : () -> ()
    %add3A_140 = arith.constant 48 : i32
    %add3A_141 = arith.addi %mul3A_0, %add3A_140 : i32
    "tpu.region"() ({
      %run_scoped3A = tpu.sem_alloc : memref<!tpu.dma_semaphore, #tpu.memory_space<semaphore_mem>>
      %dma_start3A = arith.constant 0 : i32
      %dma_start3A_178 = tpu.memref_slice %arg13[%add3A_141, %dma_start3A] : memref<2816x128xf32, #tpu.memory_space<vmem_shared>> -> memref<16x128xf32, #tpu.memory_space<vmem_shared>>
      %dma_start3A_179 = arith.constant 0 : i32
      %dma_start3A_180 = tpu.memref_slice %arg13[%add3A_141, %dma_start3A_179] : memref<2816x128xf32, #tpu.memory_space<vmem_shared>> -> memref<16x128xf32, #tpu.memory_space<vmem_shared>>
      tpu.enqueue_dma source(%dma_start3A_180 : memref<16x128xf32, #tpu.memory_space<vmem_shared>>) target(%arg12 : memref<16x128xf32, #tpu.memory_space<vmem>>) target_semaphore(%run_scoped3A : memref<!tpu.dma_semaphore, #tpu.memory_space<semaphore_mem>>)
      %dma_wait3A = arith.constant 0 : i32
      %dma_wait3A_181 = tpu.memref_slice %arg13[%add3A_141, %dma_wait3A] : memref<2816x128xf32, #tpu.memory_space<vmem_shared>> -> memref<16x128xf32, #tpu.memory_space<vmem_shared>>
      %dma_wait3A_182 = arith.constant 0 : i32
      %dma_wait3A_183 = tpu.memref_slice %arg13[%add3A_141, %dma_wait3A_182] : memref<2816x128xf32, #tpu.memory_space<vmem_shared>> -> memref<16x128xf32, #tpu.memory_space<vmem_shared>>
      tpu.wait_dma2 semaphore(%run_scoped3A : memref<!tpu.dma_semaphore, #tpu.memory_space<semaphore_mem>>) src(%dma_wait3A_183 : memref<16x128xf32, #tpu.memory_space<vmem_shared>>) dst(%arg12 : memref<16x128xf32, #tpu.memory_space<vmem>>)
      tpu.yield
    }) : () -> ()
    %add3A_142 = arith.constant 48 : i32
    %add3A_143 = arith.addi %mul3A_0, %add3A_142 : i32
    "tpu.region"() ({
      %run_scoped3A = tpu.sem_alloc : memref<!tpu.dma_semaphore, #tpu.memory_space<semaphore_mem>>
      %dma_start3A = arith.constant 0 : i32
      %dma_start3A_178 = arith.constant 0 : i32
      %dma_start3A_179 = tpu.memref_slice %arg6[%add3A_95, %dma_start3A, %dma_start3A_178] : memref<4x2816x128xf32, #tpu.memory_space<hbm>> -> memref<1x2816x128xf32, #tpu.memory_space<hbm>>
      %dma_start3A_180 = tpu.memref_squeeze %dma_start3A_179 : memref<1x2816x128xf32, #tpu.memory_space<hbm>> -> memref<2816x128xf32, #tpu.memory_space<hbm>>
      %dma_start3A_181 = arith.constant 0 : i32
      %dma_start3A_182 = tpu.memref_slice %dma_start3A_180[%add3A_143, %dma_start3A_181] : memref<2816x128xf32, #tpu.memory_space<hbm>> -> memref<16x128xf32, #tpu.memory_space<hbm>>
      %dma_start3A_183 = arith.constant 0 : i32
      %dma_start3A_184 = arith.constant 0 : i32
      %dma_start3A_185 = tpu.memref_slice %arg6[%add3A_95, %dma_start3A_183, %dma_start3A_184] : memref<4x2816x128xf32, #tpu.memory_space<hbm>> -> memref<1x2816x128xf32, #tpu.memory_space<hbm>>
      %dma_start3A_186 = tpu.memref_squeeze %dma_start3A_185 : memref<1x2816x128xf32, #tpu.memory_space<hbm>> -> memref<2816x128xf32, #tpu.memory_space<hbm>>
      %dma_start3A_187 = arith.constant 0 : i32
      %dma_start3A_188 = tpu.memref_slice %dma_start3A_186[%add3A_143, %dma_start3A_187] : memref<2816x128xf32, #tpu.memory_space<hbm>> -> memref<16x128xf32, #tpu.memory_space<hbm>>
      tpu.enqueue_dma source(%arg12 : memref<16x128xf32, #tpu.memory_space<vmem>>) target(%dma_start3A_188 : memref<16x128xf32, #tpu.memory_space<hbm>>) target_semaphore(%run_scoped3A : memref<!tpu.dma_semaphore, #tpu.memory_space<semaphore_mem>>)
      %dma_wait3A = arith.constant 0 : i32
      %dma_wait3A_189 = arith.constant 0 : i32
      %dma_wait3A_190 = tpu.memref_slice %arg6[%add3A_95, %dma_wait3A, %dma_wait3A_189] : memref<4x2816x128xf32, #tpu.memory_space<hbm>> -> memref<1x2816x128xf32, #tpu.memory_space<hbm>>
      %dma_wait3A_191 = tpu.memref_squeeze %dma_wait3A_190 : memref<1x2816x128xf32, #tpu.memory_space<hbm>> -> memref<2816x128xf32, #tpu.memory_space<hbm>>
      %dma_wait3A_192 = arith.constant 0 : i32
      %dma_wait3A_193 = tpu.memref_slice %dma_wait3A_191[%add3A_143, %dma_wait3A_192] : memref<2816x128xf32, #tpu.memory_space<hbm>> -> memref<16x128xf32, #tpu.memory_space<hbm>>
      %dma_wait3A_194 = arith.constant 0 : i32
      %dma_wait3A_195 = arith.constant 0 : i32
      %dma_wait3A_196 = tpu.memref_slice %arg6[%add3A_95, %dma_wait3A_194, %dma_wait3A_195] : memref<4x2816x128xf32, #tpu.memory_space<hbm>> -> memref<1x2816x128xf32, #tpu.memory_space<hbm>>
      %dma_wait3A_197 = tpu.memref_squeeze %dma_wait3A_196 : memref<1x2816x128xf32, #tpu.memory_space<hbm>> -> memref<2816x128xf32, #tpu.memory_space<hbm>>
      %dma_wait3A_198 = arith.constant 0 : i32
      %dma_wait3A_199 = tpu.memref_slice %dma_wait3A_197[%add3A_143, %dma_wait3A_198] : memref<2816x128xf32, #tpu.memory_space<hbm>> -> memref<16x128xf32, #tpu.memory_space<hbm>>
      tpu.wait_dma2 semaphore(%run_scoped3A : memref<!tpu.dma_semaphore, #tpu.memory_space<semaphore_mem>>) src(%arg12 : memref<16x128xf32, #tpu.memory_space<vmem>>) dst(%dma_wait3A_199 : memref<16x128xf32, #tpu.memory_space<hbm>>)
      tpu.yield
    }) : () -> ()
    %add3A_144 = arith.constant 64 : i32
    %add3A_145 = arith.addi %mul3A_0, %add3A_144 : i32
    "tpu.region"() ({
      %run_scoped3A = tpu.sem_alloc : memref<!tpu.dma_semaphore, #tpu.memory_space<semaphore_mem>>
      %dma_start3A = arith.constant 0 : i32
      %dma_start3A_178 = tpu.memref_slice %arg13[%add3A_145, %dma_start3A] : memref<2816x128xf32, #tpu.memory_space<vmem_shared>> -> memref<16x128xf32, #tpu.memory_space<vmem_shared>>
      %dma_start3A_179 = arith.constant 0 : i32
      %dma_start3A_180 = tpu.memref_slice %arg13[%add3A_145, %dma_start3A_179] : memref<2816x128xf32, #tpu.memory_space<vmem_shared>> -> memref<16x128xf32, #tpu.memory_space<vmem_shared>>
      tpu.enqueue_dma source(%dma_start3A_180 : memref<16x128xf32, #tpu.memory_space<vmem_shared>>) target(%arg12 : memref<16x128xf32, #tpu.memory_space<vmem>>) target_semaphore(%run_scoped3A : memref<!tpu.dma_semaphore, #tpu.memory_space<semaphore_mem>>)
      %dma_wait3A = arith.constant 0 : i32
      %dma_wait3A_181 = tpu.memref_slice %arg13[%add3A_145, %dma_wait3A] : memref<2816x128xf32, #tpu.memory_space<vmem_shared>> -> memref<16x128xf32, #tpu.memory_space<vmem_shared>>
      %dma_wait3A_182 = arith.constant 0 : i32
      %dma_wait3A_183 = tpu.memref_slice %arg13[%add3A_145, %dma_wait3A_182] : memref<2816x128xf32, #tpu.memory_space<vmem_shared>> -> memref<16x128xf32, #tpu.memory_space<vmem_shared>>
      tpu.wait_dma2 semaphore(%run_scoped3A : memref<!tpu.dma_semaphore, #tpu.memory_space<semaphore_mem>>) src(%dma_wait3A_183 : memref<16x128xf32, #tpu.memory_space<vmem_shared>>) dst(%arg12 : memref<16x128xf32, #tpu.memory_space<vmem>>)
      tpu.yield
    }) : () -> ()
    %add3A_146 = arith.constant 64 : i32
    %add3A_147 = arith.addi %mul3A_0, %add3A_146 : i32
    "tpu.region"() ({
      %run_scoped3A = tpu.sem_alloc : memref<!tpu.dma_semaphore, #tpu.memory_space<semaphore_mem>>
      %dma_start3A = arith.constant 0 : i32
      %dma_start3A_178 = arith.constant 0 : i32
      %dma_start3A_179 = tpu.memref_slice %arg6[%add3A_95, %dma_start3A, %dma_start3A_178] : memref<4x2816x128xf32, #tpu.memory_space<hbm>> -> memref<1x2816x128xf32, #tpu.memory_space<hbm>>
      %dma_start3A_180 = tpu.memref_squeeze %dma_start3A_179 : memref<1x2816x128xf32, #tpu.memory_space<hbm>> -> memref<2816x128xf32, #tpu.memory_space<hbm>>
      %dma_start3A_181 = arith.constant 0 : i32
      %dma_start3A_182 = tpu.memref_slice %dma_start3A_180[%add3A_147, %dma_start3A_181] : memref<2816x128xf32, #tpu.memory_space<hbm>> -> memref<16x128xf32, #tpu.memory_space<hbm>>
      %dma_start3A_183 = arith.constant 0 : i32
      %dma_start3A_184 = arith.constant 0 : i32
      %dma_start3A_185 = tpu.memref_slice %arg6[%add3A_95, %dma_start3A_183, %dma_start3A_184] : memref<4x2816x128xf32, #tpu.memory_space<hbm>> -> memref<1x2816x128xf32, #tpu.memory_space<hbm>>
      %dma_start3A_186 = tpu.memref_squeeze %dma_start3A_185 : memref<1x2816x128xf32, #tpu.memory_space<hbm>> -> memref<2816x128xf32, #tpu.memory_space<hbm>>
      %dma_start3A_187 = arith.constant 0 : i32
      %dma_start3A_188 = tpu.memref_slice %dma_start3A_186[%add3A_147, %dma_start3A_187] : memref<2816x128xf32, #tpu.memory_space<hbm>> -> memref<16x128xf32, #tpu.memory_space<hbm>>
      tpu.enqueue_dma source(%arg12 : memref<16x128xf32, #tpu.memory_space<vmem>>) target(%dma_start3A_188 : memref<16x128xf32, #tpu.memory_space<hbm>>) target_semaphore(%run_scoped3A : memref<!tpu.dma_semaphore, #tpu.memory_space<semaphore_mem>>)
      %dma_wait3A = arith.constant 0 : i32
      %dma_wait3A_189 = arith.constant 0 : i32
      %dma_wait3A_190 = tpu.memref_slice %arg6[%add3A_95, %dma_wait3A, %dma_wait3A_189] : memref<4x2816x128xf32, #tpu.memory_space<hbm>> -> memref<1x2816x128xf32, #tpu.memory_space<hbm>>
      %dma_wait3A_191 = tpu.memref_squeeze %dma_wait3A_190 : memref<1x2816x128xf32, #tpu.memory_space<hbm>> -> memref<2816x128xf32, #tpu.memory_space<hbm>>
      %dma_wait3A_192 = arith.constant 0 : i32
      %dma_wait3A_193 = tpu.memref_slice %dma_wait3A_191[%add3A_147, %dma_wait3A_192] : memref<2816x128xf32, #tpu.memory_space<hbm>> -> memref<16x128xf32, #tpu.memory_space<hbm>>
      %dma_wait3A_194 = arith.constant 0 : i32
      %dma_wait3A_195 = arith.constant 0 : i32
      %dma_wait3A_196 = tpu.memref_slice %arg6[%add3A_95, %dma_wait3A_194, %dma_wait3A_195] : memref<4x2816x128xf32, #tpu.memory_space<hbm>> -> memref<1x2816x128xf32, #tpu.memory_space<hbm>>
      %dma_wait3A_197 = tpu.memref_squeeze %dma_wait3A_196 : memref<1x2816x128xf32, #tpu.memory_space<hbm>> -> memref<2816x128xf32, #tpu.memory_space<hbm>>
      %dma_wait3A_198 = arith.constant 0 : i32
      %dma_wait3A_199 = tpu.memref_slice %dma_wait3A_197[%add3A_147, %dma_wait3A_198] : memref<2816x128xf32, #tpu.memory_space<hbm>> -> memref<16x128xf32, #tpu.memory_space<hbm>>
      tpu.wait_dma2 semaphore(%run_scoped3A : memref<!tpu.dma_semaphore, #tpu.memory_space<semaphore_mem>>) src(%arg12 : memref<16x128xf32, #tpu.memory_space<vmem>>) dst(%dma_wait3A_199 : memref<16x128xf32, #tpu.memory_space<hbm>>)
      tpu.yield
    }) : () -> ()
    %add3A_148 = arith.constant 80 : i32
    %add3A_149 = arith.addi %mul3A_0, %add3A_148 : i32
    "tpu.region"() ({
      %run_scoped3A = tpu.sem_alloc : memref<!tpu.dma_semaphore, #tpu.memory_space<semaphore_mem>>
      %dma_start3A = arith.constant 0 : i32
      %dma_start3A_178 = tpu.memref_slice %arg13[%add3A_149, %dma_start3A] : memref<2816x128xf32, #tpu.memory_space<vmem_shared>> -> memref<16x128xf32, #tpu.memory_space<vmem_shared>>
      %dma_start3A_179 = arith.constant 0 : i32
      %dma_start3A_180 = tpu.memref_slice %arg13[%add3A_149, %dma_start3A_179] : memref<2816x128xf32, #tpu.memory_space<vmem_shared>> -> memref<16x128xf32, #tpu.memory_space<vmem_shared>>
      tpu.enqueue_dma source(%dma_start3A_180 : memref<16x128xf32, #tpu.memory_space<vmem_shared>>) target(%arg12 : memref<16x128xf32, #tpu.memory_space<vmem>>) target_semaphore(%run_scoped3A : memref<!tpu.dma_semaphore, #tpu.memory_space<semaphore_mem>>)
      %dma_wait3A = arith.constant 0 : i32
      %dma_wait3A_181 = tpu.memref_slice %arg13[%add3A_149, %dma_wait3A] : memref<2816x128xf32, #tpu.memory_space<vmem_shared>> -> memref<16x128xf32, #tpu.memory_space<vmem_shared>>
      %dma_wait3A_182 = arith.constant 0 : i32
      %dma_wait3A_183 = tpu.memref_slice %arg13[%add3A_149, %dma_wait3A_182] : memref<2816x128xf32, #tpu.memory_space<vmem_shared>> -> memref<16x128xf32, #tpu.memory_space<vmem_shared>>
      tpu.wait_dma2 semaphore(%run_scoped3A : memref<!tpu.dma_semaphore, #tpu.memory_space<semaphore_mem>>) src(%dma_wait3A_183 : memref<16x128xf32, #tpu.memory_space<vmem_shared>>) dst(%arg12 : memref<16x128xf32, #tpu.memory_space<vmem>>)
      tpu.yield
    }) : () -> ()
    %add3A_150 = arith.constant 80 : i32
    %add3A_151 = arith.addi %mul3A_0, %add3A_150 : i32
    "tpu.region"() ({
      %run_scoped3A = tpu.sem_alloc : memref<!tpu.dma_semaphore, #tpu.memory_space<semaphore_mem>>
      %dma_start3A = arith.constant 0 : i32
      %dma_start3A_178 = arith.constant 0 : i32
      %dma_start3A_179 = tpu.memref_slice %arg6[%add3A_95, %dma_start3A, %dma_start3A_178] : memref<4x2816x128xf32, #tpu.memory_space<hbm>> -> memref<1x2816x128xf32, #tpu.memory_space<hbm>>
      %dma_start3A_180 = tpu.memref_squeeze %dma_start3A_179 : memref<1x2816x128xf32, #tpu.memory_space<hbm>> -> memref<2816x128xf32, #tpu.memory_space<hbm>>
      %dma_start3A_181 = arith.constant 0 : i32
      %dma_start3A_182 = tpu.memref_slice %dma_start3A_180[%add3A_151, %dma_start3A_181] : memref<2816x128xf32, #tpu.memory_space<hbm>> -> memref<16x128xf32, #tpu.memory_space<hbm>>
      %dma_start3A_183 = arith.constant 0 : i32
      %dma_start3A_184 = arith.constant 0 : i32
      %dma_start3A_185 = tpu.memref_slice %arg6[%add3A_95, %dma_start3A_183, %dma_start3A_184] : memref<4x2816x128xf32, #tpu.memory_space<hbm>> -> memref<1x2816x128xf32, #tpu.memory_space<hbm>>
      %dma_start3A_186 = tpu.memref_squeeze %dma_start3A_185 : memref<1x2816x128xf32, #tpu.memory_space<hbm>> -> memref<2816x128xf32, #tpu.memory_space<hbm>>
      %dma_start3A_187 = arith.constant 0 : i32
      %dma_start3A_188 = tpu.memref_slice %dma_start3A_186[%add3A_151, %dma_start3A_187] : memref<2816x128xf32, #tpu.memory_space<hbm>> -> memref<16x128xf32, #tpu.memory_space<hbm>>
      tpu.enqueue_dma source(%arg12 : memref<16x128xf32, #tpu.memory_space<vmem>>) target(%dma_start3A_188 : memref<16x128xf32, #tpu.memory_space<hbm>>) target_semaphore(%run_scoped3A : memref<!tpu.dma_semaphore, #tpu.memory_space<semaphore_mem>>)
      %dma_wait3A = arith.constant 0 : i32
      %dma_wait3A_189 = arith.constant 0 : i32
      %dma_wait3A_190 = tpu.memref_slice %arg6[%add3A_95, %dma_wait3A, %dma_wait3A_189] : memref<4x2816x128xf32, #tpu.memory_space<hbm>> -> memref<1x2816x128xf32, #tpu.memory_space<hbm>>
      %dma_wait3A_191 = tpu.memref_squeeze %dma_wait3A_190 : memref<1x2816x128xf32, #tpu.memory_space<hbm>> -> memref<2816x128xf32, #tpu.memory_space<hbm>>
      %dma_wait3A_192 = arith.constant 0 : i32
      %dma_wait3A_193 = tpu.memref_slice %dma_wait3A_191[%add3A_151, %dma_wait3A_192] : memref<2816x128xf32, #tpu.memory_space<hbm>> -> memref<16x128xf32, #tpu.memory_space<hbm>>
      %dma_wait3A_194 = arith.constant 0 : i32
      %dma_wait3A_195 = arith.constant 0 : i32
      %dma_wait3A_196 = tpu.memref_slice %arg6[%add3A_95, %dma_wait3A_194, %dma_wait3A_195] : memref<4x2816x128xf32, #tpu.memory_space<hbm>> -> memref<1x2816x128xf32, #tpu.memory_space<hbm>>
      %dma_wait3A_197 = tpu.memref_squeeze %dma_wait3A_196 : memref<1x2816x128xf32, #tpu.memory_space<hbm>> -> memref<2816x128xf32, #tpu.memory_space<hbm>>
      %dma_wait3A_198 = arith.constant 0 : i32
      %dma_wait3A_199 = tpu.memref_slice %dma_wait3A_197[%add3A_151, %dma_wait3A_198] : memref<2816x128xf32, #tpu.memory_space<hbm>> -> memref<16x128xf32, #tpu.memory_space<hbm>>
      tpu.wait_dma2 semaphore(%run_scoped3A : memref<!tpu.dma_semaphore, #tpu.memory_space<semaphore_mem>>) src(%arg12 : memref<16x128xf32, #tpu.memory_space<vmem>>) dst(%dma_wait3A_199 : memref<16x128xf32, #tpu.memory_space<hbm>>)
      tpu.yield
    }) : () -> ()
    %add3A_152 = arith.constant 96 : i32
    %add3A_153 = arith.addi %mul3A_0, %add3A_152 : i32
    "tpu.region"() ({
      %run_scoped3A = tpu.sem_alloc : memref<!tpu.dma_semaphore, #tpu.memory_space<semaphore_mem>>
      %dma_start3A = arith.constant 0 : i32
      %dma_start3A_178 = tpu.memref_slice %arg13[%add3A_153, %dma_start3A] : memref<2816x128xf32, #tpu.memory_space<vmem_shared>> -> memref<16x128xf32, #tpu.memory_space<vmem_shared>>
      %dma_start3A_179 = arith.constant 0 : i32
      %dma_start3A_180 = tpu.memref_slice %arg13[%add3A_153, %dma_start3A_179] : memref<2816x128xf32, #tpu.memory_space<vmem_shared>> -> memref<16x128xf32, #tpu.memory_space<vmem_shared>>
      tpu.enqueue_dma source(%dma_start3A_180 : memref<16x128xf32, #tpu.memory_space<vmem_shared>>) target(%arg12 : memref<16x128xf32, #tpu.memory_space<vmem>>) target_semaphore(%run_scoped3A : memref<!tpu.dma_semaphore, #tpu.memory_space<semaphore_mem>>)
      %dma_wait3A = arith.constant 0 : i32
      %dma_wait3A_181 = tpu.memref_slice %arg13[%add3A_153, %dma_wait3A] : memref<2816x128xf32, #tpu.memory_space<vmem_shared>> -> memref<16x128xf32, #tpu.memory_space<vmem_shared>>
      %dma_wait3A_182 = arith.constant 0 : i32
      %dma_wait3A_183 = tpu.memref_slice %arg13[%add3A_153, %dma_wait3A_182] : memref<2816x128xf32, #tpu.memory_space<vmem_shared>> -> memref<16x128xf32, #tpu.memory_space<vmem_shared>>
      tpu.wait_dma2 semaphore(%run_scoped3A : memref<!tpu.dma_semaphore, #tpu.memory_space<semaphore_mem>>) src(%dma_wait3A_183 : memref<16x128xf32, #tpu.memory_space<vmem_shared>>) dst(%arg12 : memref<16x128xf32, #tpu.memory_space<vmem>>)
      tpu.yield
    }) : () -> ()
    %add3A_154 = arith.constant 96 : i32
    %add3A_155 = arith.addi %mul3A_0, %add3A_154 : i32
    "tpu.region"() ({
      %run_scoped3A = tpu.sem_alloc : memref<!tpu.dma_semaphore, #tpu.memory_space<semaphore_mem>>
      %dma_start3A = arith.constant 0 : i32
      %dma_start3A_178 = arith.constant 0 : i32
      %dma_start3A_179 = tpu.memref_slice %arg6[%add3A_95, %dma_start3A, %dma_start3A_178] : memref<4x2816x128xf32, #tpu.memory_space<hbm>> -> memref<1x2816x128xf32, #tpu.memory_space<hbm>>
      %dma_start3A_180 = tpu.memref_squeeze %dma_start3A_179 : memref<1x2816x128xf32, #tpu.memory_space<hbm>> -> memref<2816x128xf32, #tpu.memory_space<hbm>>
      %dma_start3A_181 = arith.constant 0 : i32
      %dma_start3A_182 = tpu.memref_slice %dma_start3A_180[%add3A_155, %dma_start3A_181] : memref<2816x128xf32, #tpu.memory_space<hbm>> -> memref<16x128xf32, #tpu.memory_space<hbm>>
      %dma_start3A_183 = arith.constant 0 : i32
      %dma_start3A_184 = arith.constant 0 : i32
      %dma_start3A_185 = tpu.memref_slice %arg6[%add3A_95, %dma_start3A_183, %dma_start3A_184] : memref<4x2816x128xf32, #tpu.memory_space<hbm>> -> memref<1x2816x128xf32, #tpu.memory_space<hbm>>
      %dma_start3A_186 = tpu.memref_squeeze %dma_start3A_185 : memref<1x2816x128xf32, #tpu.memory_space<hbm>> -> memref<2816x128xf32, #tpu.memory_space<hbm>>
      %dma_start3A_187 = arith.constant 0 : i32
      %dma_start3A_188 = tpu.memref_slice %dma_start3A_186[%add3A_155, %dma_start3A_187] : memref<2816x128xf32, #tpu.memory_space<hbm>> -> memref<16x128xf32, #tpu.memory_space<hbm>>
      tpu.enqueue_dma source(%arg12 : memref<16x128xf32, #tpu.memory_space<vmem>>) target(%dma_start3A_188 : memref<16x128xf32, #tpu.memory_space<hbm>>) target_semaphore(%run_scoped3A : memref<!tpu.dma_semaphore, #tpu.memory_space<semaphore_mem>>)
      %dma_wait3A = arith.constant 0 : i32
      %dma_wait3A_189 = arith.constant 0 : i32
      %dma_wait3A_190 = tpu.memref_slice %arg6[%add3A_95, %dma_wait3A, %dma_wait3A_189] : memref<4x2816x128xf32, #tpu.memory_space<hbm>> -> memref<1x2816x128xf32, #tpu.memory_space<hbm>>
      %dma_wait3A_191 = tpu.memref_squeeze %dma_wait3A_190 : memref<1x2816x128xf32, #tpu.memory_space<hbm>> -> memref<2816x128xf32, #tpu.memory_space<hbm>>
      %dma_wait3A_192 = arith.constant 0 : i32
      %dma_wait3A_193 = tpu.memref_slice %dma_wait3A_191[%add3A_155, %dma_wait3A_192] : memref<2816x128xf32, #tpu.memory_space<hbm>> -> memref<16x128xf32, #tpu.memory_space<hbm>>
      %dma_wait3A_194 = arith.constant 0 : i32
      %dma_wait3A_195 = arith.constant 0 : i32
      %dma_wait3A_196 = tpu.memref_slice %arg6[%add3A_95, %dma_wait3A_194, %dma_wait3A_195] : memref<4x2816x128xf32, #tpu.memory_space<hbm>> -> memref<1x2816x128xf32, #tpu.memory_space<hbm>>
      %dma_wait3A_197 = tpu.memref_squeeze %dma_wait3A_196 : memref<1x2816x128xf32, #tpu.memory_space<hbm>> -> memref<2816x128xf32, #tpu.memory_space<hbm>>
      %dma_wait3A_198 = arith.constant 0 : i32
      %dma_wait3A_199 = tpu.memref_slice %dma_wait3A_197[%add3A_155, %dma_wait3A_198] : memref<2816x128xf32, #tpu.memory_space<hbm>> -> memref<16x128xf32, #tpu.memory_space<hbm>>
      tpu.wait_dma2 semaphore(%run_scoped3A : memref<!tpu.dma_semaphore, #tpu.memory_space<semaphore_mem>>) src(%arg12 : memref<16x128xf32, #tpu.memory_space<vmem>>) dst(%dma_wait3A_199 : memref<16x128xf32, #tpu.memory_space<hbm>>)
      tpu.yield
    }) : () -> ()
    %add3A_156 = arith.constant 112 : i32
    %add3A_157 = arith.addi %mul3A_0, %add3A_156 : i32
    "tpu.region"() ({
      %run_scoped3A = tpu.sem_alloc : memref<!tpu.dma_semaphore, #tpu.memory_space<semaphore_mem>>
      %dma_start3A = arith.constant 0 : i32
      %dma_start3A_178 = tpu.memref_slice %arg13[%add3A_157, %dma_start3A] : memref<2816x128xf32, #tpu.memory_space<vmem_shared>> -> memref<16x128xf32, #tpu.memory_space<vmem_shared>>
      %dma_start3A_179 = arith.constant 0 : i32
      %dma_start3A_180 = tpu.memref_slice %arg13[%add3A_157, %dma_start3A_179] : memref<2816x128xf32, #tpu.memory_space<vmem_shared>> -> memref<16x128xf32, #tpu.memory_space<vmem_shared>>
      tpu.enqueue_dma source(%dma_start3A_180 : memref<16x128xf32, #tpu.memory_space<vmem_shared>>) target(%arg12 : memref<16x128xf32, #tpu.memory_space<vmem>>) target_semaphore(%run_scoped3A : memref<!tpu.dma_semaphore, #tpu.memory_space<semaphore_mem>>)
      %dma_wait3A = arith.constant 0 : i32
      %dma_wait3A_181 = tpu.memref_slice %arg13[%add3A_157, %dma_wait3A] : memref<2816x128xf32, #tpu.memory_space<vmem_shared>> -> memref<16x128xf32, #tpu.memory_space<vmem_shared>>
      %dma_wait3A_182 = arith.constant 0 : i32
      %dma_wait3A_183 = tpu.memref_slice %arg13[%add3A_157, %dma_wait3A_182] : memref<2816x128xf32, #tpu.memory_space<vmem_shared>> -> memref<16x128xf32, #tpu.memory_space<vmem_shared>>
      tpu.wait_dma2 semaphore(%run_scoped3A : memref<!tpu.dma_semaphore, #tpu.memory_space<semaphore_mem>>) src(%dma_wait3A_183 : memref<16x128xf32, #tpu.memory_space<vmem_shared>>) dst(%arg12 : memref<16x128xf32, #tpu.memory_space<vmem>>)
      tpu.yield
    }) : () -> ()
    %add3A_158 = arith.constant 112 : i32
    %add3A_159 = arith.addi %mul3A_0, %add3A_158 : i32
    "tpu.region"() ({
      %run_scoped3A = tpu.sem_alloc : memref<!tpu.dma_semaphore, #tpu.memory_space<semaphore_mem>>
      %dma_start3A = arith.constant 0 : i32
      %dma_start3A_178 = arith.constant 0 : i32
      %dma_start3A_179 = tpu.memref_slice %arg6[%add3A_95, %dma_start3A, %dma_start3A_178] : memref<4x2816x128xf32, #tpu.memory_space<hbm>> -> memref<1x2816x128xf32, #tpu.memory_space<hbm>>
      %dma_start3A_180 = tpu.memref_squeeze %dma_start3A_179 : memref<1x2816x128xf32, #tpu.memory_space<hbm>> -> memref<2816x128xf32, #tpu.memory_space<hbm>>
      %dma_start3A_181 = arith.constant 0 : i32
      %dma_start3A_182 = tpu.memref_slice %dma_start3A_180[%add3A_159, %dma_start3A_181] : memref<2816x128xf32, #tpu.memory_space<hbm>> -> memref<16x128xf32, #tpu.memory_space<hbm>>
      %dma_start3A_183 = arith.constant 0 : i32
      %dma_start3A_184 = arith.constant 0 : i32
      %dma_start3A_185 = tpu.memref_slice %arg6[%add3A_95, %dma_start3A_183, %dma_start3A_184] : memref<4x2816x128xf32, #tpu.memory_space<hbm>> -> memref<1x2816x128xf32, #tpu.memory_space<hbm>>
      %dma_start3A_186 = tpu.memref_squeeze %dma_start3A_185 : memref<1x2816x128xf32, #tpu.memory_space<hbm>> -> memref<2816x128xf32, #tpu.memory_space<hbm>>
      %dma_start3A_187 = arith.constant 0 : i32
      %dma_start3A_188 = tpu.memref_slice %dma_start3A_186[%add3A_159, %dma_start3A_187] : memref<2816x128xf32, #tpu.memory_space<hbm>> -> memref<16x128xf32, #tpu.memory_space<hbm>>
      tpu.enqueue_dma source(%arg12 : memref<16x128xf32, #tpu.memory_space<vmem>>) target(%dma_start3A_188 : memref<16x128xf32, #tpu.memory_space<hbm>>) target_semaphore(%run_scoped3A : memref<!tpu.dma_semaphore, #tpu.memory_space<semaphore_mem>>)
      %dma_wait3A = arith.constant 0 : i32
      %dma_wait3A_189 = arith.constant 0 : i32
      %dma_wait3A_190 = tpu.memref_slice %arg6[%add3A_95, %dma_wait3A, %dma_wait3A_189] : memref<4x2816x128xf32, #tpu.memory_space<hbm>> -> memref<1x2816x128xf32, #tpu.memory_space<hbm>>
      %dma_wait3A_191 = tpu.memref_squeeze %dma_wait3A_190 : memref<1x2816x128xf32, #tpu.memory_space<hbm>> -> memref<2816x128xf32, #tpu.memory_space<hbm>>
      %dma_wait3A_192 = arith.constant 0 : i32
      %dma_wait3A_193 = tpu.memref_slice %dma_wait3A_191[%add3A_159, %dma_wait3A_192] : memref<2816x128xf32, #tpu.memory_space<hbm>> -> memref<16x128xf32, #tpu.memory_space<hbm>>
      %dma_wait3A_194 = arith.constant 0 : i32
      %dma_wait3A_195 = arith.constant 0 : i32
      %dma_wait3A_196 = tpu.memref_slice %arg6[%add3A_95, %dma_wait3A_194, %dma_wait3A_195] : memref<4x2816x128xf32, #tpu.memory_space<hbm>> -> memref<1x2816x128xf32, #tpu.memory_space<hbm>>
      %dma_wait3A_197 = tpu.memref_squeeze %dma_wait3A_196 : memref<1x2816x128xf32, #tpu.memory_space<hbm>> -> memref<2816x128xf32, #tpu.memory_space<hbm>>
      %dma_wait3A_198 = arith.constant 0 : i32
      %dma_wait3A_199 = tpu.memref_slice %dma_wait3A_197[%add3A_159, %dma_wait3A_198] : memref<2816x128xf32, #tpu.memory_space<hbm>> -> memref<16x128xf32, #tpu.memory_space<hbm>>
      tpu.wait_dma2 semaphore(%run_scoped3A : memref<!tpu.dma_semaphore, #tpu.memory_space<semaphore_mem>>) src(%arg12 : memref<16x128xf32, #tpu.memory_space<vmem>>) dst(%dma_wait3A_199 : memref<16x128xf32, #tpu.memory_space<hbm>>)
      tpu.yield
    }) : () -> ()
    %add3A_160 = arith.constant 128 : i32
    %add3A_161 = arith.addi %mul3A_0, %add3A_160 : i32
    "tpu.region"() ({
      %run_scoped3A = tpu.sem_alloc : memref<!tpu.dma_semaphore, #tpu.memory_space<semaphore_mem>>
      %dma_start3A = arith.constant 0 : i32
      %dma_start3A_178 = tpu.memref_slice %arg13[%add3A_161, %dma_start3A] : memref<2816x128xf32, #tpu.memory_space<vmem_shared>> -> memref<16x128xf32, #tpu.memory_space<vmem_shared>>
      %dma_start3A_179 = arith.constant 0 : i32
      %dma_start3A_180 = tpu.memref_slice %arg13[%add3A_161, %dma_start3A_179] : memref<2816x128xf32, #tpu.memory_space<vmem_shared>> -> memref<16x128xf32, #tpu.memory_space<vmem_shared>>
      tpu.enqueue_dma source(%dma_start3A_180 : memref<16x128xf32, #tpu.memory_space<vmem_shared>>) target(%arg12 : memref<16x128xf32, #tpu.memory_space<vmem>>) target_semaphore(%run_scoped3A : memref<!tpu.dma_semaphore, #tpu.memory_space<semaphore_mem>>)
      %dma_wait3A = arith.constant 0 : i32
      %dma_wait3A_181 = tpu.memref_slice %arg13[%add3A_161, %dma_wait3A] : memref<2816x128xf32, #tpu.memory_space<vmem_shared>> -> memref<16x128xf32, #tpu.memory_space<vmem_shared>>
      %dma_wait3A_182 = arith.constant 0 : i32
      %dma_wait3A_183 = tpu.memref_slice %arg13[%add3A_161, %dma_wait3A_182] : memref<2816x128xf32, #tpu.memory_space<vmem_shared>> -> memref<16x128xf32, #tpu.memory_space<vmem_shared>>
      tpu.wait_dma2 semaphore(%run_scoped3A : memref<!tpu.dma_semaphore, #tpu.memory_space<semaphore_mem>>) src(%dma_wait3A_183 : memref<16x128xf32, #tpu.memory_space<vmem_shared>>) dst(%arg12 : memref<16x128xf32, #tpu.memory_space<vmem>>)
      tpu.yield
    }) : () -> ()
    %add3A_162 = arith.constant 128 : i32
    %add3A_163 = arith.addi %mul3A_0, %add3A_162 : i32
    "tpu.region"() ({
      %run_scoped3A = tpu.sem_alloc : memref<!tpu.dma_semaphore, #tpu.memory_space<semaphore_mem>>
      %dma_start3A = arith.constant 0 : i32
      %dma_start3A_178 = arith.constant 0 : i32
      %dma_start3A_179 = tpu.memref_slice %arg6[%add3A_95, %dma_start3A, %dma_start3A_178] : memref<4x2816x128xf32, #tpu.memory_space<hbm>> -> memref<1x2816x128xf32, #tpu.memory_space<hbm>>
      %dma_start3A_180 = tpu.memref_squeeze %dma_start3A_179 : memref<1x2816x128xf32, #tpu.memory_space<hbm>> -> memref<2816x128xf32, #tpu.memory_space<hbm>>
      %dma_start3A_181 = arith.constant 0 : i32
      %dma_start3A_182 = tpu.memref_slice %dma_start3A_180[%add3A_163, %dma_start3A_181] : memref<2816x128xf32, #tpu.memory_space<hbm>> -> memref<16x128xf32, #tpu.memory_space<hbm>>
      %dma_start3A_183 = arith.constant 0 : i32
      %dma_start3A_184 = arith.constant 0 : i32
      %dma_start3A_185 = tpu.memref_slice %arg6[%add3A_95, %dma_start3A_183, %dma_start3A_184] : memref<4x2816x128xf32, #tpu.memory_space<hbm>> -> memref<1x2816x128xf32, #tpu.memory_space<hbm>>
      %dma_start3A_186 = tpu.memref_squeeze %dma_start3A_185 : memref<1x2816x128xf32, #tpu.memory_space<hbm>> -> memref<2816x128xf32, #tpu.memory_space<hbm>>
      %dma_start3A_187 = arith.constant 0 : i32
      %dma_start3A_188 = tpu.memref_slice %dma_start3A_186[%add3A_163, %dma_start3A_187] : memref<2816x128xf32, #tpu.memory_space<hbm>> -> memref<16x128xf32, #tpu.memory_space<hbm>>
      tpu.enqueue_dma source(%arg12 : memref<16x128xf32, #tpu.memory_space<vmem>>) target(%dma_start3A_188 : memref<16x128xf32, #tpu.memory_space<hbm>>) target_semaphore(%run_scoped3A : memref<!tpu.dma_semaphore, #tpu.memory_space<semaphore_mem>>)
      %dma_wait3A = arith.constant 0 : i32
      %dma_wait3A_189 = arith.constant 0 : i32
      %dma_wait3A_190 = tpu.memref_slice %arg6[%add3A_95, %dma_wait3A, %dma_wait3A_189] : memref<4x2816x128xf32, #tpu.memory_space<hbm>> -> memref<1x2816x128xf32, #tpu.memory_space<hbm>>
      %dma_wait3A_191 = tpu.memref_squeeze %dma_wait3A_190 : memref<1x2816x128xf32, #tpu.memory_space<hbm>> -> memref<2816x128xf32, #tpu.memory_space<hbm>>
      %dma_wait3A_192 = arith.constant 0 : i32
      %dma_wait3A_193 = tpu.memref_slice %dma_wait3A_191[%add3A_163, %dma_wait3A_192] : memref<2816x128xf32, #tpu.memory_space<hbm>> -> memref<16x128xf32, #tpu.memory_space<hbm>>
      %dma_wait3A_194 = arith.constant 0 : i32
      %dma_wait3A_195 = arith.constant 0 : i32
      %dma_wait3A_196 = tpu.memref_slice %arg6[%add3A_95, %dma_wait3A_194, %dma_wait3A_195] : memref<4x2816x128xf32, #tpu.memory_space<hbm>> -> memref<1x2816x128xf32, #tpu.memory_space<hbm>>
      %dma_wait3A_197 = tpu.memref_squeeze %dma_wait3A_196 : memref<1x2816x128xf32, #tpu.memory_space<hbm>> -> memref<2816x128xf32, #tpu.memory_space<hbm>>
      %dma_wait3A_198 = arith.constant 0 : i32
      %dma_wait3A_199 = tpu.memref_slice %dma_wait3A_197[%add3A_163, %dma_wait3A_198] : memref<2816x128xf32, #tpu.memory_space<hbm>> -> memref<16x128xf32, #tpu.memory_space<hbm>>
      tpu.wait_dma2 semaphore(%run_scoped3A : memref<!tpu.dma_semaphore, #tpu.memory_space<semaphore_mem>>) src(%arg12 : memref<16x128xf32, #tpu.memory_space<vmem>>) dst(%dma_wait3A_199 : memref<16x128xf32, #tpu.memory_space<hbm>>)
      tpu.yield
    }) : () -> ()
    %add3A_164 = arith.constant 144 : i32
    %add3A_165 = arith.addi %mul3A_0, %add3A_164 : i32
    "tpu.region"() ({
      %run_scoped3A = tpu.sem_alloc : memref<!tpu.dma_semaphore, #tpu.memory_space<semaphore_mem>>
      %dma_start3A = arith.constant 0 : i32
      %dma_start3A_178 = tpu.memref_slice %arg13[%add3A_165, %dma_start3A] : memref<2816x128xf32, #tpu.memory_space<vmem_shared>> -> memref<16x128xf32, #tpu.memory_space<vmem_shared>>
      %dma_start3A_179 = arith.constant 0 : i32
      %dma_start3A_180 = tpu.memref_slice %arg13[%add3A_165, %dma_start3A_179] : memref<2816x128xf32, #tpu.memory_space<vmem_shared>> -> memref<16x128xf32, #tpu.memory_space<vmem_shared>>
      tpu.enqueue_dma source(%dma_start3A_180 : memref<16x128xf32, #tpu.memory_space<vmem_shared>>) target(%arg12 : memref<16x128xf32, #tpu.memory_space<vmem>>) target_semaphore(%run_scoped3A : memref<!tpu.dma_semaphore, #tpu.memory_space<semaphore_mem>>)
      %dma_wait3A = arith.constant 0 : i32
      %dma_wait3A_181 = tpu.memref_slice %arg13[%add3A_165, %dma_wait3A] : memref<2816x128xf32, #tpu.memory_space<vmem_shared>> -> memref<16x128xf32, #tpu.memory_space<vmem_shared>>
      %dma_wait3A_182 = arith.constant 0 : i32
      %dma_wait3A_183 = tpu.memref_slice %arg13[%add3A_165, %dma_wait3A_182] : memref<2816x128xf32, #tpu.memory_space<vmem_shared>> -> memref<16x128xf32, #tpu.memory_space<vmem_shared>>
      tpu.wait_dma2 semaphore(%run_scoped3A : memref<!tpu.dma_semaphore, #tpu.memory_space<semaphore_mem>>) src(%dma_wait3A_183 : memref<16x128xf32, #tpu.memory_space<vmem_shared>>) dst(%arg12 : memref<16x128xf32, #tpu.memory_space<vmem>>)
      tpu.yield
    }) : () -> ()
    %add3A_166 = arith.constant 144 : i32
    %add3A_167 = arith.addi %mul3A_0, %add3A_166 : i32
    "tpu.region"() ({
      %run_scoped3A = tpu.sem_alloc : memref<!tpu.dma_semaphore, #tpu.memory_space<semaphore_mem>>
      %dma_start3A = arith.constant 0 : i32
      %dma_start3A_178 = arith.constant 0 : i32
      %dma_start3A_179 = tpu.memref_slice %arg6[%add3A_95, %dma_start3A, %dma_start3A_178] : memref<4x2816x128xf32, #tpu.memory_space<hbm>> -> memref<1x2816x128xf32, #tpu.memory_space<hbm>>
      %dma_start3A_180 = tpu.memref_squeeze %dma_start3A_179 : memref<1x2816x128xf32, #tpu.memory_space<hbm>> -> memref<2816x128xf32, #tpu.memory_space<hbm>>
      %dma_start3A_181 = arith.constant 0 : i32
      %dma_start3A_182 = tpu.memref_slice %dma_start3A_180[%add3A_167, %dma_start3A_181] : memref<2816x128xf32, #tpu.memory_space<hbm>> -> memref<16x128xf32, #tpu.memory_space<hbm>>
      %dma_start3A_183 = arith.constant 0 : i32
      %dma_start3A_184 = arith.constant 0 : i32
      %dma_start3A_185 = tpu.memref_slice %arg6[%add3A_95, %dma_start3A_183, %dma_start3A_184] : memref<4x2816x128xf32, #tpu.memory_space<hbm>> -> memref<1x2816x128xf32, #tpu.memory_space<hbm>>
      %dma_start3A_186 = tpu.memref_squeeze %dma_start3A_185 : memref<1x2816x128xf32, #tpu.memory_space<hbm>> -> memref<2816x128xf32, #tpu.memory_space<hbm>>
      %dma_start3A_187 = arith.constant 0 : i32
      %dma_start3A_188 = tpu.memref_slice %dma_start3A_186[%add3A_167, %dma_start3A_187] : memref<2816x128xf32, #tpu.memory_space<hbm>> -> memref<16x128xf32, #tpu.memory_space<hbm>>
      tpu.enqueue_dma source(%arg12 : memref<16x128xf32, #tpu.memory_space<vmem>>) target(%dma_start3A_188 : memref<16x128xf32, #tpu.memory_space<hbm>>) target_semaphore(%run_scoped3A : memref<!tpu.dma_semaphore, #tpu.memory_space<semaphore_mem>>)
      %dma_wait3A = arith.constant 0 : i32
      %dma_wait3A_189 = arith.constant 0 : i32
      %dma_wait3A_190 = tpu.memref_slice %arg6[%add3A_95, %dma_wait3A, %dma_wait3A_189] : memref<4x2816x128xf32, #tpu.memory_space<hbm>> -> memref<1x2816x128xf32, #tpu.memory_space<hbm>>
      %dma_wait3A_191 = tpu.memref_squeeze %dma_wait3A_190 : memref<1x2816x128xf32, #tpu.memory_space<hbm>> -> memref<2816x128xf32, #tpu.memory_space<hbm>>
      %dma_wait3A_192 = arith.constant 0 : i32
      %dma_wait3A_193 = tpu.memref_slice %dma_wait3A_191[%add3A_167, %dma_wait3A_192] : memref<2816x128xf32, #tpu.memory_space<hbm>> -> memref<16x128xf32, #tpu.memory_space<hbm>>
      %dma_wait3A_194 = arith.constant 0 : i32
      %dma_wait3A_195 = arith.constant 0 : i32
      %dma_wait3A_196 = tpu.memref_slice %arg6[%add3A_95, %dma_wait3A_194, %dma_wait3A_195] : memref<4x2816x128xf32, #tpu.memory_space<hbm>> -> memref<1x2816x128xf32, #tpu.memory_space<hbm>>
      %dma_wait3A_197 = tpu.memref_squeeze %dma_wait3A_196 : memref<1x2816x128xf32, #tpu.memory_space<hbm>> -> memref<2816x128xf32, #tpu.memory_space<hbm>>
      %dma_wait3A_198 = arith.constant 0 : i32
      %dma_wait3A_199 = tpu.memref_slice %dma_wait3A_197[%add3A_167, %dma_wait3A_198] : memref<2816x128xf32, #tpu.memory_space<hbm>> -> memref<16x128xf32, #tpu.memory_space<hbm>>
      tpu.wait_dma2 semaphore(%run_scoped3A : memref<!tpu.dma_semaphore, #tpu.memory_space<semaphore_mem>>) src(%arg12 : memref<16x128xf32, #tpu.memory_space<vmem>>) dst(%dma_wait3A_199 : memref<16x128xf32, #tpu.memory_space<hbm>>)
      tpu.yield
    }) : () -> ()
    %add3A_168 = arith.constant 160 : i32
    %add3A_169 = arith.addi %mul3A_0, %add3A_168 : i32
    "tpu.region"() ({
      %run_scoped3A = tpu.sem_alloc : memref<!tpu.dma_semaphore, #tpu.memory_space<semaphore_mem>>
      %dma_start3A = arith.constant 0 : i32
      %dma_start3A_178 = tpu.memref_slice %arg13[%add3A_169, %dma_start3A] : memref<2816x128xf32, #tpu.memory_space<vmem_shared>> -> memref<16x128xf32, #tpu.memory_space<vmem_shared>>
      %dma_start3A_179 = arith.constant 0 : i32
      %dma_start3A_180 = tpu.memref_slice %arg13[%add3A_169, %dma_start3A_179] : memref<2816x128xf32, #tpu.memory_space<vmem_shared>> -> memref<16x128xf32, #tpu.memory_space<vmem_shared>>
      tpu.enqueue_dma source(%dma_start3A_180 : memref<16x128xf32, #tpu.memory_space<vmem_shared>>) target(%arg12 : memref<16x128xf32, #tpu.memory_space<vmem>>) target_semaphore(%run_scoped3A : memref<!tpu.dma_semaphore, #tpu.memory_space<semaphore_mem>>)
      %dma_wait3A = arith.constant 0 : i32
      %dma_wait3A_181 = tpu.memref_slice %arg13[%add3A_169, %dma_wait3A] : memref<2816x128xf32, #tpu.memory_space<vmem_shared>> -> memref<16x128xf32, #tpu.memory_space<vmem_shared>>
      %dma_wait3A_182 = arith.constant 0 : i32
      %dma_wait3A_183 = tpu.memref_slice %arg13[%add3A_169, %dma_wait3A_182] : memref<2816x128xf32, #tpu.memory_space<vmem_shared>> -> memref<16x128xf32, #tpu.memory_space<vmem_shared>>
      tpu.wait_dma2 semaphore(%run_scoped3A : memref<!tpu.dma_semaphore, #tpu.memory_space<semaphore_mem>>) src(%dma_wait3A_183 : memref<16x128xf32, #tpu.memory_space<vmem_shared>>) dst(%arg12 : memref<16x128xf32, #tpu.memory_space<vmem>>)
      tpu.yield
    }) : () -> ()
    %add3A_170 = arith.constant 160 : i32
    %add3A_171 = arith.addi %mul3A_0, %add3A_170 : i32
    "tpu.region"() ({
      %run_scoped3A = tpu.sem_alloc : memref<!tpu.dma_semaphore, #tpu.memory_space<semaphore_mem>>
      %dma_start3A = arith.constant 0 : i32
      %dma_start3A_178 = arith.constant 0 : i32
      %dma_start3A_179 = tpu.memref_slice %arg6[%add3A_95, %dma_start3A, %dma_start3A_178] : memref<4x2816x128xf32, #tpu.memory_space<hbm>> -> memref<1x2816x128xf32, #tpu.memory_space<hbm>>
      %dma_start3A_180 = tpu.memref_squeeze %dma_start3A_179 : memref<1x2816x128xf32, #tpu.memory_space<hbm>> -> memref<2816x128xf32, #tpu.memory_space<hbm>>
      %dma_start3A_181 = arith.constant 0 : i32
      %dma_start3A_182 = tpu.memref_slice %dma_start3A_180[%add3A_171, %dma_start3A_181] : memref<2816x128xf32, #tpu.memory_space<hbm>> -> memref<16x128xf32, #tpu.memory_space<hbm>>
      %dma_start3A_183 = arith.constant 0 : i32
      %dma_start3A_184 = arith.constant 0 : i32
      %dma_start3A_185 = tpu.memref_slice %arg6[%add3A_95, %dma_start3A_183, %dma_start3A_184] : memref<4x2816x128xf32, #tpu.memory_space<hbm>> -> memref<1x2816x128xf32, #tpu.memory_space<hbm>>
      %dma_start3A_186 = tpu.memref_squeeze %dma_start3A_185 : memref<1x2816x128xf32, #tpu.memory_space<hbm>> -> memref<2816x128xf32, #tpu.memory_space<hbm>>
      %dma_start3A_187 = arith.constant 0 : i32
      %dma_start3A_188 = tpu.memref_slice %dma_start3A_186[%add3A_171, %dma_start3A_187] : memref<2816x128xf32, #tpu.memory_space<hbm>> -> memref<16x128xf32, #tpu.memory_space<hbm>>
      tpu.enqueue_dma source(%arg12 : memref<16x128xf32, #tpu.memory_space<vmem>>) target(%dma_start3A_188 : memref<16x128xf32, #tpu.memory_space<hbm>>) target_semaphore(%run_scoped3A : memref<!tpu.dma_semaphore, #tpu.memory_space<semaphore_mem>>)
      %dma_wait3A = arith.constant 0 : i32
      %dma_wait3A_189 = arith.constant 0 : i32
      %dma_wait3A_190 = tpu.memref_slice %arg6[%add3A_95, %dma_wait3A, %dma_wait3A_189] : memref<4x2816x128xf32, #tpu.memory_space<hbm>> -> memref<1x2816x128xf32, #tpu.memory_space<hbm>>
      %dma_wait3A_191 = tpu.memref_squeeze %dma_wait3A_190 : memref<1x2816x128xf32, #tpu.memory_space<hbm>> -> memref<2816x128xf32, #tpu.memory_space<hbm>>
      %dma_wait3A_192 = arith.constant 0 : i32
      %dma_wait3A_193 = tpu.memref_slice %dma_wait3A_191[%add3A_171, %dma_wait3A_192] : memref<2816x128xf32, #tpu.memory_space<hbm>> -> memref<16x128xf32, #tpu.memory_space<hbm>>
      %dma_wait3A_194 = arith.constant 0 : i32
      %dma_wait3A_195 = arith.constant 0 : i32
      %dma_wait3A_196 = tpu.memref_slice %arg6[%add3A_95, %dma_wait3A_194, %dma_wait3A_195] : memref<4x2816x128xf32, #tpu.memory_space<hbm>> -> memref<1x2816x128xf32, #tpu.memory_space<hbm>>
      %dma_wait3A_197 = tpu.memref_squeeze %dma_wait3A_196 : memref<1x2816x128xf32, #tpu.memory_space<hbm>> -> memref<2816x128xf32, #tpu.memory_space<hbm>>
      %dma_wait3A_198 = arith.constant 0 : i32
      %dma_wait3A_199 = tpu.memref_slice %dma_wait3A_197[%add3A_171, %dma_wait3A_198] : memref<2816x128xf32, #tpu.memory_space<hbm>> -> memref<16x128xf32, #tpu.memory_space<hbm>>
      tpu.wait_dma2 semaphore(%run_scoped3A : memref<!tpu.dma_semaphore, #tpu.memory_space<semaphore_mem>>) src(%arg12 : memref<16x128xf32, #tpu.memory_space<vmem>>) dst(%dma_wait3A_199 : memref<16x128xf32, #tpu.memory_space<hbm>>)
      tpu.yield
    }) : () -> ()
    %barrier3A_172 = arith.constant 0 : index
    tpu.barrier barrier_id(%barrier3A_172)
    %not3A_173 = arith.constant true
    %not3A_174 = arith.xori %eq3A_11, %not3A_173 : i1
    %convert_element_type3A_175 = arith.extui %not3A_174 : i1 to i32
    %cond3A_176 = arith.constant 0 : i32
    %cond3A_177 = arith.cmpi ne, %convert_element_type3A_175, %cond3A_176 : i32
    scf.if %cond3A_177 {
      %dma_wait3A = arith.constant 0 : i32
      %dma_wait3A_178 = arith.constant 0 : i32
      %dma_wait3A_179 = tpu.memref_slice %arg7[%dma_wait3A, %dma_wait3A_178] : memref<172x120xi32, #tpu.memory_space<vmem>> -> memref<1x120xi32, #tpu.memory_space<vmem>>
      %dma_wait3A_180 = tpu.memref_squeeze %dma_wait3A_179 : memref<1x120xi32, #tpu.memory_space<vmem>> -> memref<120xi32, #tpu.memory_space<vmem>>
      %dma_wait3A_181 = arith.constant 0 : i32
      %dma_wait3A_182 = arith.constant 0 : i32
      %dma_wait3A_183 = tpu.memref_slice %arg2[%dma_wait3A_181, %dma_wait3A_182] : memref<10000x128xf32, #tpu.memory_space<hbm>> -> memref<10000x128xf32, #tpu.memory_space<hbm>>
      tpu.wait_indirect_dma semaphore(%arg15 : memref<!tpu.dma_semaphore, #tpu.memory_space<semaphore_mem>>) src(%dma_wait3A_183 : memref<10000x128xf32, #tpu.memory_space<hbm>>) dst(%arg9 : memref<120x128xf32, #tpu.memory_space<vmem>>)
      %dma_wait3A_184 = arith.constant 1 : i32
      %dma_wait3A_185 = arith.constant 0 : i32
      %dma_wait3A_186 = tpu.memref_slice %arg7[%dma_wait3A_184, %dma_wait3A_185] : memref<172x120xi32, #tpu.memory_space<vmem>> -> memref<1x120xi32, #tpu.memory_space<vmem>>
      %dma_wait3A_187 = tpu.memref_squeeze %dma_wait3A_186 : memref<1x120xi32, #tpu.memory_space<vmem>> -> memref<120xi32, #tpu.memory_space<vmem>>
      %dma_wait3A_188 = arith.constant 0 : i32
      %dma_wait3A_189 = arith.constant 0 : i32
      %dma_wait3A_190 = tpu.memref_slice %arg2[%dma_wait3A_188, %dma_wait3A_189] : memref<10000x128xf32, #tpu.memory_space<hbm>> -> memref<10000x128xf32, #tpu.memory_space<hbm>>
      tpu.wait_indirect_dma semaphore(%arg16 : memref<!tpu.dma_semaphore, #tpu.memory_space<semaphore_mem>>) src(%dma_wait3A_190 : memref<10000x128xf32, #tpu.memory_space<hbm>>) dst(%arg10 : memref<120x128xf32, #tpu.memory_space<vmem>>)
    } else {
    }
    return
  }
}

module attributes {stable_mosaic.version = 14 : i64} {
  func.func @_remap_body(%arg0: i32, %arg1: memref<1x172x120xi32, #tpu.memory_space<vmem>>, %arg2: memref<1x172x120xi32, #tpu.memory_space<vmem>>, %arg3: memref<1x172x120xi32, #tpu.memory_space<vmem>>, %arg4: memref<1x172x120xi32, #tpu.memory_space<vmem>>, %arg5: memref<1x172x120xi32, #tpu.memory_space<vmem>>) attributes {dimension_semantics = [#tpu.dimension_semantics<arbitrary>], iteration_bounds = array<i64: 16>, scalar_prefetch = 0 : i64, scratch_operands = 0 : i64, tpu.core_type = #tpu.core_type<tc>, window_params = [{transform_indices = @transform_0, window_bounds = array<i64: 1, 172, 120>}, {transform_indices = @transform_1, window_bounds = array<i64: 1, 172, 120>}, {transform_indices = @transform_2, window_bounds = array<i64: 1, 172, 120>}, {transform_indices = @transform_3, window_bounds = array<i64: 1, 172, 120>}, {transform_indices = @transform_4, window_bounds = array<i64: 1, 172, 120>}]} {
    %get3A = arith.constant 0 : index
    %get3A_0 = arith.constant 0 : index
    %get3A_1 = arith.constant 0 : index
    %get3A_2 = vector.load %arg1[%get3A, %get3A_0, %get3A_1] : memref<1x172x120xi32, #tpu.memory_space<vmem>>, vector<1x172x120xi32>
    %sub3A = arith.constant 0 : i32
    %sub3A_3 = vector.broadcast %sub3A : i32 to vector<1x172x120xi32>
    %sub3A_4 = arith.subi %get3A_2, %sub3A_3 : vector<1x172x120xi32>
    %ge3A = arith.constant 0 : i32
    %ge3A_5 = vector.broadcast %ge3A : i32 to vector<1x172x120xi32>
    %ge3A_6 = arith.cmpi sge, %get3A_2, %ge3A_5 : vector<1x172x120xi32>
    %lt3A = arith.constant 2800 : i32
    %lt3A_7 = vector.broadcast %lt3A : i32 to vector<1x172x120xi32>
    %lt3A_8 = arith.cmpi slt, %get3A_2, %lt3A_7 : vector<1x172x120xi32>
    %and3A = arith.andi %ge3A_6, %lt3A_8 : vector<1x172x120xi1>
    %jit3A = arith.constant 2800 : i32
    %broadcast_in_dim3A = vector.broadcast %jit3A : i32 to vector<1x172x120xi32>
    %select_n3A = arith.select %and3A, %sub3A_4, %broadcast_in_dim3A : vector<1x172x120xi1>, vector<1x172x120xi32>
    %swap3A = arith.constant 0 : index
    %swap3A_9 = arith.constant 0 : index
    %swap3A_10 = arith.constant 0 : index
    %swap3A_11 = vector.load %arg2[%swap3A, %swap3A_9, %swap3A_10] : memref<1x172x120xi32, #tpu.memory_space<vmem>>, vector<1x172x120xi32>
    tpu.vector_store %arg2[%swap3A, %swap3A_9, %swap3A_10], %select_n3A {strides = array<i32>} : memref<1x172x120xi32, #tpu.memory_space<vmem>>, vector<1x172x120xi32>,
    %sub3A_12 = arith.constant 2800 : i32
    %sub3A_13 = vector.broadcast %sub3A_12 : i32 to vector<1x172x120xi32>
    %sub3A_14 = arith.subi %get3A_2, %sub3A_13 : vector<1x172x120xi32>
    %ge3A_15 = arith.constant 2800 : i32
    %ge3A_16 = vector.broadcast %ge3A_15 : i32 to vector<1x172x120xi32>
    %ge3A_17 = arith.cmpi sge, %get3A_2, %ge3A_16 : vector<1x172x120xi32>
    %lt3A_18 = arith.constant 5600 : i32
    %lt3A_19 = vector.broadcast %lt3A_18 : i32 to vector<1x172x120xi32>
    %lt3A_20 = arith.cmpi slt, %get3A_2, %lt3A_19 : vector<1x172x120xi32>
    %and3A_21 = arith.andi %ge3A_17, %lt3A_20 : vector<1x172x120xi1>
    %jit3A_22 = arith.constant 2800 : i32
    %broadcast_in_dim3A_23 = vector.broadcast %jit3A_22 : i32 to vector<1x172x120xi32>
    %select_n3A_24 = arith.select %and3A_21, %sub3A_14, %broadcast_in_dim3A_23 : vector<1x172x120xi1>, vector<1x172x120xi32>
    %swap3A_25 = arith.constant 0 : index
    %swap3A_26 = arith.constant 0 : index
    %swap3A_27 = arith.constant 0 : index
    %swap3A_28 = vector.load %arg3[%swap3A_25, %swap3A_26, %swap3A_27] : memref<1x172x120xi32, #tpu.memory_space<vmem>>, vector<1x172x120xi32>
    tpu.vector_store %arg3[%swap3A_25, %swap3A_26, %swap3A_27], %select_n3A_24 {strides = array<i32>} : memref<1x172x120xi32, #tpu.memory_space<vmem>>, vector<1x172x120xi32>,
    %sub3A_29 = arith.constant 5600 : i32
    %sub3A_30 = vector.broadcast %sub3A_29 : i32 to vector<1x172x120xi32>
    %sub3A_31 = arith.subi %get3A_2, %sub3A_30 : vector<1x172x120xi32>
    %ge3A_32 = arith.constant 5600 : i32
    %ge3A_33 = vector.broadcast %ge3A_32 : i32 to vector<1x172x120xi32>
    %ge3A_34 = arith.cmpi sge, %get3A_2, %ge3A_33 : vector<1x172x120xi32>
    %lt3A_35 = arith.constant 8400 : i32
    %lt3A_36 = vector.broadcast %lt3A_35 : i32 to vector<1x172x120xi32>
    %lt3A_37 = arith.cmpi slt, %get3A_2, %lt3A_36 : vector<1x172x120xi32>
    %and3A_38 = arith.andi %ge3A_34, %lt3A_37 : vector<1x172x120xi1>
    %jit3A_39 = arith.constant 2800 : i32
    %broadcast_in_dim3A_40 = vector.broadcast %jit3A_39 : i32 to vector<1x172x120xi32>
    %select_n3A_41 = arith.select %and3A_38, %sub3A_31, %broadcast_in_dim3A_40 : vector<1x172x120xi1>, vector<1x172x120xi32>
    %swap3A_42 = arith.constant 0 : index
    %swap3A_43 = arith.constant 0 : index
    %swap3A_44 = arith.constant 0 : index
    %swap3A_45 = vector.load %arg4[%swap3A_42, %swap3A_43, %swap3A_44] : memref<1x172x120xi32, #tpu.memory_space<vmem>>, vector<1x172x120xi32>
    tpu.vector_store %arg4[%swap3A_42, %swap3A_43, %swap3A_44], %select_n3A_41 {strides = array<i32>} : memref<1x172x120xi32, #tpu.memory_space<vmem>>, vector<1x172x120xi32>,
    %sub3A_46 = arith.constant 8400 : i32
    %sub3A_47 = vector.broadcast %sub3A_46 : i32 to vector<1x172x120xi32>
    %sub3A_48 = arith.subi %get3A_2, %sub3A_47 : vector<1x172x120xi32>
    %ge3A_49 = arith.constant 8400 : i32
    %ge3A_50 = vector.broadcast %ge3A_49 : i32 to vector<1x172x120xi32>
    %ge3A_51 = arith.cmpi sge, %get3A_2, %ge3A_50 : vector<1x172x120xi32>
    %lt3A_52 = arith.constant 11200 : i32
    %lt3A_53 = vector.broadcast %lt3A_52 : i32 to vector<1x172x120xi32>
    %lt3A_54 = arith.cmpi slt, %get3A_2, %lt3A_53 : vector<1x172x120xi32>
    %and3A_55 = arith.andi %ge3A_51, %lt3A_54 : vector<1x172x120xi1>
    %jit3A_56 = arith.constant 2800 : i32
    %broadcast_in_dim3A_57 = vector.broadcast %jit3A_56 : i32 to vector<1x172x120xi32>
    %select_n3A_58 = arith.select %and3A_55, %sub3A_48, %broadcast_in_dim3A_57 : vector<1x172x120xi1>, vector<1x172x120xi32>
    %swap3A_59 = arith.constant 0 : index
    %swap3A_60 = arith.constant 0 : index
    %swap3A_61 = arith.constant 0 : index
    %swap3A_62 = vector.load %arg5[%swap3A_59, %swap3A_60, %swap3A_61] : memref<1x172x120xi32, #tpu.memory_space<vmem>>, vector<1x172x120xi32>
    tpu.vector_store %arg5[%swap3A_59, %swap3A_60, %swap3A_61], %select_n3A_58 {strides = array<i32>} : memref<1x172x120xi32, #tpu.memory_space<vmem>>, vector<1x172x120xi32>,
    return
  }
  func.func @transform_0(%arg0: i32) -> (i32, i32, i32) {
    %c0_i32 = arith.constant 0 : i32
    %c0_i32_0 = arith.constant 0 : i32
    %c0_i32_1 = arith.constant 0 : i32
    return %arg0, %c0_i32, %c0_i32_0 : i32, i32, i32
  }
  func.func @transform_1(%arg0: i32) -> (i32, i32, i32) {
    %c0_i32 = arith.constant 0 : i32
    %c0_i32_0 = arith.constant 0 : i32
    %c0_i32_1 = arith.constant 0 : i32
    return %arg0, %c0_i32, %c0_i32_0 : i32, i32, i32
  }
  func.func @transform_2(%arg0: i32) -> (i32, i32, i32) {
    %c0_i32 = arith.constant 0 : i32
    %c0_i32_0 = arith.constant 0 : i32
    %c0_i32_1 = arith.constant 0 : i32
    return %arg0, %c0_i32, %c0_i32_0 : i32, i32, i32
  }
  func.func @transform_3(%arg0: i32) -> (i32, i32, i32) {
    %c0_i32 = arith.constant 0 : i32
    %c0_i32_0 = arith.constant 0 : i32
    %c0_i32_1 = arith.constant 0 : i32
    return %arg0, %c0_i32, %c0_i32_0 : i32, i32, i32
  }
  func.func @transform_4(%arg0: i32) -> (i32, i32, i32) {
    %c0_i32 = arith.constant 0 : i32
    %c0_i32_0 = arith.constant 0 : i32
    %c0_i32_1 = arith.constant 0 : i32
    return %arg0, %c0_i32, %c0_i32_0 : i32, i32, i32
  }
}

module attributes {stable_mosaic.version = 14 : i64} {
  func.func @_tc_step_body(%arg0: i32, %arg1: memref<1x400x128xf32, #tpu.memory_space<vmem>>, %arg2: memref<1x400x16xf32, #tpu.memory_space<vmem>>, %arg3: memref<400x128xf32, #tpu.memory_space<vmem>>, %arg4: memref<128x128xf32, #tpu.memory_space<vmem>>, %arg5: memref<1x128xf32, #tpu.memory_space<vmem>>, %arg6: memref<1x128xf32, #tpu.memory_space<vmem>>, %arg7: memref<1x128xf32, #tpu.memory_space<vmem>>, %arg8: memref<1x128xf32, #tpu.memory_space<vmem>>, %arg9: memref<1x128xf32, #tpu.memory_space<vmem>>, %arg10: memref<400x128xf32, #tpu.memory_space<vmem>>) attributes {dimension_semantics = [#tpu.dimension_semantics<arbitrary>], iteration_bounds = array<i64: 25>, scalar_prefetch = 0 : i64, scratch_operands = 0 : i64, tpu.core_type = #tpu.core_type<tc>, window_params = [{transform_indices = @transform_0, window_bounds = array<i64: 1, 400, 128>}, {transform_indices = @transform_1, window_bounds = array<i64: 1, 400, 16>}, {transform_indices = @transform_2, window_bounds = array<i64: 400, 128>}, {pipeline_mode = #tpu.pipeline_mode<synchronous>, transform_indices = @transform_3, window_bounds = array<i64: 128, 128>}, {pipeline_mode = #tpu.pipeline_mode<synchronous>, transform_indices = @transform_4, window_bounds = array<i64: 1, 128>}, {pipeline_mode = #tpu.pipeline_mode<synchronous>, transform_indices = @transform_5, window_bounds = array<i64: 1, 128>}, {pipeline_mode = #tpu.pipeline_mode<synchronous>, transform_indices = @transform_6, window_bounds = array<i64: 1, 128>}, {pipeline_mode = #tpu.pipeline_mode<synchronous>, transform_indices = @transform_7, window_bounds = array<i64: 1, 128>}, {pipeline_mode = #tpu.pipeline_mode<synchronous>, transform_indices = @transform_8, window_bounds = array<i64: 1, 128>}, {transform_indices = @transform_9, window_bounds = array<i64: 400, 128>}]} {
    %get3A = arith.constant 0 : index
    %get3A_0 = arith.constant 0 : index
    %get3A_1 = vector.load %arg9[%get3A, %get3A_0] : memref<1x128xf32, #tpu.memory_space<vmem>>, vector<1x128xf32>
    %get3A_2 = arith.constant 0 : index
    %get3A_3 = arith.constant 0 : index
    %get3A_4 = vector.load %arg8[%get3A_2, %get3A_3] : memref<1x128xf32, #tpu.memory_space<vmem>>, vector<1x128xf32>
    %get3A_5 = arith.constant 0 : index
    %get3A_6 = arith.constant 0 : index
    %get3A_7 = vector.load %arg9[%get3A_5, %get3A_6] : memref<1x128xf32, #tpu.memory_space<vmem>>, vector<1x1xf32>
    %get3A_8 = arith.constant 0 : index
    %get3A_9 = arith.constant 0 : index
    %get3A_10 = arith.constant 0 : index
    %get3A_11 = vector.load %arg1[%get3A_8, %get3A_9, %get3A_10] : memref<1x400x128xf32, #tpu.memory_space<vmem>>, vector<1x400x128xf32>
    %get3A_12 = vector.shape_cast %get3A_11 : vector<1x400x128xf32> to vector<400x128xf32>
    %slice3A = vector.extract_strided_slice %get3A_12 {offsets = [0, 0], sizes = [400, 1], strides = [1, 1]} : vector<400x128xf32> to vector<400x1xf32>
    %mul3A = vector.broadcast %get3A_7 : vector<1x1xf32> to vector<400x1xf32>
    %mul3A_13 = arith.mulf %mul3A, %slice3A : vector<400x1xf32>
    %sub3A = arith.constant 1.000000e+00 : f32
    %sub3A_14 = vector.broadcast %sub3A : f32 to vector<1x1xf32>
    %sub3A_15 = arith.subf %sub3A_14, %get3A_7 : vector<1x1xf32>
    %get3A_16 = arith.constant 0 : index
    %get3A_17 = arith.constant 0 : index
    %get3A_18 = arith.constant 0 : index
    %get3A_19 = vector.load %arg2[%get3A_16, %get3A_17, %get3A_18] : memref<1x400x16xf32, #tpu.memory_space<vmem>>, vector<1x400x16xf32>
    %get3A_20 = vector.shape_cast %get3A_19 : vector<1x400x16xf32> to vector<400x16xf32>
    %slice3A_21 = vector.extract_strided_slice %get3A_20 {offsets = [0, 0], sizes = [400, 1], strides = [1, 1]} : vector<400x16xf32> to vector<400x1xf32>
    %mul3A_22 = vector.broadcast %sub3A_15 : vector<1x1xf32> to vector<400x1xf32>
    %mul3A_23 = arith.mulf %mul3A_22, %slice3A_21 : vector<400x1xf32>
    %add3A = arith.addf %mul3A_13, %mul3A_23 : vector<400x1xf32>
    %rsqrt3A = math.rsqrt %add3A : vector<400x1xf32>
    %get3A_24 = arith.constant 0 : index
    %get3A_25 = arith.constant 0 : index
    %get3A_26 = arith.constant 0 : index
    %get3A_27 = vector.load %arg1[%get3A_24, %get3A_25, %get3A_26] : memref<1x400x128xf32, #tpu.memory_space<vmem>>, vector<1x400x128xf32>
    %get3A_28 = vector.shape_cast %get3A_27 : vector<1x400x128xf32> to vector<400x128xf32>
    %mul3A_29 = vector.broadcast %rsqrt3A : vector<400x1xf32> to vector<400x128xf32>
    %mul3A_30 = arith.mulf %get3A_28, %mul3A_29 : vector<400x128xf32>
    %get3A_31 = arith.constant 0 : index
    %get3A_32 = arith.constant 0 : index
    %get3A_33 = vector.load %arg3[%get3A_31, %get3A_32] : memref<400x128xf32, #tpu.memory_space<vmem>>, vector<400x128xf32>
    %mul3A_34 = vector.broadcast %get3A_1 : vector<1x128xf32> to vector<400x128xf32>
    %mul3A_35 = arith.mulf %mul3A_34, %get3A_33 : vector<400x128xf32>
    %sub3A_36 = arith.constant 1.000000e+00 : f32
    %sub3A_37 = vector.broadcast %sub3A_36 : f32 to vector<1x128xf32>
    %sub3A_38 = arith.subf %sub3A_37, %get3A_1 : vector<1x128xf32>
    %get3A_39 = arith.constant 0 : index
    %get3A_40 = arith.constant 0 : index
    %get3A_41 = vector.load %arg5[%get3A_39, %get3A_40] : memref<1x128xf32, #tpu.memory_space<vmem>>, vector<1x128xf32>
    %mul3A_42 = vector.broadcast %get3A_41 : vector<1x128xf32> to vector<400x128xf32>
    %mul3A_43 = arith.mulf %mul3A_30, %mul3A_42 : vector<400x128xf32>
    %get3A_44 = arith.constant 0 : index
    %get3A_45 = arith.constant 0 : index
    %get3A_46 = vector.load %arg6[%get3A_44, %get3A_45] : memref<1x128xf32, #tpu.memory_space<vmem>>, vector<1x128xf32>
    %add3A_47 = vector.broadcast %get3A_46 : vector<1x128xf32> to vector<400x128xf32>
    %add3A_48 = arith.addf %mul3A_43, %add3A_47 : vector<400x128xf32>
    %max3A = arith.constant 0.000000e+00 : f32
    %max3A_49 = vector.broadcast %max3A : f32 to vector<400x128xf32>
    %max3A_50 = arith.maximumf %add3A_48, %max3A_49 : vector<400x128xf32>
    %mul3A_51 = vector.broadcast %sub3A_38 : vector<1x128xf32> to vector<400x128xf32>
    %mul3A_52 = arith.mulf %mul3A_51, %max3A_50 : vector<400x128xf32>
    %add3A_53 = arith.addf %mul3A_35, %mul3A_52 : vector<400x128xf32>
    %get3A_54 = arith.constant 0 : index
    %get3A_55 = arith.constant 0 : index
    %get3A_56 = vector.load %arg4[%get3A_54, %get3A_55] : memref<128x128xf32, #tpu.memory_space<vmem>>, vector<128x128xf32>
    %dot_general3A = arith.constant dense<0.000000e+00> : vector<400x128xf32>
    %dot_general3A_57 = tpu.matmul %add3A_53, %get3A_56, %dot_general3A {dimension_numbers = #tpu.dot_dimension_numbers<[1], [0], [0], [1], [0, 0, 1, 1], [], []>, precision = #tpu.contract_precision<fp32>, transpose_lhs_hint = false} : vector<400x128xf32>, vector<128x128xf32>, vector<400x128xf32> -> vector<400x128xf32>
    %mul3A_58 = vector.broadcast %rsqrt3A : vector<400x1xf32> to vector<400x128xf32>
    %mul3A_59 = arith.mulf %dot_general3A_57, %mul3A_58 : vector<400x128xf32>
    %get3A_60 = arith.constant 0 : index
    %get3A_61 = arith.constant 0 : index
    %get3A_62 = vector.load %arg7[%get3A_60, %get3A_61] : memref<1x128xf32, #tpu.memory_space<vmem>>, vector<1x128xf32>
    %add3A_63 = vector.broadcast %get3A_62 : vector<1x128xf32> to vector<400x128xf32>
    %add3A_64 = arith.addf %mul3A_30, %add3A_63 : vector<400x128xf32>
    %mul3A_65 = vector.broadcast %get3A_4 : vector<1x128xf32> to vector<400x128xf32>
    %mul3A_66 = arith.mulf %mul3A_65, %add3A_64 : vector<400x128xf32>
    %sub3A_67 = arith.constant 1.000000e+00 : f32
    %sub3A_68 = vector.broadcast %sub3A_67 : f32 to vector<1x128xf32>
    %sub3A_69 = arith.subf %sub3A_68, %get3A_4 : vector<1x128xf32>
    %mul3A_70 = vector.broadcast %sub3A_69 : vector<1x128xf32> to vector<400x128xf32>
    %mul3A_71 = arith.mulf %mul3A_70, %mul3A_59 : vector<400x128xf32>
    %add3A_72 = arith.addf %mul3A_66, %mul3A_71 : vector<400x128xf32>
    %swap3A = arith.constant 0 : index
    %swap3A_73 = arith.constant 0 : index
    %swap3A_74 = vector.load %arg10[%swap3A, %swap3A_73] : memref<400x128xf32, #tpu.memory_space<vmem>>, vector<400x128xf32>
    tpu.vector_store %arg10[%swap3A, %swap3A_73], %add3A_72 {strides = array<i32>} : memref<400x128xf32, #tpu.memory_space<vmem>>, vector<400x128xf32>,
    return
  }
  func.func @transform_0(%arg0: i32) -> (i32, i32, i32) {
    %jit3A = arith.constant 7 : i32
    %div3A = arith.divsi %arg0, %jit3A : i32
    %sign3A = arith.constant 0 : i32
    %sign3A_0 = arith.cmpi sgt, %arg0, %sign3A : i32
    %sign3A_1 = arith.extui %sign3A_0 : i1 to i32
    %sign3A_2 = arith.constant 0 : i32
    %sign3A_3 = arith.cmpi slt, %arg0, %sign3A_2 : i32
    %sign3A_4 = arith.extui %sign3A_3 : i1 to i32
    %sign3A_5 = arith.subi %sign3A_1, %sign3A_4 : i32
    %sign3A_6 = arith.constant 0 : i32
    %sign3A_7 = arith.cmpi sgt, %jit3A, %sign3A_6 : i32
    %sign3A_8 = arith.extui %sign3A_7 : i1 to i32
    %sign3A_9 = arith.constant 0 : i32
    %sign3A_10 = arith.cmpi slt, %jit3A, %sign3A_9 : i32
    %sign3A_11 = arith.extui %sign3A_10 : i1 to i32
    %sign3A_12 = arith.subi %sign3A_8, %sign3A_11 : i32
    %ne3A = arith.cmpi ne, %sign3A_5, %sign3A_12 : i32
    %rem3A = arith.remsi %arg0, %jit3A : i32
    %ne3A_13 = arith.constant 0 : i32
    %ne3A_14 = arith.cmpi ne, %rem3A, %ne3A_13 : i32
    %and3A = arith.andi %ne3A, %ne3A_14 : i1
    %sub3A = arith.constant 1 : i32
    %sub3A_15 = arith.subi %div3A, %sub3A : i32
    %select_n3A = arith.select %and3A, %sub3A_15, %div3A : i32
    %jit3A_16 = arith.constant 7 : i32
    %div3A_17 = arith.divsi %arg0, %jit3A_16 : i32
    %sign3A_18 = arith.constant 0 : i32
    %sign3A_19 = arith.cmpi sgt, %arg0, %sign3A_18 : i32
    %sign3A_20 = arith.extui %sign3A_19 : i1 to i32
    %sign3A_21 = arith.constant 0 : i32
    %sign3A_22 = arith.cmpi slt, %arg0, %sign3A_21 : i32
    %sign3A_23 = arith.extui %sign3A_22 : i1 to i32
    %sign3A_24 = arith.subi %sign3A_20, %sign3A_23 : i32
    %sign3A_25 = arith.constant 0 : i32
    %sign3A_26 = arith.cmpi sgt, %jit3A_16, %sign3A_25 : i32
    %sign3A_27 = arith.extui %sign3A_26 : i1 to i32
    %sign3A_28 = arith.constant 0 : i32
    %sign3A_29 = arith.cmpi slt, %jit3A_16, %sign3A_28 : i32
    %sign3A_30 = arith.extui %sign3A_29 : i1 to i32
    %sign3A_31 = arith.subi %sign3A_27, %sign3A_30 : i32
    %ne3A_32 = arith.cmpi ne, %sign3A_24, %sign3A_31 : i32
    %rem3A_33 = arith.remsi %arg0, %jit3A_16 : i32
    %ne3A_34 = arith.constant 0 : i32
    %ne3A_35 = arith.cmpi ne, %rem3A_33, %ne3A_34 : i32
    %and3A_36 = arith.andi %ne3A_32, %ne3A_35 : i1
    %sub3A_37 = arith.constant 1 : i32
    %sub3A_38 = arith.subi %div3A_17, %sub3A_37 : i32
    %select_n3A_39 = arith.select %and3A_36, %sub3A_38, %div3A_17 : i32
    %mul3A = arith.constant 7 : i32
    %mul3A_40 = arith.muli %mul3A, %select_n3A_39 : i32
    %sub3A_41 = arith.subi %arg0, %mul3A_40 : i32
    %c0_i32 = arith.constant 0 : i32
    %c0_i32_42 = arith.constant 0 : i32
    return %select_n3A, %sub3A_41, %c0_i32 : i32, i32, i32
  }
  func.func @transform_1(%arg0: i32) -> (i32, i32, i32) {
    %jit3A = arith.constant 7 : i32
    %div3A = arith.divsi %arg0, %jit3A : i32
    %sign3A = arith.constant 0 : i32
    %sign3A_0 = arith.cmpi sgt, %arg0, %sign3A : i32
    %sign3A_1 = arith.extui %sign3A_0 : i1 to i32
    %sign3A_2 = arith.constant 0 : i32
    %sign3A_3 = arith.cmpi slt, %arg0, %sign3A_2 : i32
    %sign3A_4 = arith.extui %sign3A_3 : i1 to i32
    %sign3A_5 = arith.subi %sign3A_1, %sign3A_4 : i32
    %sign3A_6 = arith.constant 0 : i32
    %sign3A_7 = arith.cmpi sgt, %jit3A, %sign3A_6 : i32
    %sign3A_8 = arith.extui %sign3A_7 : i1 to i32
    %sign3A_9 = arith.constant 0 : i32
    %sign3A_10 = arith.cmpi slt, %jit3A, %sign3A_9 : i32
    %sign3A_11 = arith.extui %sign3A_10 : i1 to i32
    %sign3A_12 = arith.subi %sign3A_8, %sign3A_11 : i32
    %ne3A = arith.cmpi ne, %sign3A_5, %sign3A_12 : i32
    %rem3A = arith.remsi %arg0, %jit3A : i32
    %ne3A_13 = arith.constant 0 : i32
    %ne3A_14 = arith.cmpi ne, %rem3A, %ne3A_13 : i32
    %and3A = arith.andi %ne3A, %ne3A_14 : i1
    %sub3A = arith.constant 1 : i32
    %sub3A_15 = arith.subi %div3A, %sub3A : i32
    %select_n3A = arith.select %and3A, %sub3A_15, %div3A : i32
    %jit3A_16 = arith.constant 7 : i32
    %div3A_17 = arith.divsi %arg0, %jit3A_16 : i32
    %sign3A_18 = arith.constant 0 : i32
    %sign3A_19 = arith.cmpi sgt, %arg0, %sign3A_18 : i32
    %sign3A_20 = arith.extui %sign3A_19 : i1 to i32
    %sign3A_21 = arith.constant 0 : i32
    %sign3A_22 = arith.cmpi slt, %arg0, %sign3A_21 : i32
    %sign3A_23 = arith.extui %sign3A_22 : i1 to i32
    %sign3A_24 = arith.subi %sign3A_20, %sign3A_23 : i32
    %sign3A_25 = arith.constant 0 : i32
    %sign3A_26 = arith.cmpi sgt, %jit3A_16, %sign3A_25 : i32
    %sign3A_27 = arith.extui %sign3A_26 : i1 to i32
    %sign3A_28 = arith.constant 0 : i32
    %sign3A_29 = arith.cmpi slt, %jit3A_16, %sign3A_28 : i32
    %sign3A_30 = arith.extui %sign3A_29 : i1 to i32
    %sign3A_31 = arith.subi %sign3A_27, %sign3A_30 : i32
    %ne3A_32 = arith.cmpi ne, %sign3A_24, %sign3A_31 : i32
    %rem3A_33 = arith.remsi %arg0, %jit3A_16 : i32
    %ne3A_34 = arith.constant 0 : i32
    %ne3A_35 = arith.cmpi ne, %rem3A_33, %ne3A_34 : i32
    %and3A_36 = arith.andi %ne3A_32, %ne3A_35 : i1
    %sub3A_37 = arith.constant 1 : i32
    %sub3A_38 = arith.subi %div3A_17, %sub3A_37 : i32
    %select_n3A_39 = arith.select %and3A_36, %sub3A_38, %div3A_17 : i32
    %mul3A = arith.constant 7 : i32
    %mul3A_40 = arith.muli %mul3A, %select_n3A_39 : i32
    %sub3A_41 = arith.subi %arg0, %mul3A_40 : i32
    %c0_i32 = arith.constant 0 : i32
    %c0_i32_42 = arith.constant 0 : i32
    return %select_n3A, %sub3A_41, %c0_i32 : i32, i32, i32
  }
  func.func @transform_2(%arg0: i32) -> (i32, i32) {
    %c0_i32 = arith.constant 0 : i32
    %c0_i32_0 = arith.constant 0 : i32
    return %arg0, %c0_i32 : i32, i32
  }
  func.func @transform_3(%arg0: i32) -> (i32, i32) {
    %c0_i32 = arith.constant 0 : i32
    %c0_i32_0 = arith.constant 0 : i32
    %c0_i32_1 = arith.constant 0 : i32
    return %c0_i32, %c0_i32_0 : i32, i32
  }
  func.func @transform_4(%arg0: i32) -> (i32, i32) {
    %c0_i32 = arith.constant 0 : i32
    %c0_i32_0 = arith.constant 0 : i32
    %c0_i32_1 = arith.constant 0 : i32
    return %c0_i32, %c0_i32_0 : i32, i32
  }
  func.func @transform_5(%arg0: i32) -> (i32, i32) {
    %c0_i32 = arith.constant 0 : i32
    %c0_i32_0 = arith.constant 0 : i32
    %c0_i32_1 = arith.constant 0 : i32
    return %c0_i32, %c0_i32_0 : i32, i32
  }
  func.func @transform_6(%arg0: i32) -> (i32, i32) {
    %c0_i32 = arith.constant 0 : i32
    %c0_i32_0 = arith.constant 0 : i32
    %c0_i32_1 = arith.constant 0 : i32
    return %c0_i32, %c0_i32_0 : i32, i32
  }
  func.func @transform_7(%arg0: i32) -> (i32, i32) {
    %c0_i32 = arith.constant 0 : i32
    %c0_i32_0 = arith.constant 0 : i32
    %c0_i32_1 = arith.constant 0 : i32
    return %c0_i32, %c0_i32_0 : i32, i32
  }
  func.func @transform_8(%arg0: i32) -> (i32, i32) {
    %c0_i32 = arith.constant 0 : i32
    %c0_i32_0 = arith.constant 0 : i32
    %c0_i32_1 = arith.constant 0 : i32
    return %c0_i32, %c0_i32_0 : i32, i32
  }
  func.func @transform_9(%arg0: i32) -> (i32, i32) {
    %c0_i32 = arith.constant 0 : i32
    %c0_i32_0 = arith.constant 0 : i32
    return %arg0, %c0_i32 : i32, i32
  }
}

</mosaic_0001>

<sc_bundles>
// kernel: body.8.cloned.1.call-start
scs
__scs_entry_jumppad:
0x0: {  	(pc) =	sbr.rel $0x88, $3  }
0x1: {  	(tag) =	ssettag $0x0;
	lr =	simm.s32 $0x1  }
0x2: {  	[smem:$0x3F95] =	sst lr;
	_ =	strace $0xD0000000  }
0x3: {  	_ = 	snop  }
0x4: {  	_ = 	snop  }
0x5: {  	_ = 	snop  }
0x6: {  	_ = 	snop  }
0x7: {  	_ = 	snop  }
__scs_overlays_trampoline_lowered:
0x8: {  	[smem:$0x3FA4] =	sst s0  }
0x9: {  	[smem:$0x3FA5] =	sst s1  }
0xa: {  	[smem:$0x3FA6] =	sst s2  }
0xb: {  	[smem:$0x3FA7] =	sst s3  }
0xc: {  	[smem:$0x3FA8] =	sst s4  }
0xd: {  	[smem:$0x3FA9] =	sst s5  }
0xe: {  	[smem:$0x3FAA] =	sst s6  }
0xf: {  	[smem:$0x3FAB] =	sst s7  }
0x10: {  	[smem:$0x3FAC] =	sst s8  }
0x11: {  	[smem:$0x3FAD] =	sst s9;
	s0 =	simm.s32 @!p0 $0x0  }
0x12: {  	s1 =	sld [smem:$0x3F93];
	s0 =	simm.s32 @p0 $0x1  }
0x13: {  	[smem:$0x3FAE] =	sst s0;
	s0 =	simm.s32 @!p1 $0x0  }
0x14: {  	s2 =	sld [smem:$0x3F92];
	s0 =	simm.s32 @p1 $0x1  }
0x15: {  	[smem:$0x3FAF] =	sst s0;
	s0 =	simm.s32 @!p2 $0x0  }
0x16: {  	s3 =	sld [smem:$0x3FDB];
	s0 =	simm.s32 @p2 $0x1  }
0x17: {  	s4 =	simm.s32 $0x1BF5;
	[smem:$0x3FB1] =	sst s0  }
0x18: {  	s0 =	sld [smem:$0x3F94];
	_ =	swait.ge [sflag:s4], $0x0  }
0x19: {  	s7 =	sld [smem:$0x3F95]  }
0x1a: {  	s8 =	sadd.s32 $0xFFFFE003, lr  }
0x1b: {  	s9 =	sadd.s32 $0xFFFFFEF7, lr;
	s5 =	simm.s32 $0xFFFFFFFF;
	p2 =	slt.u32 s8, $0xFFFFF086  }
0x1c: {  	p1 =	slt.u32 s9, $0xF7A;
	s5 =	simm.s32 @!p2 $0x0  }
0x1d: {  	s5 =	simm.s32 @p1 $0x1;
	p0 =	seq.s32 s7, s2  }
0x1e: {  	s7 =	smul.u32 @!p0 $0xF7A, s2;
	p2 =	seq.s32 @!p0 s5, $0x0  }
0x1f: {  	s9 =	smul.u32 $0xF7A, s1;
	s8 =	simm.s32 @!p0 $0x1BF5;
	p2 =	por !p2, p0  }
0x20: {  	[sflag:s8] =	ssyncset.s32 @!p0 $0xFFFFF086;
	s6 =	sadd.s32 @!p0 s3, s7;
	s7 =	simm.s32 @!p0 $0x108  }
0x21: {  	s3 =	sadd.s32 s3, s9;
	s6 =	sadd.s32 @!p0 $0x88, s6;
	s7 =	simm.s32 @p2 $0x1082  }
0x22: {  	[simem:s7], [sflag:s8] =	dma.local @!p0 [hbm:s6], $0xF7A  }
0x23: {  	s9 =	sor.u32 $0xD0000000, s2;
	s6 =	simm.s32 $0x108;
	_ =	swait.ge @!p0 [sflag:s8], $0x0  }
0x24: {  	s3 =	sadd.s32 $0x88, s3;
	s6 =	simm.s32 @!p1 $0x1082;
	[sflag:s4] =	ssyncset.s32 $0xFFFFF086  }
0x25: {  	[simem:s6], [sflag:s4] =	dma.local [hbm:s3], $0xF7A  }
0x26: {  	[smem:$0x3F95] =	sst s1;
	(tag) =	ssettag s2;
	_ =	strace s9  }
0x27: {  	s1 =	sld [smem:$0x3FA5]  }
0x28: {  	s2 =	sld [smem:$0x3FA6]  }
0x29: {  	s4 =	sld [smem:$0x3FA8]  }
0x2a: {  	p0 =	seq.s32 s5, $0x0;
	s5 =	sld [smem:$0x3FA9]  }
0x2b: {  	s6 =	sld [smem:$0x3FAA]  }
0x2c: {  	s7 =	sld [smem:$0x3FAB]  }
0x2d: {  	s3 =	simm.s32 $0x108;
	s8 =	sld [smem:$0x3FAC]  }
0x2e: {  	s3 =	simm.s32 @!p0 $0x1082;
	s9 =	sld [smem:$0x3FAD]  }
0x2f: {  	lr =	sadd.s32 s0, s3;
	s0 =	sld [smem:$0x3FA4]  }
0x30: {  	s3 =	sld [smem:$0x3FA7]  }
0x31: {  	[smem:$0x3FB0] =	sst s10  }
0x32: {  	s10 =	sld [smem:$0x3FAE];
	_ =	sdelay $0x3  }
0x33: {  	p0 =	seq.s32 s10, $0x1;
	s10 =	sld [smem:$0x3FB0];
	_ =	sdelay $0x3  }
0x34: {  	[smem:$0x3FB0] =	sst s10  }
0x35: {  	s10 =	sld [smem:$0x3FAF];
	_ =	sdelay $0x3  }
0x36: {  	p1 =	seq.s32 s10, $0x1;
	s10 =	sld [smem:$0x3FB0];
	_ =	sdelay $0x3  }
0x37: {  	[smem:$0x3FB0] =	sst s10  }
0x38: {  	s10 =	sld [smem:$0x3FB1]  }
0x39: {  	_ = 	snop;
	(pc) =	sbr.ind lr, $3  }
0x3a: {  	_ = 	snop  }
0x3b: {  	_ = 	snop  }
0x3c: {  	p2 =	seq.s32 s10, $0x1;
	s10 =	sld [smem:$0x3FB0]  }
0x3d: {  	_ =	shalt  }
0x3e: {  	_ =	shalt  }
0x3f: {  	_ =	shalt  }
0x40: {  	_ =	shalt  }
0x41: {  	_ =	shalt  }
0x42: {  	_ =	shalt  }
0x43: {  	_ =	shalt  }
0x44: {  	_ =	shalt  }
0x45: {  	_ =	shalt  }
0x46: {  	_ =	shalt  }
0x47: {  	_ =	shalt  }
0x48: {  	_ =	shalt  }
0x49: {  	_ =	shalt  }
0x4a: {  	_ =	shalt  }
0x4b: {  	_ =	shalt  }
0x4c: {  	_ =	shalt  }
0x4d: {  	_ =	shalt  }
0x4e: {  	_ =	shalt  }
0x4f: {  	_ =	shalt  }
0x50: {  	_ =	shalt  }
0x51: {  	_ =	shalt  }
0x52: {  	_ =	shalt  }
0x53: {  	_ =	shalt  }
0x54: {  	_ =	shalt  }
0x55: {  	_ =	shalt  }
0x56: {  	_ =	shalt  }
0x57: {  	_ =	shalt  }
0x58: {  	_ =	shalt  }
0x59: {  	_ =	shalt  }
0x5a: {  	_ =	shalt  }
0x5b: {  	_ =	shalt  }
0x5c: {  	_ =	shalt  }
0x5d: {  	_ =	shalt  }
0x5e: {  	_ =	shalt  }
0x5f: {  	_ =	shalt  }
0x60: {  	_ =	shalt  }
0x61: {  	_ =	shalt  }
0x62: {  	_ =	shalt  }
0x63: {  	_ =	shalt  }
0x64: {  	_ =	shalt  }
0x65: {  	_ =	shalt  }
0x66: {  	_ =	shalt  }
0x67: {  	_ =	shalt  }
0x68: {  	_ =	shalt  }
0x69: {  	_ =	shalt  }
0x6a: {  	_ =	shalt  }
0x6b: {  	_ =	shalt  }
0x6c: {  	_ =	shalt  }
0x6d: {  	_ =	shalt  }
0x6e: {  	_ =	shalt  }
0x6f: {  	_ =	shalt  }
0x70: {  	_ =	shalt  }
0x71: {  	_ =	shalt  }
0x72: {  	_ =	shalt  }
0x73: {  	_ =	shalt  }
0x74: {  	_ =	shalt  }
0x75: {  	_ =	shalt  }
0x76: {  	_ =	shalt  }
0x77: {  	_ =	shalt  }
0x78: {  	_ =	shalt  }
0x79: {  	_ =	shalt  }
0x7a: {  	_ =	shalt  }
0x7b: {  	_ =	shalt  }
0x7c: {  	_ =	shalt  }
0x7d: {  	_ =	shalt  }
0x7e: {  	_ =	shalt  }
0x7f: {  	_ =	shalt  }
0x80: {  	_ =	shalt  }
0x81: {  	_ =	shalt  }
0x82: {  	_ =	shalt  }
0x83: {  	_ =	shalt  }
0x84: {  	_ =	shalt  }
0x85: {  	_ =	shalt  }
0x86: {  	_ =	shalt  }
0x87: {  	_ =	shalt  }
.Lfunc_end0:
.L_simem_size_0:
called_computation_lowered:
.L_overlay_start_0:
0x88: {  	s2 =	sld [smem:$0x3FD9]  }
0x89: {  	s3 =	sld [smem:$0x3FFE];
	_ =	sdelay $0x1  }
0x8a: {  	s1 =	srdreg.scid  }
0x8b: {  	s0 =	sand.u32 $0x1, s1  }
0x8c: {  	s17 =	sshll.u32 s0, $0xA;
	s2 =	sadd.s32 s3, s2  }
0x8d: {  	s2 =	sadd.s32 s2, s17  }
0x8e: {  	[smem:$0x3FBC] =	sst s2  }
0x8f: {  	_ = 	snop  }
0x90: {  	s2 =	sld [smem:$0x3FD0];
	(tm) =	ssettm $0x1  }
0x91: {  	s18 =	sld [smem:$0x3FFB];
	_ =	sdelay $0x3  }
0x92: {  	_ =	strace s18  }
0x93: {  	s3 =	sld [smem:$0x3FFC];
	_ =	sdelay $0x3  }
0x94: {  	_ =	strace s3  }
0x95: {  	s3 =	sld [smem:$0x3FFD];
	_ =	sdelay $0x3  }
0x96: {  	_ =	strace s3  }
0x97: {  	_ =	strace $0x8FFFFFFF  }
0x98: {  	s19 =	sld [smem:$0x3FDB];
	_ =	sdelay $0x1  }
0x99: {  	s4 =	simm.s32 $_scs_section_size  }
0x9a: {  	s5 =	simm.s32 $_size__tile_overlayer_lowered;
	s6 =	simm.s32 $_tile_overlayer_lowered  }
0x9b: {  	s22 =	simm.s32 $0x1BFF;
	s21 =	sshll.u32 s6, $0x1;
	s3 =	sadd.s32 s4, s19  }
0x9c: {  	s7 =	simm.s32 $0x0;
	s20 =	sshll.u32 s5, $0x1;
	s5 =	sadd.s32 s21, s3  }
0x9d: {  	[timem:s7], [sflag:s22] =	dma.local [hbm:s5], s20  }
0x9e: {  	_ =	swait.ge [sflag:s22], s20  }
0x9f: {  	s4 =	ssub.s32 $0x0, s20;
	[sflag:s22] =	ssyncset.done $0x0  }
0xa0: {  	[sflag:s22] =	ssyncadd.s32 s4;
	_ =	sdelay $0x1  }
0xa1: {  	s23 =	simm.s32 $0x1B8B  }
0xa2: {  	_ =	swait.ge [sflag:s23], $0x1  }
0xa3: {  	[sflag:s23] =	ssyncset.done $0x0  }
0xa4: {  	s25 =	simm.s32 $0x1B8E;
	s24 =	sld [smem:$0x3FFE];
	[sflag:s23] =	ssyncadd.s32 $0xFFFFFFFF  }
0xa5: {  	s26 =	simm.s32 $execute0_lowered;
	[smem:$0x3FD2] =	sst s25  }
0xa6: {  	s5 =	sshll.u32 s26, $0x1;
	_ =	strace $0x80000046;
	[dreg:$0x1] =	wrdreg $0xFFFFFFFF  }
0xa7: {  	s28 =	simm.s32 $_size_execute0_lowered;
	s3 =	sadd.s32 s3, s5;
	[dreg:$0x0] =	wrdreg $0x0  }
0xa8: {  	s5 =	sshll.u32 s28, $0x1;
	[dreg:$0x2] =	wrdreg s3  }
0xa9: {  	[dreg:$0x3] =	wrdreg s5  }
0xaa: {  	[dreg:$0x4] =	wrdreg $0xC0  }
0xab: {  	_ =	task [dreg:s7], $0x5FFFF  }
0xac: {  	[dreg:$0x1] =	wrdreg $0xFFFFFFFF  }
0xad: {  	[dreg:$0x0] =	wrdreg $0x60  }
0xae: {  	[dreg:$0x2] =	wrdreg s2  }
0xaf: {  	[dreg:$0x3] =	wrdreg s24  }
0xb0: {  	[dreg:$0x4] =	wrdreg $0x138000  }
0xb1: {  	[dreg:$0x5] =	wrdreg $0x9  }
0xb2: {  	_ =	task.clear_ibuf [dreg:s7], $0x6FFFF;
	_ =	strace $0x90000046  }
0xb3: {  	s29 =	simm.s32 $0x9;
	_ =	strace $0x80000048  }
0xb4: {  	_ =	swait.ge [sflag:s29], $0x1  }
0xb5: {  	[sflag:s29] =	ssyncadd.s32 $0xFFFFFFFF  }
0xb6: {  	_ =	strace $0x90000048  }
0xb7: {  	_ =	sfence  }
0xb8: {  	s30 =	sld [smem:$0x0];
	_ =	sdelay $0x2  }
0xb9: {  	s31 =	sshll.u32 s1, $0xD;
	s1 =	sshrl.u32 s1, $0x2  }
0xba: {  	s3 =	sand.u32 $0x4000, s31;
	s1 =	sadd.s32 s1, s30  }
0xbb: {  	s0 =	sor.u32 s3, s0;
	s1 =	sshll.u32 s1, $0x11  }
0xbc: {  	s0 =	sor.u32 s1, s0  }
0xbd: {  	s0 =	sadd.s32 $0x8F2B, s0  }
0xbe: {  	[sflag:s0] =	ssyncadd.remote.s32 $0x1  }
0xbf: {  	_ =	sfence.sel $0xFFFF  }
0xc0: {  	[dreg:$0x0] =	wrdreg $0xFFFFFFFF;
	(pc) =	sbr.abs _section_cstart, $3  }
0xc1: {  	[dreg:$0x1] =	wrdreg $0xFFFFFFFF  }
0xc2: {  	_ =	task.clear_ibuf [dreg:s7], $0x2FFFF;
	_ =	strace $0x9FFFFFFF  }
0xc3: {  	(tm) =	ssettm $0x7FFFFFFF  }
tec
execute0_lowered:
.L_overlay_start_1:
0x0: {  	(tag) =	ssettag $0x1  }
0x1: {  	s1 =	rddreg [dreg:$0x0]  }
0x2: {  	s0 =	rddreg [dreg:$0x1]  }
0x3: {  	s3 =	rddreg [dreg:$0x2];
	s10 =	stileid.u32  }
0x4: {  	s4 =	simm.s32 $0x0;
	s2 =	srdreg.scid;
	s31 =	smul.u32 $0xB00, s10  }
0x5: {  	[smem:$0x7FF] =	sst s4;
	s6 =	smul.u32 $0xB0, s10  }
0x6: {  	s2 =	sand.u32 $0x1, s2;
	s7 =	sadd.s32 $0x2200, s0;
	s10 =	smul.u32 $0x16000, s10  }
0x7: {  	s9 =	sadd.s32 $0x39200, s0;
	_ =	strace $0x80000047;
	s13 =	smul.u32 $0xB000, s2  }
0x8: {  	s8 =	ssub.s32 $0x2, s2;
	[dreg:$0x5] =	wrdreg s9;
	s2 =	smul.u32 $0x58000, s2  }
0x9: {  	s5 =	sadd.s32 s31, s0;
	s16 =	sshrl.u32 s8, $0x1;
	s0 =	sadd.s32 $0x39400, s0  }
0xa: {  	s17 =	sshrl.u32 s10, $0x2;
	s22 =	sadd.s32 $0x10, s6;
	s23 =	sadd.s32 $0x20, s6  }
0xb: {  	s24 =	sadd.s32 $0x30, s6;
	s25 =	sadd.s32 $0x40, s6;
	s26 =	sadd.s32 $0x50, s6  }
0xc: {  	s28 =	sadd.s32 $0x60, s6;
	s30 =	sadd.s32 $0x90, s6;
	[dreg:$0x4] =	wrdreg s31  }
0xd: {  	s21 =	ssub.s32 s8, s16;
	s5 =	sadd.s32 $0x2E200, s5;
	s8 =	sadd.s32 s17, s3  }
0xe: {  	s18 =	sshll.u32 s22, $0x7;
	s19 =	sshll.u32 s23, $0x7;
	s11 =	sshll.u32 s24, $0x7  }
0xf: {  	s12 =	sshll.u32 s25, $0x7;
	s2 =	sshrl.u32 s2, $0x3;
	s20 =	sshll.u32 s26, $0x7  }
0x10: {  	s16 =	sshll.u32 s28, $0x7;
	s22 =	sshll.u32 s22, $0x4;
	s23 =	sshll.u32 s23, $0x4  }
0x11: {  	s24 =	sshll.u32 s24, $0x4;
	s25 =	sshll.u32 s25, $0x4;
	s29 =	sshll.u32 s26, $0x4  }
0x12: {  	[dreg:$0x6] =	wrdreg s5;
	s5 =	sadd.s32 s7, s13;
	s9 =	sadd.s32 s18, s3  }
0x13: {  	s10 =	sadd.s32 s19, s3;
	s11 =	sadd.s32 s11, s3;
	[dreg:$0x7] =	wrdreg s22  }
0x14: {  	s12 =	sadd.s32 s12, s3;
	s13 =	sadd.s32 s0, s13;
	[dreg:$0x8] =	wrdreg s23  }
0x15: {  	s2 =	sadd.s32 $0x16000, s2;
	s15 =	sadd.s32 s20, s3;
	[dreg:$0x9] =	wrdreg s24  }
0x16: {  	s16 =	sadd.s32 s16, s3;
	s19 =	sshll.u32 s30, $0x7;
	[dreg:$0xa] =	wrdreg s25  }
0x17: {  	[dreg:$0xb] =	wrdreg s29;
	s23 =	sshll.u32 s28, $0x4;
	s30 =	sshll.u32 s30, $0x4  }
0x18: {  	s26 =	smax.u32 s21, $0x1;
	s21 =	simm.s32 $0x1;
	s22 =	simm.s32 $0x2  }
0x19: {  	s7 =	sadd.s32 s7, s2;
	s14 =	sadd.s32 s0, s2;
	s0 =	sadd.s32 $0x70, s6  }
0x1a: {  	s2 =	sadd.s32 $0x80, s6;
	s6 =	sadd.s32 $0xA0, s6;
	[dreg:$0xc] =	wrdreg s23  }
0x1b: {  	s19 =	sadd.s32 s19, s3;
	[dreg:$0x11] =	wrdreg s26;
	s28 =	sadd.s32 s31, s5  }
0x1c: {  	s5 =	simm.s32 $0x13000;
	s23 =	simm.s32 $0xEC00;
	[dreg:$0xf] =	wrdreg s30  }
0x1d: {  	s17 =	sshll.u32 s0, $0x7;
	s18 =	sshll.u32 s2, $0x7;
	s20 =	sshll.u32 s6, $0x7  }
0x1e: {  	s0 =	sshll.u32 s0, $0x4;
	s24 =	sshll.u32 s2, $0x4;
	s25 =	sshll.u32 s6, $0x4  }
.Ltmp0:
0x1f: {  	[dreg:$0x12] =	wrdreg s28;
	s29 =	sadd.s32 s31, s7;
	(pc) =	sbr.rel .LBB2_1-.Ltmp0, $4  }
0x20: {  	s7 =	simm.s32 $0x3;
	s2 =	simm.s32 $0x78;
	[dreg:$0xd] =	wrdreg s0  }
0x21: {  	s6 =	simm.s32 $0xB000;
	s17 =	sadd.s32 s17, s3;
	[dreg:$0xe] =	wrdreg s24  }
0x22: {  	s18 =	sadd.s32 s18, s3;
	s20 =	sadd.s32 s20, s3;
	[dreg:$0x10] =	wrdreg s25  }
0x23: {  	v0 =	vimm.f32 $0.0e+00;
	v1 =	vimm.f32 $1.000000000e+00;
	[dreg:$0x13] =	wrdreg s29;
	s0 =	simm.s32 $0x12800;
	s24 =	simm.s32 $0x0  }
.LBB2_21:
0x24: {  	[tilespmem:s23], [sflag:$0x2] =	stream.indirect.gather [hbm4b:s1+s2], $0x80, s28, s2, $0xb8;
	[tilespmem:$0x19080] =	vst v63  }
0x25: {  	_ =	swait.ge [sflag:s21], $0x3C00  }
0x26: {  	[sflag:s21] =	ssyncset.done $0x0  }
0x27: {  	s26 =	simm.s32 $0xAD00;
	[sflag:s21] =	ssyncadd.s32 $0xFFFFC400  }
0x28: {  	[spmem:s3] =	stream.indirect.scatter.add.f32 [tilespmem:s6], [sflag:$0x3], $0x80, s26, s2, $0xb8;
	[tilespmem:$0x19080] =	vst v63  }
0x29: {  	_ =	swait.ge [sflag:s7], $0x3C00  }
0x2a: {  	[sflag:s7] =	ssyncset.done $0x0  }
0x2b: {  	[sflag:s7] =	ssyncadd.s32 $0xFFFFC400  }
0x2c: {  	[tilespmem:s6], [sflag:$0x1] =	stream.indirect.gather [hbm4b:s1+s2], $0x80, s4, s2, $0xb8;
	[tilespmem:$0x19080] =	vst v63  }
0x2d: {  	_ =	swait.ge [sflag:s22], $0x3C00  }
0x2e: {  	[sflag:s22] =	ssyncset.done $0x0  }
0x2f: {  	s28 =	simm.s32 $0xAD80;
	[sflag:s22] =	ssyncadd.s32 $0xFFFFC400  }
0x30: {  	[spmem:s3] =	stream.indirect.scatter.add.f32 [tilespmem:s23], [sflag:$0x3], $0x80, s28, s2, $0xb8;
	[tilespmem:$0x19080] =	vst v63  }
0x31: {  	_ =	swait.ge [sflag:s7], $0x3C00  }
0x32: {  	[sflag:s7] =	ssyncset.done $0x0  }
0x33: {  	s29 =	simm.s32 $0x80;
	[sflag:s7] =	ssyncadd.s32 $0xFFFFC400  }
0x34: {  	[tilespmem:s23], [sflag:$0x2] =	stream.indirect.gather [hbm4b:s1+s2], $0x80, s29, s2, $0xb8;
	[tilespmem:$0x19080] =	vst v63  }
.LBB2_22:
0x35: {  	[bflag:$0x0] =	sbarrier.arrive $0xFFFF  }
0x36: {  	[tilespmem:s5], [sflag:$0x3] =	stream.linear.gather [spmem:s8], $0x800, $0x38;
	[tilespmem:$0x19080] =	vst v63  }
0x37: {  	_ =	swait.ge [sflag:s7], $0x800  }
0x38: {  	[sflag:s7] =	ssyncset.done $0x0  }
0x39: {  	s26 =	sadd.s32 s31, s14;
	[sflag:s7] =	ssyncadd.s32 $0xFFFFF800  }
0x3a: {  	[hbm4b:s26+s4] =	stream.linear.scatter [tilespmem:s5], [sflag:$0x3], $0x800, $0x38;
	[tilespmem:$0x19080] =	vst v63  }
0x3b: {  	_ =	swait.ge [sflag:s7], $0x800  }
0x3c: {  	[sflag:s7] =	ssyncset.done $0x0  }
0x3d: {  	[sflag:s7] =	ssyncadd.s32 $0xFFFFF800  }
0x3e: {  	[tilespmem:s5], [sflag:$0x3] =	stream.linear.gather [spmem:s9], $0x800, $0x38;
	[tilespmem:$0x19080] =	vst v63  }
0x3f: {  	_ =	swait.ge [sflag:s7], $0x800  }
0x40: {  	[sflag:s7] =	ssyncset.done $0x0;
	s29 =	rddreg [dreg:$0x7]  }
0x41: {  	[sflag:s7] =	ssyncadd.s32 $0xFFFFF800;
	s26 =	sadd.s32 s29, s14  }
0x42: {  	[hbm4b:s26+s4] =	stream.linear.scatter [tilespmem:s5], [sflag:$0x3], $0x800, $0x38;
	[tilespmem:$0x19080] =	vst v63  }
0x43: {  	_ =	swait.ge [sflag:s7], $0x800  }
0x44: {  	[sflag:s7] =	ssyncset.done $0x0  }
0x45: {  	[sflag:s7] =	ssyncadd.s32 $0xFFFFF800  }
0x46: {  	[tilespmem:s5], [sflag:$0x3] =	stream.linear.gather [spmem:s10], $0x800, $0x38;
	[tilespmem:$0x19080] =	vst v63  }
0x47: {  	_ =	swait.ge [sflag:s7], $0x800  }
0x48: {  	[sflag:s7] =	ssyncset.done $0x0;
	s28 =	rddreg [dreg:$0x8]  }
0x49: {  	[sflag:s7] =	ssyncadd.s32 $0xFFFFF800;
	s26 =	sadd.s32 s28, s14  }
0x4a: {  	[hbm4b:s26+s4] =	stream.linear.scatter [tilespmem:s5], [sflag:$0x3], $0x800, $0x38;
	[tilespmem:$0x19080] =	vst v63  }
0x4b: {  	_ =	swait.ge [sflag:s7], $0x800  }
0x4c: {  	[sflag:s7] =	ssyncset.done $0x0  }
0x4d: {  	[sflag:s7] =	ssyncadd.s32 $0xFFFFF800  }
0x4e: {  	[tilespmem:s5], [sflag:$0x3] =	stream.linear.gather [spmem:s11], $0x800, $0x38;
	[tilespmem:$0x19080] =	vst v63  }
0x4f: {  	_ =	swait.ge [sflag:s7], $0x800  }
0x50: {  	[sflag:s7] =	ssyncset.done $0x0;
	s29 =	rddreg [dreg:$0x9]  }
0x51: {  	[sflag:s7] =	ssyncadd.s32 $0xFFFFF800;
	s26 =	sadd.s32 s29, s14  }
0x52: {  	[hbm4b:s26+s4] =	stream.linear.scatter [tilespmem:s5], [sflag:$0x3], $0x800, $0x38;
	[tilespmem:$0x19080] =	vst v63  }
0x53: {  	_ =	swait.ge [sflag:s7], $0x800  }
0x54: {  	[sflag:s7] =	ssyncset.done $0x0  }
0x55: {  	[sflag:s7] =	ssyncadd.s32 $0xFFFFF800  }
0x56: {  	[tilespmem:s5], [sflag:$0x3] =	stream.linear.gather [spmem:s12], $0x800, $0x38;
	[tilespmem:$0x19080] =	vst v63  }
0x57: {  	_ =	swait.ge [sflag:s7], $0x800  }
0x58: {  	[sflag:s7] =	ssyncset.done $0x0;
	s28 =	rddreg [dreg:$0xa]  }
0x59: {  	[sflag:s7] =	ssyncadd.s32 $0xFFFFF800;
	s26 =	sadd.s32 s28, s14  }
0x5a: {  	[hbm4b:s26+s4] =	stream.linear.scatter [tilespmem:s5], [sflag:$0x3], $0x800, $0x38;
	[tilespmem:$0x19080] =	vst v63  }
0x5b: {  	_ =	swait.ge [sflag:s7], $0x800  }
0x5c: {  	[sflag:s7] =	ssyncset.done $0x0  }
0x5d: {  	[sflag:s7] =	ssyncadd.s32 $0xFFFFF800  }
0x5e: {  	[tilespmem:s5], [sflag:$0x3] =	stream.linear.gather [spmem:s15], $0x800, $0x38;
	[tilespmem:$0x19080] =	vst v63  }
0x5f: {  	_ =	swait.ge [sflag:s7], $0x800  }
0x60: {  	[sflag:s7] =	ssyncset.done $0x0;
	s29 =	rddreg [dreg:$0xb]  }
0x61: {  	[sflag:s7] =	ssyncadd.s32 $0xFFFFF800;
	s26 =	sadd.s32 s29, s14  }
0x62: {  	[hbm4b:s26+s4] =	stream.linear.scatter [tilespmem:s5], [sflag:$0x3], $0x800, $0x38;
	[tilespmem:$0x19080] =	vst v63  }
0x63: {  	_ =	swait.ge [sflag:s7], $0x800  }
0x64: {  	[sflag:s7] =	ssyncset.done $0x0  }
0x65: {  	[sflag:s7] =	ssyncadd.s32 $0xFFFFF800  }
0x66: {  	[tilespmem:s5], [sflag:$0x3] =	stream.linear.gather [spmem:s16], $0x800, $0x38;
	[tilespmem:$0x19080] =	vst v63  }
0x67: {  	_ =	swait.ge [sflag:s7], $0x800  }
0x68: {  	[sflag:s7] =	ssyncset.done $0x0;
	s28 =	rddreg [dreg:$0xc]  }
0x69: {  	[sflag:s7] =	ssyncadd.s32 $0xFFFFF800;
	s26 =	sadd.s32 s28, s14  }
0x6a: {  	[hbm4b:s26+s4] =	stream.linear.scatter [tilespmem:s5], [sflag:$0x3], $0x800, $0x38;
	[tilespmem:$0x19080] =	vst v63  }
0x6b: {  	_ =	swait.ge [sflag:s7], $0x800  }
0x6c: {  	[sflag:s7] =	ssyncset.done $0x0  }
0x6d: {  	[sflag:s7] =	ssyncadd.s32 $0xFFFFF800  }
0x6e: {  	[tilespmem:s5], [sflag:$0x3] =	stream.linear.gather [spmem:s17], $0x800, $0x38;
	[tilespmem:$0x19080] =	vst v63  }
0x6f: {  	_ =	swait.ge [sflag:s7], $0x800  }
0x70: {  	[sflag:s7] =	ssyncset.done $0x0;
	s29 =	rddreg [dreg:$0xd]  }
0x71: {  	[sflag:s7] =	ssyncadd.s32 $0xFFFFF800;
	s26 =	sadd.s32 s29, s14  }
0x72: {  	[hbm4b:s26+s4] =	stream.linear.scatter [tilespmem:s5], [sflag:$0x3], $0x800, $0x38;
	[tilespmem:$0x19080] =	vst v63  }
0x73: {  	_ =	swait.ge [sflag:s7], $0x800  }
0x74: {  	[sflag:s7] =	ssyncset.done $0x0  }
0x75: {  	[sflag:s7] =	ssyncadd.s32 $0xFFFFF800  }
0x76: {  	[tilespmem:s5], [sflag:$0x3] =	stream.linear.gather [spmem:s18], $0x800, $0x38;
	[tilespmem:$0x19080] =	vst v63  }
0x77: {  	_ =	swait.ge [sflag:s7], $0x800  }
0x78: {  	[sflag:s7] =	ssyncset.done $0x0;
	s28 =	rddreg [dreg:$0xe]  }
0x79: {  	[sflag:s7] =	ssyncadd.s32 $0xFFFFF800;
	s26 =	sadd.s32 s28, s14  }
0x7a: {  	[hbm4b:s26+s4] =	stream.linear.scatter [tilespmem:s5], [sflag:$0x3], $0x800, $0x38;
	[tilespmem:$0x19080] =	vst v63  }
0x7b: {  	_ =	swait.ge [sflag:s7], $0x800  }
0x7c: {  	[sflag:s7] =	ssyncset.done $0x0  }
0x7d: {  	[sflag:s7] =	ssyncadd.s32 $0xFFFFF800  }
0x7e: {  	[tilespmem:s5], [sflag:$0x3] =	stream.linear.gather [spmem:s19], $0x800, $0x38;
	[tilespmem:$0x19080] =	vst v63  }
0x7f: {  	_ =	swait.ge [sflag:s7], $0x800  }
0x80: {  	[sflag:s7] =	ssyncset.done $0x0  }
0x81: {  	s29 =	sadd.s32 s30, s14;
	[sflag:s7] =	ssyncadd.s32 $0xFFFFF800  }
0x82: {  	[hbm4b:s29+s4] =	stream.linear.scatter [tilespmem:s5], [sflag:$0x3], $0x800, $0x38;
	[tilespmem:$0x19080] =	vst v63  }
0x83: {  	_ =	swait.ge [sflag:s7], $0x800  }
0x84: {  	[sflag:s7] =	ssyncset.done $0x0  }
0x85: {  	[sflag:s7] =	ssyncadd.s32 $0xFFFFF800  }
0x86: {  	[tilespmem:s5], [sflag:$0x3] =	stream.linear.gather [spmem:s20], $0x800, $0x38;
	[tilespmem:$0x19080] =	vst v63  }
0x87: {  	_ =	swait.ge [sflag:s7], $0x800  }
0x88: {  	[sflag:s7] =	ssyncset.done $0x0;
	s28 =	rddreg [dreg:$0x10]  }
0x89: {  	[sflag:s7] =	ssyncadd.s32 $0xFFFFF800;
	s26 =	sadd.s32 s28, s14  }
0x8a: {  	[hbm4b:s26+s4] =	stream.linear.scatter [tilespmem:s5], [sflag:$0x3], $0x800, $0x38;
	[tilespmem:$0x19080] =	vst v63  }
0x8b: {  	_ =	swait.ge [sflag:s7], $0x800  }
0x8c: {  	[sflag:s7] =	ssyncset.done $0x0  }
0x8d: {  	p0 =	seq.s32 s25, $0x1;
	[sflag:s7] =	ssyncadd.s32 $0xFFFFF800  }
0x8e: {  	s25 =	simm.s32 @!p0 $0x1;
	[bflag:$0x0] =	sbarrier.arrive $0xFFFF  }
0x8f: {  	_ =	swait.ge @!p0 [sflag:s25], $0x3C00  }
0x90: {  	[sflag:s25] =	ssyncset.done @!p0 $0x0  }
0x91: {  	[sflag:s25] =	ssyncadd.s32 @!p0 $0xFFFFC400;
	s25 =	simm.s32 @!p0 $0x2  }
0x92: {  	_ =	swait.ge @!p0 [sflag:s25], $0x3C00  }
0x93: {  	s24 =	sadd.s32 $0x1, s24;
	s29 =	rddreg [dreg:$0x11]  }
0x94: {  	p1 =	sne.s32 s24, s29  }
.Ltmp1:
0x95: {  	_ = 	snop;
	(pc) =	sbr.rel @!p1 .LBB2_23-.Ltmp1, $3  }
0x96: {  	_ =	sdelay $0x1  }
0x97: {  	[sflag:s25] =	ssyncset.done @!p0 $0x0  }
0x98: {  	[sflag:s25] =	ssyncadd.s32 @!p0 $0xFFFFC400  }
.LBB2_1:
0x99: {  	s25 =	simm.s32 $0x0;
	s26 =	simm.s32 $0x200  }
.LBB2_2:
0x9a: {  	p0 =	sne.s32 s26, $0x1E00;
	[tilespmem:s25+$0x12870] =	vst v0  }
0x9b: {  	[tilespmem:s25+$0x12800] =	vst v0  }
0x9c: {  	[tilespmem:s25+$0x12810] =	vst v0  }
.Ltmp2:
0x9d: {  	[tilespmem:s25+$0x12820] =	vst v0;
	(pc) =	sbr.rel @p0 .LBB2_2-.Ltmp2, $4  }
0x9e: {  	[tilespmem:s25+$0x12830] =	vst v0  }
0x9f: {  	[tilespmem:s25+$0x12840] =	vst v0  }
0xa0: {  	[tilespmem:s25+$0x12850] =	vst v0  }
0xa1: {  	[tilespmem:s25+$0x12860] =	vst v0;
	s25 =	sshra.s32 s26, $0x2;
	s26 =	sadd.s32 $0x200, s26  }
0xa2: {  	[tilespmem:s25+$0x12870] =	vst v0  }
0xa3: {  	[tilespmem:s25+$0x12800] =	vst v0  }
0xa4: {  	[tilespmem:s25+$0x12810] =	vst v0  }
0xa5: {  	[tilespmem:s25+$0x12820] =	vst v0  }
0xa6: {  	[tilespmem:s25+$0x12830] =	vst v0  }
0xa7: {  	[tilespmem:s25+$0x12840] =	vst v0  }
0xa8: {  	[tilespmem:s25+$0x12850] =	vst v0  }
0xa9: {  	[tilespmem:s25+$0x12860] =	vst v0;
	s28 =	simm.s32 $0x0;
	s26 =	rddreg [dreg:$0x6]  }
0xaa: {  	[tilespmem:s28], [sflag:$0x3] =	stream.linear.gather [hbm4b:s26+s28], $0x5600, $0x38;
	[tilespmem:$0x19080] =	vst v63  }
0xab: {  	_ =	swait.ge [sflag:s7], $0x5600  }
0xac: {  	[sflag:s7] =	ssyncset.done $0x0  }
0xad: {  	s26 =	simm.s32 $0x19000;
	s29 =	rddreg [dreg:$0x5];
	[sflag:s7] =	ssyncadd.s32 $0xFFFFAA00  }
0xae: {  	[tilespmem:s26], [sflag:$0x3] =	stream.linear.gather [hbm4b:s29+s28], $0x80, $0x38;
	[tilespmem:$0x19080] =	vst v63  }
0xaf: {  	_ =	swait.ge [sflag:s7], $0x80  }
0xb0: {  	[sflag:s7] =	ssyncset.done $0x0  }
0xb1: {  	[sflag:s7] =	ssyncadd.s32 $0xFFFFFF80  }
0xb2: {  	v2 =	vld [tilespmem:$0x19000];
	_ =	sdelay $0x4  }
0xb3: {  	(v2sf) =	vpush v2, $0x0;
	_ =	sdelay $0xe  }
0xb4: {  	s25 =	spop (v2sf)  }
0xb5: {  	p0 =	sne.s32 s25, $0x1  }
.Ltmp3:
0xb6: {  	_ = 	snop;
	(pc) =	sbr.rel @p0 .LBB2_7-.Ltmp3, $1  }
0xb7: {  	_ =	sdelay $0x3  }
0xb8: {  	s26 =	sshra.s32 s28, $0x2;
	s28 =	sadd.s32 $0x200, s28  }
.LBB2_5:
0xb9: {  	p1 =	seq.s32 s28, $0xEE00;
	[tilespmem:s26+$0xB070] =	vst v1  }
0xba: {  	[tilespmem:s26+$0xB000] =	vst v1  }
0xbb: {  	[tilespmem:s26+$0xB010] =	vst v1  }
.Ltmp4:
0xbc: {  	[tilespmem:s26+$0xB020] =	vst v1;
	(pc) =	sbr.rel @!p1 .LBB2_5-.Ltmp4, $4  }
0xbd: {  	[tilespmem:s26+$0xB030] =	vst v1  }
0xbe: {  	[tilespmem:s26+$0xB040] =	vst v1  }
0xbf: {  	[tilespmem:s26+$0xB050] =	vst v1  }
0xc0: {  	[tilespmem:s26+$0xB060] =	vst v1;
	s26 =	sshra.s32 s28, $0x2;
	s28 =	sadd.s32 $0x200, s28  }
0xc1: {  	[tilespmem:s26+$0xB070] =	vst v1  }
0xc2: {  	[tilespmem:s26+$0xB000] =	vst v1  }
0xc3: {  	[tilespmem:s26+$0xB010] =	vst v1  }
.Ltmp5:
0xc4: {  	[tilespmem:s26+$0xB020] =	vst v1;
	(pc) =	sbr.rel .LBB2_8-.Ltmp5, $4  }
0xc5: {  	[tilespmem:s26+$0xB030] =	vst v1  }
0xc6: {  	[tilespmem:s26+$0xB040] =	vst v1  }
0xc7: {  	[tilespmem:s26+$0xB050] =	vst v1  }
0xc8: {  	[tilespmem:s26+$0xB060] =	vst v1  }
.LBB2_7:
0xc9: {  	[tilespmem:s6], [sflag:$0x1] =	stream.indirect.gather [hbm4b:s1+s2], $0x80, s4, s2, $0xb8;
	[tilespmem:$0x19080] =	vst v63  }
0xca: {  	s26 =	simm.s32 $0x80  }
0xcb: {  	[tilespmem:s23], [sflag:$0x2] =	stream.indirect.gather [hbm4b:s1+s2], $0x80, s26, s2, $0xb8;
	[tilespmem:$0x19080] =	vst v63  }
.LBB2_8:
0xcc: {  	s26 =	simm.s32 $0x0;
	s28 =	rddreg [dreg:$0x12];
	s29 =	simm.s32 $0x5800  }
0xcd: {  	[tilespmem:s29], [sflag:$0x3] =	stream.linear.gather [hbm4b:s28+s26], $0x5600, $0x38;
	[tilespmem:$0x19080] =	vst v63  }
0xce: {  	_ =	swait.ge [sflag:s7], $0x5600  }
0xcf: {  	[sflag:s7] =	ssyncset.done $0x0  }
0xd0: {  	[sflag:s7] =	ssyncadd.s32 $0xFFFFAA00  }
0xd1: {  	[spmem:s8] =	stream.linear.scatter [tilespmem:s0], [sflag:$0x3], $0x800, $0x38;
	[tilespmem:$0x19080] =	vst v63  }
0xd2: {  	_ =	swait.ge [sflag:s7], $0x800  }
0xd3: {  	[sflag:s7] =	ssyncset.done $0x0  }
0xd4: {  	[sflag:s7] =	ssyncadd.s32 $0xFFFFF800  }
0xd5: {  	[spmem:s9] =	stream.linear.scatter [tilespmem:s0], [sflag:$0x3], $0x800, $0x38;
	[tilespmem:$0x19080] =	vst v63  }
0xd6: {  	_ =	swait.ge [sflag:s7], $0x800  }
0xd7: {  	[sflag:s7] =	ssyncset.done $0x0  }
0xd8: {  	[sflag:s7] =	ssyncadd.s32 $0xFFFFF800  }
0xd9: {  	[spmem:s10] =	stream.linear.scatter [tilespmem:s0], [sflag:$0x3], $0x800, $0x38;
	[tilespmem:$0x19080] =	vst v63  }
0xda: {  	_ =	swait.ge [sflag:s7], $0x800  }
0xdb: {  	[sflag:s7] =	ssyncset.done $0x0  }
0xdc: {  	[sflag:s7] =	ssyncadd.s32 $0xFFFFF800  }
0xdd: {  	[spmem:s11] =	stream.linear.scatter [tilespmem:s0], [sflag:$0x3], $0x800, $0x38;
	[tilespmem:$0x19080] =	vst v63  }
0xde: {  	_ =	swait.ge [sflag:s7], $0x800  }
0xdf: {  	[sflag:s7] =	ssyncset.done $0x0  }
0xe0: {  	[sflag:s7] =	ssyncadd.s32 $0xFFFFF800  }
0xe1: {  	[spmem:s12] =	stream.linear.scatter [tilespmem:s0], [sflag:$0x3], $0x800, $0x38;
	[tilespmem:$0x19080] =	vst v63  }
0xe2: {  	_ =	swait.ge [sflag:s7], $0x800  }
0xe3: {  	[sflag:s7] =	ssyncset.done $0x0  }
0xe4: {  	[sflag:s7] =	ssyncadd.s32 $0xFFFFF800  }
0xe5: {  	[spmem:s15] =	stream.linear.scatter [tilespmem:s0], [sflag:$0x3], $0x800, $0x38;
	[tilespmem:$0x19080] =	vst v63  }
0xe6: {  	_ =	swait.ge [sflag:s7], $0x800  }
0xe7: {  	[sflag:s7] =	ssyncset.done $0x0  }
0xe8: {  	[sflag:s7] =	ssyncadd.s32 $0xFFFFF800  }
0xe9: {  	[spmem:s16] =	stream.linear.scatter [tilespmem:s0], [sflag:$0x3], $0x800, $0x38;
	[tilespmem:$0x19080] =	vst v63  }
0xea: {  	_ =	swait.ge [sflag:s7], $0x800  }
0xeb: {  	[sflag:s7] =	ssyncset.done $0x0  }
0xec: {  	[sflag:s7] =	ssyncadd.s32 $0xFFFFF800  }
0xed: {  	[spmem:s17] =	stream.linear.scatter [tilespmem:s0], [sflag:$0x3], $0x800, $0x38;
	[tilespmem:$0x19080] =	vst v63  }
0xee: {  	_ =	swait.ge [sflag:s7], $0x800  }
0xef: {  	[sflag:s7] =	ssyncset.done $0x0  }
0xf0: {  	[sflag:s7] =	ssyncadd.s32 $0xFFFFF800  }
0xf1: {  	[spmem:s18] =	stream.linear.scatter [tilespmem:s0], [sflag:$0x3], $0x800, $0x38;
	[tilespmem:$0x19080] =	vst v63  }
0xf2: {  	_ =	swait.ge [sflag:s7], $0x800  }
0xf3: {  	[sflag:s7] =	ssyncset.done $0x0  }
0xf4: {  	[sflag:s7] =	ssyncadd.s32 $0xFFFFF800  }
0xf5: {  	[spmem:s19] =	stream.linear.scatter [tilespmem:s0], [sflag:$0x3], $0x800, $0x38;
	[tilespmem:$0x19080] =	vst v63  }
0xf6: {  	_ =	swait.ge [sflag:s7], $0x800  }
0xf7: {  	[sflag:s7] =	ssyncset.done $0x0  }
0xf8: {  	[sflag:s7] =	ssyncadd.s32 $0xFFFFF800  }
0xf9: {  	[spmem:s20] =	stream.linear.scatter [tilespmem:s0], [sflag:$0x3], $0x800, $0x38;
	[tilespmem:$0x19080] =	vst v63  }
.Ltmp6:
0xfa: {  	_ =	swait.ge [sflag:s7], $0x800;
	(pc) =	sbr.rel @p0 .LBB2_12-.Ltmp6, $3  }
0xfb: {  	[sflag:s7] =	ssyncset.done $0x0  }
0xfc: {  	[sflag:s7] =	ssyncadd.s32 $0xFFFFF800  }
0xfd: {  	[bflag:$0x0] =	sbarrier.arrive $0xFFFF;
	_ =	sdelay $0x1  }
0xfe: {  	s26 =	simm.s32 $0x5800  }
0xff: {  	[spmem:s3] =	stream.indirect.scatter.add.f32 [tilespmem:s6], [sflag:$0x3], $0x80, s26, s2, $0xb8;
	[tilespmem:$0x19080] =	vst v63  }
0x100: {  	_ =	swait.ge [sflag:s7], $0x3C00  }
0x101: {  	[sflag:s7] =	ssyncset.done $0x0  }
0x102: {  	s31 =	simm.s32 $0x5880;
	[sflag:s7] =	ssyncadd.s32 $0xFFFFC400  }
0x103: {  	[spmem:s3] =	stream.indirect.scatter.add.f32 [tilespmem:s6], [sflag:$0x3], $0x80, s31, s2, $0xb8;
	[tilespmem:$0x19080] =	vst v63  }
0x104: {  	_ =	swait.ge [sflag:s7], $0x3C00  }
0x105: {  	s28 =	simm.s32 $0x800;
	s26 =	simm.s32 $0x100;
	[sflag:s7] =	ssyncset.done $0x0  }
.LBB2_10:
0x106: {  	s29 =	sadd.s32 $0x5800, s26  }
0x107: {  	[sflag:s7] =	ssyncadd.s32 $0xFFFFC400;
	s30 =	smov.u32 s28;
	s31 =	sadd.s32 $0x400, s28  }
0x108: {  	[spmem:s3] =	stream.indirect.scatter.add.f32 [tilespmem:s6], [sflag:$0x3], $0x80, s29, s2, $0xb8;
	[tilespmem:$0x19080] =	vst v63  }
0x109: {  	p1 =	seq.s32 s28, $0x15400;
	_ =	swait.ge [sflag:s7], $0x3C00  }
.Ltmp7:
0x10a: {  	[sflag:s7] =	ssyncset.done $0x0;
	(pc) =	sbr.rel @!p1 .LBB2_10-.Ltmp7, $4  }
0x10b: {  	s26 =	sadd.s32 $0x5880, s26;
	[sflag:s7] =	ssyncadd.s32 $0xFFFFC400  }
0x10c: {  	[spmem:s3] =	stream.indirect.scatter.add.f32 [tilespmem:s6], [sflag:$0x3], $0x80, s26, s2, $0xb8;
	[tilespmem:$0x19080] =	vst v63  }
0x10d: {  	_ =	swait.ge [sflag:s7], $0x3C00  }
0x10e: {  	s28 =	smov.u32 s31;
	s26 =	sshra.s32 s30, $0x2;
	[sflag:s7] =	ssyncset.done $0x0  }
0x10f: {  	s28 =	sadd.s32 $0x5800, s26;
	[sflag:s7] =	ssyncadd.s32 $0xFFFFC400  }
0x110: {  	[spmem:s3] =	stream.indirect.scatter.add.f32 [tilespmem:s6], [sflag:$0x3], $0x80, s28, s2, $0xb8;
	[tilespmem:$0x19080] =	vst v63  }
0x111: {  	_ =	swait.ge [sflag:s7], $0x3C00  }
0x112: {  	[sflag:s7] =	ssyncset.done $0x0  }
.Ltmp8:
0x113: {  	s29 =	sadd.s32 $0x5880, s26;
	[sflag:s7] =	ssyncadd.s32 $0xFFFFC400;
	(pc) =	sbr.rel .LBB2_15-.Ltmp8, $4  }
0x114: {  	[spmem:s3] =	stream.indirect.scatter.add.f32 [tilespmem:s6], [sflag:$0x3], $0x80, s29, s2, $0xb8;
	[tilespmem:$0x19080] =	vst v63  }
0x115: {  	_ =	swait.ge [sflag:s7], $0x3C00  }
0x116: {  	[sflag:s7] =	ssyncset.done $0x0;
	s31 =	rddreg [dreg:$0x4]  }
0x117: {  	s30 =	rddreg [dreg:$0xf];
	[sflag:s7] =	ssyncadd.s32 $0xFFFFC400  }
.LBB2_12:
0x118: {  	_ =	swait.ge [sflag:s21], $0x3C00  }
0x119: {  	[sflag:s21] =	ssyncset.done $0x0  }
0x11a: {  	s26 =	simm.s32 $0x5800;
	[sflag:s21] =	ssyncadd.s32 $0xFFFFC400  }
0x11b: {  	[spmem:s3] =	stream.indirect.scatter.add.f32 [tilespmem:s6], [sflag:$0x3], $0x80, s26, s2, $0xb8;
	[tilespmem:$0x19080] =	vst v63  }
0x11c: {  	_ =	swait.ge [sflag:s7], $0x3C00  }
0x11d: {  	[sflag:s7] =	ssyncset.done $0x0  }
0x11e: {  	s29 =	simm.s32 $0x100;
	[sflag:s7] =	ssyncadd.s32 $0xFFFFC400  }
0x11f: {  	[tilespmem:s6], [sflag:$0x1] =	stream.indirect.gather [hbm4b:s1+s2], $0x80, s29, s2, $0xb8;
	[tilespmem:$0x19080] =	vst v63  }
0x120: {  	_ =	swait.ge [sflag:s22], $0x3C00  }
0x121: {  	[sflag:s22] =	ssyncset.done $0x0  }
0x122: {  	s29 =	simm.s32 $0x5880;
	[sflag:s22] =	ssyncadd.s32 $0xFFFFC400  }
0x123: {  	[spmem:s3] =	stream.indirect.scatter.add.f32 [tilespmem:s23], [sflag:$0x3], $0x80, s29, s2, $0xb8;
	[tilespmem:$0x19080] =	vst v63  }
0x124: {  	_ =	swait.ge [sflag:s7], $0x3C00  }
0x125: {  	[sflag:s7] =	ssyncset.done $0x0  }
0x126: {  	s28 =	simm.s32 $0x180;
	s26 =	simm.s32 $0x400;
	[sflag:s7] =	ssyncadd.s32 $0xFFFFC400  }
.LBB2_13:
0x127: {  	[tilespmem:s23], [sflag:$0x2] =	stream.indirect.gather [hbm4b:s1+s2], $0x80, s28, s2, $0xb8;
	[tilespmem:$0x19080] =	vst v63  }
0x128: {  	s28 =	smov.u32 s26  }
0x129: {  	p1 =	sne.s32 s26, $0x15000;
	s26 =	sadd.s32 $0x400, s26;
	_ =	swait.ge [sflag:s21], $0x3C00  }
0x12a: {  	s28 =	sshra.s32 s28, $0x2;
	[sflag:s21] =	ssyncset.done $0x0  }
0x12b: {  	s29 =	sadd.s32 $0x5800, s28;
	[sflag:s21] =	ssyncadd.s32 $0xFFFFC400  }
0x12c: {  	[spmem:s3] =	stream.indirect.scatter.add.f32 [tilespmem:s6], [sflag:$0x3], $0x80, s29, s2, $0xb8;
	[tilespmem:$0x19080] =	vst v63  }
0x12d: {  	_ =	swait.ge [sflag:s7], $0x3C00  }
0x12e: {  	[sflag:s7] =	ssyncset.done $0x0  }
0x12f: {  	s29 =	sadd.s32 $0x100, s28;
	[sflag:s7] =	ssyncadd.s32 $0xFFFFC400  }
0x130: {  	[tilespmem:s6], [sflag:$0x1] =	stream.indirect.gather [hbm4b:s1+s2], $0x80, s29, s2, $0xb8;
	[tilespmem:$0x19080] =	vst v63  }
0x131: {  	_ =	swait.ge [sflag:s22], $0x3C00  }
0x132: {  	[sflag:s22] =	ssyncset.done $0x0  }
.Ltmp9:
0x133: {  	s29 =	sadd.s32 $0x5880, s28;
	[sflag:s22] =	ssyncadd.s32 $0xFFFFC400;
	(pc) =	sbr.rel @p1 .LBB2_13-.Ltmp9, $4  }
0x134: {  	[spmem:s3] =	stream.indirect.scatter.add.f32 [tilespmem:s23], [sflag:$0x3], $0x80, s29, s2, $0xb8;
	[tilespmem:$0x19080] =	vst v63  }
0x135: {  	_ =	swait.ge [sflag:s7], $0x3C00  }
0x136: {  	[sflag:s7] =	ssyncset.done $0x0  }
0x137: {  	s28 =	sadd.s32 $0x180, s28;
	[sflag:s7] =	ssyncadd.s32 $0xFFFFC400  }
0x138: {  	[tilespmem:s23], [sflag:$0x2] =	stream.indirect.gather [hbm4b:s1+s2], $0x80, s28, s2, $0xb8;
	[tilespmem:$0x19080] =	vst v63  }
0x139: {  	_ =	swait.ge [sflag:s21], $0x3C00  }
0x13a: {  	[sflag:s21] =	ssyncset.done $0x0  }
0x13b: {  	s26 =	simm.s32 $0xAD00;
	[sflag:s21] =	ssyncadd.s32 $0xFFFFC400  }
0x13c: {  	[spmem:s3] =	stream.indirect.scatter.add.f32 [tilespmem:s6], [sflag:$0x3], $0x80, s26, s2, $0xb8;
	[tilespmem:$0x19080] =	vst v63  }
0x13d: {  	_ =	swait.ge [sflag:s7], $0x3C00  }
0x13e: {  	[sflag:s7] =	ssyncset.done $0x0  }
0x13f: {  	[sflag:s7] =	ssyncadd.s32 $0xFFFFC400  }
0x140: {  	[tilespmem:s6], [sflag:$0x1] =	stream.indirect.gather [hbm4b:s1+s2], $0x80, s4, s2, $0xb8;
	[tilespmem:$0x19080] =	vst v63  }
0x141: {  	_ =	swait.ge [sflag:s22], $0x3C00  }
0x142: {  	[sflag:s22] =	ssyncset.done $0x0  }
0x143: {  	s28 =	simm.s32 $0xAD80;
	[sflag:s22] =	ssyncadd.s32 $0xFFFFC400  }
0x144: {  	[spmem:s3] =	stream.indirect.scatter.add.f32 [tilespmem:s23], [sflag:$0x3], $0x80, s28, s2, $0xb8;
	[tilespmem:$0x19080] =	vst v63  }
0x145: {  	_ =	swait.ge [sflag:s7], $0x3C00  }
0x146: {  	[sflag:s7] =	ssyncset.done $0x0  }
0x147: {  	s29 =	simm.s32 $0x80;
	[sflag:s7] =	ssyncadd.s32 $0xFFFFC400  }
0x148: {  	[tilespmem:s23], [sflag:$0x2] =	stream.indirect.gather [hbm4b:s1+s2], $0x80, s29, s2, $0xb8;
	[tilespmem:$0x19080] =	vst v63  }
.LBB2_15:
0x149: {  	[bflag:$0x0] =	sbarrier.arrive $0xFFFF  }
0x14a: {  	[tilespmem:s5], [sflag:$0x3] =	stream.linear.gather [spmem:s8], $0x800, $0x38;
	[tilespmem:$0x19080] =	vst v63  }
0x14b: {  	_ =	swait.ge [sflag:s7], $0x800  }
0x14c: {  	[sflag:s7] =	ssyncset.done $0x0  }
0x14d: {  	s28 =	sadd.s32 s31, s13;
	s26 =	simm.s32 $0x0;
	[sflag:s7] =	ssyncadd.s32 $0xFFFFF800  }
0x14e: {  	[hbm4b:s28+s26] =	stream.linear.scatter [tilespmem:s5], [sflag:$0x3], $0x800, $0x38;
	[tilespmem:$0x19080] =	vst v63  }
0x14f: {  	_ =	swait.ge [sflag:s7], $0x800  }
0x150: {  	[sflag:s7] =	ssyncset.done $0x0  }
0x151: {  	[sflag:s7] =	ssyncadd.s32 $0xFFFFF800  }
0x152: {  	[tilespmem:s5], [sflag:$0x3] =	stream.linear.gather [spmem:s9], $0x800, $0x38;
	[tilespmem:$0x19080] =	vst v63  }
0x153: {  	_ =	swait.ge [sflag:s7], $0x800  }
0x154: {  	[sflag:s7] =	ssyncset.done $0x0;
	s29 =	rddreg [dreg:$0x7]  }
0x155: {  	[sflag:s7] =	ssyncadd.s32 $0xFFFFF800;
	s28 =	sadd.s32 s29, s13  }
0x156: {  	[hbm4b:s28+s26] =	stream.linear.scatter [tilespmem:s5], [sflag:$0x3], $0x800, $0x38;
	[tilespmem:$0x19080] =	vst v63  }
0x157: {  	_ =	swait.ge [sflag:s7], $0x800  }
0x158: {  	[sflag:s7] =	ssyncset.done $0x0  }
0x159: {  	[sflag:s7] =	ssyncadd.s32 $0xFFFFF800  }
0x15a: {  	[tilespmem:s5], [sflag:$0x3] =	stream.linear.gather [spmem:s10], $0x800, $0x38;
	[tilespmem:$0x19080] =	vst v63  }
0x15b: {  	_ =	swait.ge [sflag:s7], $0x800  }
0x15c: {  	[sflag:s7] =	ssyncset.done $0x0;
	s29 =	rddreg [dreg:$0x8]  }
0x15d: {  	[sflag:s7] =	ssyncadd.s32 $0xFFFFF800;
	s28 =	sadd.s32 s29, s13  }
0x15e: {  	[hbm4b:s28+s26] =	stream.linear.scatter [tilespmem:s5], [sflag:$0x3], $0x800, $0x38;
	[tilespmem:$0x19080] =	vst v63  }
0x15f: {  	_ =	swait.ge [sflag:s7], $0x800  }
0x160: {  	[sflag:s7] =	ssyncset.done $0x0  }
0x161: {  	[sflag:s7] =	ssyncadd.s32 $0xFFFFF800  }
0x162: {  	[tilespmem:s5], [sflag:$0x3] =	stream.linear.gather [spmem:s11], $0x800, $0x38;
	[tilespmem:$0x19080] =	vst v63  }
0x163: {  	_ =	swait.ge [sflag:s7], $0x800  }
0x164: {  	[sflag:s7] =	ssyncset.done $0x0;
	s29 =	rddreg [dreg:$0x9]  }
0x165: {  	[sflag:s7] =	ssyncadd.s32 $0xFFFFF800;
	s28 =	sadd.s32 s29, s13  }
0x166: {  	[hbm4b:s28+s26] =	stream.linear.scatter [tilespmem:s5], [sflag:$0x3], $0x800, $0x38;
	[tilespmem:$0x19080] =	vst v63  }
0x167: {  	_ =	swait.ge [sflag:s7], $0x800  }
0x168: {  	[sflag:s7] =	ssyncset.done $0x0  }
0x169: {  	[sflag:s7] =	ssyncadd.s32 $0xFFFFF800  }
0x16a: {  	[tilespmem:s5], [sflag:$0x3] =	stream.linear.gather [spmem:s12], $0x800, $0x38;
	[tilespmem:$0x19080] =	vst v63  }
0x16b: {  	_ =	swait.ge [sflag:s7], $0x800  }
0x16c: {  	[sflag:s7] =	ssyncset.done $0x0;
	s29 =	rddreg [dreg:$0xa]  }
0x16d: {  	[sflag:s7] =	ssyncadd.s32 $0xFFFFF800;
	s28 =	sadd.s32 s29, s13  }
0x16e: {  	[hbm4b:s28+s26] =	stream.linear.scatter [tilespmem:s5], [sflag:$0x3], $0x800, $0x38;
	[tilespmem:$0x19080] =	vst v63  }
0x16f: {  	_ =	swait.ge [sflag:s7], $0x800  }
0x170: {  	[sflag:s7] =	ssyncset.done $0x0  }
0x171: {  	[sflag:s7] =	ssyncadd.s32 $0xFFFFF800  }
0x172: {  	[tilespmem:s5], [sflag:$0x3] =	stream.linear.gather [spmem:s15], $0x800, $0x38;
	[tilespmem:$0x19080] =	vst v63  }
0x173: {  	_ =	swait.ge [sflag:s7], $0x800  }
0x174: {  	[sflag:s7] =	ssyncset.done $0x0;
	s29 =	rddreg [dreg:$0xb]  }
0x175: {  	[sflag:s7] =	ssyncadd.s32 $0xFFFFF800;
	s28 =	sadd.s32 s29, s13  }
0x176: {  	[hbm4b:s28+s26] =	stream.linear.scatter [tilespmem:s5], [sflag:$0x3], $0x800, $0x38;
	[tilespmem:$0x19080] =	vst v63  }
0x177: {  	_ =	swait.ge [sflag:s7], $0x800  }
0x178: {  	[sflag:s7] =	ssyncset.done $0x0  }
0x179: {  	[sflag:s7] =	ssyncadd.s32 $0xFFFFF800  }
0x17a: {  	[tilespmem:s5], [sflag:$0x3] =	stream.linear.gather [spmem:s16], $0x800, $0x38;
	[tilespmem:$0x19080] =	vst v63  }
0x17b: {  	_ =	swait.ge [sflag:s7], $0x800  }
0x17c: {  	[sflag:s7] =	ssyncset.done $0x0;
	s29 =	rddreg [dreg:$0xc]  }
0x17d: {  	[sflag:s7] =	ssyncadd.s32 $0xFFFFF800;
	s28 =	sadd.s32 s29, s13  }
0x17e: {  	[hbm4b:s28+s26] =	stream.linear.scatter [tilespmem:s5], [sflag:$0x3], $0x800, $0x38;
	[tilespmem:$0x19080] =	vst v63  }
0x17f: {  	_ =	swait.ge [sflag:s7], $0x800  }
0x180: {  	[sflag:s7] =	ssyncset.done $0x0  }
0x181: {  	[sflag:s7] =	ssyncadd.s32 $0xFFFFF800  }
0x182: {  	[tilespmem:s5], [sflag:$0x3] =	stream.linear.gather [spmem:s17], $0x800, $0x38;
	[tilespmem:$0x19080] =	vst v63  }
0x183: {  	_ =	swait.ge [sflag:s7], $0x800  }
0x184: {  	[sflag:s7] =	ssyncset.done $0x0;
	s29 =	rddreg [dreg:$0xd]  }
0x185: {  	[sflag:s7] =	ssyncadd.s32 $0xFFFFF800;
	s28 =	sadd.s32 s29, s13  }
0x186: {  	[hbm4b:s28+s26] =	stream.linear.scatter [tilespmem:s5], [sflag:$0x3], $0x800, $0x38;
	[tilespmem:$0x19080] =	vst v63  }
0x187: {  	_ =	swait.ge [sflag:s7], $0x800  }
0x188: {  	[sflag:s7] =	ssyncset.done $0x0  }
0x189: {  	[sflag:s7] =	ssyncadd.s32 $0xFFFFF800  }
0x18a: {  	[tilespmem:s5], [sflag:$0x3] =	stream.linear.gather [spmem:s18], $0x800, $0x38;
	[tilespmem:$0x19080] =	vst v63  }
0x18b: {  	_ =	swait.ge [sflag:s7], $0x800  }
0x18c: {  	[sflag:s7] =	ssyncset.done $0x0;
	s29 =	rddreg [dreg:$0xe]  }
0x18d: {  	[sflag:s7] =	ssyncadd.s32 $0xFFFFF800;
	s28 =	sadd.s32 s29, s13  }
0x18e: {  	[hbm4b:s28+s26] =	stream.linear.scatter [tilespmem:s5], [sflag:$0x3], $0x800, $0x38;
	[tilespmem:$0x19080] =	vst v63  }
0x18f: {  	_ =	swait.ge [sflag:s7], $0x800  }
0x190: {  	[sflag:s7] =	ssyncset.done $0x0  }
0x191: {  	[sflag:s7] =	ssyncadd.s32 $0xFFFFF800  }
0x192: {  	[tilespmem:s5], [sflag:$0x3] =	stream.linear.gather [spmem:s19], $0x800, $0x38;
	[tilespmem:$0x19080] =	vst v63  }
0x193: {  	_ =	swait.ge [sflag:s7], $0x800  }
0x194: {  	[sflag:s7] =	ssyncset.done $0x0  }
0x195: {  	s29 =	sadd.s32 s30, s13;
	[sflag:s7] =	ssyncadd.s32 $0xFFFFF800  }
0x196: {  	[hbm4b:s29+s26] =	stream.linear.scatter [tilespmem:s5], [sflag:$0x3], $0x800, $0x38;
	[tilespmem:$0x19080] =	vst v63  }
0x197: {  	_ =	swait.ge [sflag:s7], $0x800  }
0x198: {  	[sflag:s7] =	ssyncset.done $0x0  }
0x199: {  	[sflag:s7] =	ssyncadd.s32 $0xFFFFF800  }
0x19a: {  	[tilespmem:s5], [sflag:$0x3] =	stream.linear.gather [spmem:s20], $0x800, $0x38;
	[tilespmem:$0x19080] =	vst v63  }
0x19b: {  	_ =	swait.ge [sflag:s7], $0x800  }
0x19c: {  	[sflag:s7] =	ssyncset.done $0x0;
	s29 =	rddreg [dreg:$0x10]  }
0x19d: {  	[sflag:s7] =	ssyncadd.s32 $0xFFFFF800;
	s28 =	sadd.s32 s29, s13  }
0x19e: {  	[hbm4b:s28+s26] =	stream.linear.scatter [tilespmem:s5], [sflag:$0x3], $0x800, $0x38;
	[tilespmem:$0x19080] =	vst v63  }
0x19f: {  	_ =	swait.ge [sflag:s7], $0x800  }
0x1a0: {  	[sflag:s7] =	ssyncset.done $0x0  }
0x1a1: {  	[sflag:s7] =	ssyncadd.s32 $0xFFFFF800  }
0x1a2: {  	[bflag:$0x0] =	sbarrier.arrive $0xFFFF  }
0x1a3: {  	s29 =	simm.s32 $0x5800;
	s28 =	rddreg [dreg:$0x13]  }
0x1a4: {  	[tilespmem:s29], [sflag:$0x3] =	stream.linear.gather [hbm4b:s28+s26], $0x5600, $0x38;
	[tilespmem:$0x19080] =	vst v63  }
0x1a5: {  	_ =	swait.ge [sflag:s7], $0x5600  }
0x1a6: {  	[sflag:s7] =	ssyncset.done $0x0  }
0x1a7: {  	[sflag:s7] =	ssyncadd.s32 $0xFFFFAA00  }
0x1a8: {  	[spmem:s8] =	stream.linear.scatter [tilespmem:s0], [sflag:$0x3], $0x800, $0x38;
	[tilespmem:$0x19080] =	vst v63  }
0x1a9: {  	_ =	swait.ge [sflag:s7], $0x800  }
0x1aa: {  	[sflag:s7] =	ssyncset.done $0x0  }
0x1ab: {  	[sflag:s7] =	ssyncadd.s32 $0xFFFFF800  }
0x1ac: {  	[spmem:s9] =	stream.linear.scatter [tilespmem:s0], [sflag:$0x3], $0x800, $0x38;
	[tilespmem:$0x19080] =	vst v63  }
0x1ad: {  	_ =	swait.ge [sflag:s7], $0x800  }
0x1ae: {  	[sflag:s7] =	ssyncset.done $0x0  }
0x1af: {  	[sflag:s7] =	ssyncadd.s32 $0xFFFFF800  }
0x1b0: {  	[spmem:s10] =	stream.linear.scatter [tilespmem:s0], [sflag:$0x3], $0x800, $0x38;
	[tilespmem:$0x19080] =	vst v63  }
0x1b1: {  	_ =	swait.ge [sflag:s7], $0x800  }
0x1b2: {  	[sflag:s7] =	ssyncset.done $0x0  }
0x1b3: {  	[sflag:s7] =	ssyncadd.s32 $0xFFFFF800  }
0x1b4: {  	[spmem:s11] =	stream.linear.scatter [tilespmem:s0], [sflag:$0x3], $0x800, $0x38;
	[tilespmem:$0x19080] =	vst v63  }
0x1b5: {  	_ =	swait.ge [sflag:s7], $0x800  }
0x1b6: {  	[sflag:s7] =	ssyncset.done $0x0  }
0x1b7: {  	[sflag:s7] =	ssyncadd.s32 $0xFFFFF800  }
0x1b8: {  	[spmem:s12] =	stream.linear.scatter [tilespmem:s0], [sflag:$0x3], $0x800, $0x38;
	[tilespmem:$0x19080] =	vst v63  }
0x1b9: {  	_ =	swait.ge [sflag:s7], $0x800  }
0x1ba: {  	[sflag:s7] =	ssyncset.done $0x0  }
0x1bb: {  	[sflag:s7] =	ssyncadd.s32 $0xFFFFF800  }
0x1bc: {  	[spmem:s15] =	stream.linear.scatter [tilespmem:s0], [sflag:$0x3], $0x800, $0x38;
	[tilespmem:$0x19080] =	vst v63  }
0x1bd: {  	_ =	swait.ge [sflag:s7], $0x800  }
0x1be: {  	[sflag:s7] =	ssyncset.done $0x0  }
0x1bf: {  	[sflag:s7] =	ssyncadd.s32 $0xFFFFF800  }
0x1c0: {  	[spmem:s16] =	stream.linear.scatter [tilespmem:s0], [sflag:$0x3], $0x800, $0x38;
	[tilespmem:$0x19080] =	vst v63  }
0x1c1: {  	_ =	swait.ge [sflag:s7], $0x800  }
0x1c2: {  	[sflag:s7] =	ssyncset.done $0x0  }
0x1c3: {  	[sflag:s7] =	ssyncadd.s32 $0xFFFFF800  }
0x1c4: {  	[spmem:s17] =	stream.linear.scatter [tilespmem:s0], [sflag:$0x3], $0x800, $0x38;
	[tilespmem:$0x19080] =	vst v63  }
0x1c5: {  	_ =	swait.ge [sflag:s7], $0x800  }
0x1c6: {  	[sflag:s7] =	ssyncset.done $0x0  }
0x1c7: {  	[sflag:s7] =	ssyncadd.s32 $0xFFFFF800  }
0x1c8: {  	[spmem:s18] =	stream.linear.scatter [tilespmem:s0], [sflag:$0x3], $0x800, $0x38;
	[tilespmem:$0x19080] =	vst v63  }
0x1c9: {  	_ =	swait.ge [sflag:s7], $0x800  }
0x1ca: {  	[sflag:s7] =	ssyncset.done $0x0  }
0x1cb: {  	[sflag:s7] =	ssyncadd.s32 $0xFFFFF800  }
0x1cc: {  	[spmem:s19] =	stream.linear.scatter [tilespmem:s0], [sflag:$0x3], $0x800, $0x38;
	[tilespmem:$0x19080] =	vst v63  }
0x1cd: {  	_ =	swait.ge [sflag:s7], $0x800  }
0x1ce: {  	[sflag:s7] =	ssyncset.done $0x0  }
0x1cf: {  	[sflag:s7] =	ssyncadd.s32 $0xFFFFF800  }
0x1d0: {  	[spmem:s20] =	stream.linear.scatter [tilespmem:s0], [sflag:$0x3], $0x800, $0x38;
	[tilespmem:$0x19080] =	vst v63  }
.Ltmp10:
0x1d1: {  	_ =	swait.ge [sflag:s7], $0x800;
	(pc) =	sbr.rel @p0 .LBB2_19-.Ltmp10, $3  }
0x1d2: {  	[sflag:s7] =	ssyncset.done $0x0  }
0x1d3: {  	[sflag:s7] =	ssyncadd.s32 $0xFFFFF800  }
0x1d4: {  	[bflag:$0x0] =	sbarrier.arrive $0xFFFF;
	_ =	sdelay $0x1  }
0x1d5: {  	s26 =	simm.s32 $0x5800  }
0x1d6: {  	[spmem:s3] =	stream.indirect.scatter.add.f32 [tilespmem:s6], [sflag:$0x3], $0x80, s26, s2, $0xb8;
	[tilespmem:$0x19080] =	vst v63  }
0x1d7: {  	_ =	swait.ge [sflag:s7], $0x3C00  }
0x1d8: {  	[sflag:s7] =	ssyncset.done $0x0  }
0x1d9: {  	s31 =	simm.s32 $0x5880;
	[sflag:s7] =	ssyncadd.s32 $0xFFFFC400  }
0x1da: {  	[spmem:s3] =	stream.indirect.scatter.add.f32 [tilespmem:s6], [sflag:$0x3], $0x80, s31, s2, $0xb8;
	[tilespmem:$0x19080] =	vst v63  }
0x1db: {  	_ =	swait.ge [sflag:s7], $0x3C00  }
0x1dc: {  	s28 =	simm.s32 $0x800;
	s26 =	simm.s32 $0x100;
	[sflag:s7] =	ssyncset.done $0x0  }
.LBB2_17:
0x1dd: {  	s29 =	sadd.s32 $0x5800, s26  }
0x1de: {  	[sflag:s7] =	ssyncadd.s32 $0xFFFFC400;
	s30 =	smov.u32 s28;
	s31 =	sadd.s32 $0x400, s28  }
0x1df: {  	[spmem:s3] =	stream.indirect.scatter.add.f32 [tilespmem:s6], [sflag:$0x3], $0x80, s29, s2, $0xb8;
	[tilespmem:$0x19080] =	vst v63  }
0x1e0: {  	p0 =	seq.s32 s28, $0x15400;
	_ =	swait.ge [sflag:s7], $0x3C00  }
.Ltmp11:
0x1e1: {  	[sflag:s7] =	ssyncset.done $0x0;
	(pc) =	sbr.rel @!p0 .LBB2_17-.Ltmp11, $4  }
0x1e2: {  	s26 =	sadd.s32 $0x5880, s26;
	[sflag:s7] =	ssyncadd.s32 $0xFFFFC400  }
0x1e3: {  	[spmem:s3] =	stream.indirect.scatter.add.f32 [tilespmem:s6], [sflag:$0x3], $0x80, s26, s2, $0xb8;
	[tilespmem:$0x19080] =	vst v63  }
0x1e4: {  	_ =	swait.ge [sflag:s7], $0x3C00  }
0x1e5: {  	s28 =	smov.u32 s31;
	s26 =	sshra.s32 s30, $0x2;
	[sflag:s7] =	ssyncset.done $0x0  }
0x1e6: {  	s28 =	sadd.s32 $0x5800, s26;
	[sflag:s7] =	ssyncadd.s32 $0xFFFFC400  }
0x1e7: {  	[spmem:s3] =	stream.indirect.scatter.add.f32 [tilespmem:s6], [sflag:$0x3], $0x80, s28, s2, $0xb8;
	[tilespmem:$0x19080] =	vst v63  }
0x1e8: {  	_ =	swait.ge [sflag:s7], $0x3C00  }
0x1e9: {  	[sflag:s7] =	ssyncset.done $0x0  }
.Ltmp12:
0x1ea: {  	s29 =	sadd.s32 $0x5880, s26;
	[sflag:s7] =	ssyncadd.s32 $0xFFFFC400;
	(pc) =	sbr.rel .LBB2_22-.Ltmp12, $4  }
0x1eb: {  	[spmem:s3] =	stream.indirect.scatter.add.f32 [tilespmem:s6], [sflag:$0x3], $0x80, s29, s2, $0xb8;
	[tilespmem:$0x19080] =	vst v63  }
0x1ec: {  	_ =	swait.ge [sflag:s7], $0x3C00  }
0x1ed: {  	[sflag:s7] =	ssyncset.done $0x0;
	s31 =	rddreg [dreg:$0x4]  }
0x1ee: {  	s30 =	rddreg [dreg:$0xf];
	[sflag:s7] =	ssyncadd.s32 $0xFFFFC400  }
.LBB2_19:
0x1ef: {  	_ =	swait.ge [sflag:s21], $0x3C00  }
0x1f0: {  	[sflag:s21] =	ssyncset.done $0x0  }
0x1f1: {  	s26 =	simm.s32 $0x5800;
	[sflag:s21] =	ssyncadd.s32 $0xFFFFC400  }
0x1f2: {  	[spmem:s3] =	stream.indirect.scatter.add.f32 [tilespmem:s6], [sflag:$0x3], $0x80, s26, s2, $0xb8;
	[tilespmem:$0x19080] =	vst v63  }
0x1f3: {  	_ =	swait.ge [sflag:s7], $0x3C00  }
0x1f4: {  	[sflag:s7] =	ssyncset.done $0x0  }
0x1f5: {  	s29 =	simm.s32 $0x100;
	[sflag:s7] =	ssyncadd.s32 $0xFFFFC400  }
0x1f6: {  	[tilespmem:s6], [sflag:$0x1] =	stream.indirect.gather [hbm4b:s1+s2], $0x80, s29, s2, $0xb8;
	[tilespmem:$0x19080] =	vst v63  }
0x1f7: {  	_ =	swait.ge [sflag:s22], $0x3C00  }
0x1f8: {  	[sflag:s22] =	ssyncset.done $0x0  }
0x1f9: {  	s29 =	simm.s32 $0x5880;
	[sflag:s22] =	ssyncadd.s32 $0xFFFFC400  }
0x1fa: {  	[spmem:s3] =	stream.indirect.scatter.add.f32 [tilespmem:s23], [sflag:$0x3], $0x80, s29, s2, $0xb8;
	[tilespmem:$0x19080] =	vst v63  }
0x1fb: {  	_ =	swait.ge [sflag:s7], $0x3C00  }
0x1fc: {  	[sflag:s7] =	ssyncset.done $0x0  }
0x1fd: {  	s28 =	simm.s32 $0x180;
	s26 =	simm.s32 $0x400;
	[sflag:s7] =	ssyncadd.s32 $0xFFFFC400  }
.LBB2_20:
0x1fe: {  	[tilespmem:s23], [sflag:$0x2] =	stream.indirect.gather [hbm4b:s1+s2], $0x80, s28, s2, $0xb8;
	[tilespmem:$0x19080] =	vst v63  }
0x1ff: {  	s28 =	smov.u32 s26  }
0x200: {  	p0 =	sne.s32 s26, $0x15000;
	s26 =	sadd.s32 $0x400, s26;
	_ =	swait.ge [sflag:s21], $0x3C00  }
0x201: {  	s28 =	sshra.s32 s28, $0x2;
	[sflag:s21] =	ssyncset.done $0x0  }
0x202: {  	s29 =	sadd.s32 $0x5800, s28;
	[sflag:s21] =	ssyncadd.s32 $0xFFFFC400  }
0x203: {  	[spmem:s3] =	stream.indirect.scatter.add.f32 [tilespmem:s6], [sflag:$0x3], $0x80, s29, s2, $0xb8;
	[tilespmem:$0x19080] =	vst v63  }
0x204: {  	_ =	swait.ge [sflag:s7], $0x3C00  }
0x205: {  	[sflag:s7] =	ssyncset.done $0x0  }
0x206: {  	s29 =	sadd.s32 $0x100, s28;
	[sflag:s7] =	ssyncadd.s32 $0xFFFFC400  }
0x207: {  	[tilespmem:s6], [sflag:$0x1] =	stream.indirect.gather [hbm4b:s1+s2], $0x80, s29, s2, $0xb8;
	[tilespmem:$0x19080] =	vst v63  }
0x208: {  	_ =	swait.ge [sflag:s22], $0x3C00  }
0x209: {  	[sflag:s22] =	ssyncset.done $0x0  }
.Ltmp13:
0x20a: {  	s29 =	sadd.s32 $0x5880, s28;
	[sflag:s22] =	ssyncadd.s32 $0xFFFFC400;
	(pc) =	sbr.rel @p0 .LBB2_20-.Ltmp13, $4  }
0x20b: {  	[spmem:s3] =	stream.indirect.scatter.add.f32 [tilespmem:s23], [sflag:$0x3], $0x80, s29, s2, $0xb8;
	[tilespmem:$0x19080] =	vst v63  }
0x20c: {  	_ =	swait.ge [sflag:s7], $0x3C00  }
0x20d: {  	[sflag:s7] =	ssyncset.done $0x0  }
0x20e: {  	s28 =	sadd.s32 $0x180, s28;
	[sflag:s7] =	ssyncadd.s32 $0xFFFFC400  }
.Ltmp14:
0x20f: {  	_ = 	snop;
	(pc) =	sbr.rel .LBB2_21-.Ltmp14, $1  }
0x210: {  	_ =	sdelay $0x3  }
.LBB2_23:
0x211: {  	_ =	sfence.sel $0x180000  }
0x212: {  	[bflag:$0x0] =	sbarrier.arrive $0xFFFF  }
0x213: {  	_ =	strace $0x90000047  }
0x214: {  	s0 =	stileid.u32;
	[bflag:$0x2] =	sbarrier.arrive $0xFFFF  }
0x215: {  	p0 =	sne.s32 s0, $0x0;
	s0 =	rddreg [dreg:$0x3]  }
0x216: {  	s0 =	sadd.s32 @!p0 $0x100000, s0  }
0x217: {  	[sflag:s0] =	ssyncadd.tile.s32 @!p0 $0x1;
	_ =	shalt  }
.Lfunc_end2:
_tile_overlayer_lowered:
.L_overlay_start_2:
0x218: {  	(tag) =	ssettag $0x2  }
0x219: {  	s0 =	rddreg [dreg:$0x0];
	s2 =	stileid.u32  }
0x21a: {  	s1 =	rddreg [dreg:$0x1];
	p0 =	sne.s32 s2, $0x0  }
0x21b: {  	s3 =	rddreg [dreg:$0x2];
	[bflag:$0x3] =	sbarrier.arrive $0xFFFF;
	s2 =	simm.s32 @!p0 $0x1C03  }
0x21c: {  	[timem:s3], [sflag:s2] =	dma.local @!p0 [hbm:s0], s1  }
0x21d: {  	s0 =	simm.s32 @!p0 $0x3  }
0x21e: {  	_ =	swait.ge @!p0 [sflag:s0], s1  }
0x21f: {  	s1 =	ssub.s32 @!p0 $0x0, s1;
	[sflag:s0] =	ssyncset.done @!p0 $0x0  }
0x220: {  	[sflag:s0] =	ssyncadd.s32 @!p0 s1  }
0x221: {  	[bflag:$0x3] =	sbarrier.arrive $0xFFFF  }
0x222: {  	_ =	shalt  }

</sc_bundles>
